<compile_context>
chip_gen: v7x
topology: tpu7x:2x2x1
jax: 0.10.2.dev20260603
libtpu: 0.0.44.dev20260713+nightly
codegen_flags: <defaults>
</compile_context>

<pallas_src>
import functools

import jax
import jax.numpy as jnp
from jax import lax
from jax.experimental import pallas as pl
from jax.experimental.pallas import tpu as pltpu
from jax.experimental.pallas import tpu_sc as plsc

N = 10000
D = 16
LANES = 16
NC = 2
NS = 16
NW = NC * NS
CHUNK = 128

NP2 = 10240
DEG_SLAB2 = NP2 // NS
DIS_SLAB = NP2 // NW

NT_AGG = 10016
AGG_ZSLAB = NT_AGG // NS
AGG_WSLAB = N // NS

_MESH = plsc.VectorSubcoreMesh(
    core_axis_name="c", subcore_axis_name="s", num_cores=NC, num_subcores=NS
)
_SC_PARAMS = pltpu.CompilerParams(
    use_tc_tiling_on_sc=False, needs_layout_passes=False
)



def _deg_body(cpw2, dst_hbm, dis_hbm, dst_v, ones_v, zer_v, dis_loc, deg_sh,
              s0, s1, s2, s3, si):
    c = lax.axis_index("c")
    s = lax.axis_index("s")

    cp_idx = pltpu.make_async_copy(dst_hbm.at[s], dst_v, si)
    cp_idx.start()

    for i in range(CHUNK // LANES):
        ones_v[pl.ds(i * LANES, LANES)] = jnp.full((LANES,), 1.0, jnp.float32)

    def zfill(i, carry):
        zer_v[pl.ds(i * LANES, LANES)] = jnp.zeros((LANES,), jnp.float32)
        return carry

    lax.fori_loop(0, DEG_SLAB2 // LANES, zfill, 0)
    pltpu.sync_copy(zer_v, deg_sh.at[pl.ds(s * DEG_SLAB2, DEG_SLAB2)])
    cp_idx.wait()
    plsc.subcore_barrier()

    def sc_start(j, sem):
        pltpu.make_async_copy(ones_v, deg_sh.at[dst_v.at[j]], sem).start(add=True)

    def sc_wait(sem):
        pltpu.make_async_copy(ones_v, deg_sh.at[dst_v.at[0]], sem).wait()

    dsems = (s0, s1, s2, s3)
    for b in range(4):
        sc_start(b, dsems[b])

    def body(i, carry):
        j = 4 * i + 4
        for b in range(4):
            sc_wait(dsems[b])
            sc_start(j + b, dsems[b])
        return carry

    lax.fori_loop(0, (cpw2 - 4) // 4, body, 0)
    for b in range(4):
        sc_wait(dsems[b])
    plsc.subcore_barrier()

    base = (c * NS + s) * DIS_SLAB
    pltpu.sync_copy(deg_sh.at[pl.ds(base, DIS_SLAB)], dis_loc)

    def newton(i, carry):
        d = dis_loc[pl.ds(i * LANES, LANES)] + 1.0
        h = d * 0.5
        ib = plsc.bitcast(d, jnp.int32)
        ib = 0x5F3759DF - lax.shift_right_logical(ib, 1)
        y = plsc.bitcast(ib, jnp.float32)
        y = y * (1.5 - h * y * y)
        y = y * (1.5 - h * y * y)
        y = y * (1.5 - h * y * y)
        dis_loc[pl.ds(i * LANES, LANES)] = y
        return carry

    lax.fori_loop(0, DIS_SLAB // LANES, newton, 0)
    pltpu.sync_copy(dis_loc, dis_hbm.at[pl.ds(base, DIS_SLAB)])


def _sc_deg(dst_deg, cpw2):
    body = functools.partial(_deg_body, cpw2)
    return pl.kernel(
        body,
        out_type=jax.ShapeDtypeStruct((NP2,), jnp.float32),
        mesh=_MESH,
        compiler_params=_SC_PARAMS,
        scratch_types=[
            pltpu.VMEM((cpw2, CHUNK), jnp.int32),
            pltpu.VMEM((CHUNK,), jnp.float32),
            pltpu.VMEM((DEG_SLAB2,), jnp.float32),
            pltpu.VMEM((DIS_SLAB,), jnp.float32),
            pltpu.VMEM_SHARED((NP2,), jnp.float32),
            pltpu.SemaphoreType.DMA,
            pltpu.SemaphoreType.DMA,
            pltpu.SemaphoreType.DMA,
            pltpu.SemaphoreType.DMA,
            pltpu.SemaphoreType.DMA,
        ],
    )(dst_deg)



NBUF = 8
PF = NBUF // 2


def _agg_body(cpw, src_hbm, dst_hbm, t_hbm, out_hbm, src_v, dst_v,
              *scr):
    rows = scr[:NBUF]
    zer_v = scr[NBUF]
    agg_sh = scr[NBUF + 1]
    sg = scr[NBUF + 2:2 * NBUF + 2]
    ss = scr[2 * NBUF + 2:3 * NBUF + 2]
    si0, si1 = scr[3 * NBUF + 2:]
    c = lax.axis_index("c")
    s = lax.axis_index("s")
    wid = c * NS + s

    cp_src = pltpu.make_async_copy(src_hbm.at[wid], src_v, si0)
    cp_src.start()
    cp_dst = pltpu.make_async_copy(dst_hbm.at[wid], dst_v, si1)
    cp_dst.start()

    def zfill(i, carry):
        zer_v[i] = jnp.zeros((LANES,), jnp.float32)
        return carry

    lax.fori_loop(0, AGG_ZSLAB, zfill, 0)
    pltpu.sync_copy(zer_v, agg_sh.at[pl.ds(s * AGG_ZSLAB, AGG_ZSLAB)])
    cp_src.wait()
    cp_dst.wait()
    plsc.subcore_barrier()

    def g_start(j, b):
        pltpu.make_async_copy(t_hbm.at[src_v.at[j]], rows[b], sg[b]).start()

    def slot(j, b, first):
        pltpu.make_async_copy(t_hbm.at[src_v.at[j]], rows[b], sg[b]).wait()
        pltpu.make_async_copy(rows[b], agg_sh.at[dst_v.at[j]], ss[b]).start(
            add=True)
        b2 = (b + PF) % NBUF
        if not first:
            pltpu.make_async_copy(rows[b2], agg_sh.at[dst_v.at[j]], ss[b2]).wait()
        g_start(jnp.minimum(j + PF, cpw - 1), b2)

    for b in range(PF):
        g_start(b, b)
    for b in range(PF):
        slot(b, b, True)

    def body(k, carry):
        j0 = PF + NBUF * k
        for i in range(NBUF):
            slot(j0 + i, (PF + i) % NBUF, False)
        return carry

    lax.fori_loop(0, (cpw - 2 * PF) // NBUF, body, 0)
    for i in range(PF):
        slot(cpw - PF + i, (cpw - PF + i) % NBUF, False)
    for b in range(PF):
        pltpu.make_async_copy(t_hbm.at[src_v.at[0]], rows[b], sg[b]).wait()
    for i in range(PF):
        b = (cpw - PF + i) % NBUF
        pltpu.make_async_copy(rows[b], agg_sh.at[dst_v.at[0]], ss[b]).wait()
    plsc.subcore_barrier()

    pltpu.sync_copy(
        agg_sh.at[pl.ds(s * AGG_WSLAB, AGG_WSLAB)],
        out_hbm.at[c, pl.ds(s * AGG_WSLAB, AGG_WSLAB)],
    )


def _sc_agg(src3, dst3, t, cpw):
    body = functools.partial(_agg_body, cpw)
    return pl.kernel(
        body,
        out_type=jax.ShapeDtypeStruct((NC, N, D), jnp.float32),
        mesh=_MESH,
        compiler_params=_SC_PARAMS,
        scratch_types=(
            [pltpu.VMEM((cpw, CHUNK), jnp.int32)] * 2
            + [pltpu.VMEM((CHUNK, D), jnp.float32)] * NBUF
            + [pltpu.VMEM((AGG_ZSLAB, D), jnp.float32),
               pltpu.VMEM_SHARED((NT_AGG, D), jnp.float32)]
            + [pltpu.SemaphoreType.DMA] * (2 * NBUF + 2)
        ),
    )(src3, dst3, t)



def _t1_body(x_ref, w1_ref, dis_ref, t1_ref):
    xw = jnp.dot(x_ref[...], w1_ref[...], preferred_element_type=jnp.float32)
    t1_ref[...] = xw * dis_ref[...]


def _mid_body(t1_ref, p_ref, dis_ref, b1_ref, w2_ref, t2_ref):
    tot = t1_ref[...] + p_ref[0] + p_ref[1]
    h = jnp.maximum(tot * dis_ref[...] + b1_ref[...], 0.0)
    hw = jnp.dot(h, w2_ref[...], preferred_element_type=jnp.float32)
    t2_ref[...] = hw * dis_ref[...]


def _out_body(t2_ref, p_ref, dis_ref, b2_ref, o_ref):
    tot = t2_ref[...] + p_ref[0] + p_ref[1]
    o_ref[...] = tot * dis_ref[...] + b2_ref[...]


def _tc(body, out_shape, *args):
    return pl.pallas_call(
        body, out_shape=jax.ShapeDtypeStruct(out_shape, jnp.float32)
    )(*args)


def kernel(x, edge_index, W1, b1, W2, b2):
    E = edge_index.shape[1]
    cpw = -(-E // (NW * CHUNK))
    while cpw % NBUF != 0:
        cpw += 1
    epad = NW * cpw * CHUNK
    pad = epad - E
    pad_i = jnp.arange(pad, dtype=jnp.int32)
    src_flat = jnp.concatenate([edge_index[0], pad_i % N])
    dst_flat = jnp.concatenate([edge_index[1], N + pad_i % 16])
    src3 = src_flat.reshape(NW, cpw, CHUNK)
    dst3 = dst_flat.reshape(NW, cpw, CHUNK)
    dst_deg = dst_flat.reshape(NS, 2 * cpw, CHUNK)

    dis_full = _sc_deg(dst_deg, 2 * cpw)
    dis_col = dis_full[:N].reshape(N, 1)

    t1 = _tc(_t1_body, (N, D), x, W1, dis_col)
    a1 = _sc_agg(src3, dst3, t1, cpw)
    t2 = _tc(_mid_body, (N, D), t1, a1, dis_col,
             b1.reshape(1, D), W2)
    a2 = _sc_agg(src3, dst3, t2, cpw)
    out = _tc(_out_body, (N, D), t2, a2, dis_col, b2.reshape(1, D))
    return out

# --- scband reference (transcript-rebuilt; emitter-appended) ---
"""Pipeline reference for scband-gcn-16673063043610 (READ-ONLY COPY).

The authoritative reference and input builder live on the scoring server;
editing this copy changes nothing except your own understanding.
"""

import jax, jax.numpy as jnp
import numpy as np

N = 10000
E = 320000
D_IN = 128
D_HID = 16
D_OUT = 16


def setup_inputs(seed: int = 0) -> dict:
    key = jax.random.key(seed)
    k1, k2, k3, k4, k5, k6 = jax.random.split(key, 6)
    x = jax.random.normal(k1, (N, D_IN), dtype=jnp.float32)
    edge_index = jax.random.randint(k2, (2, E), 0, N, dtype=jnp.int32)
    W1 = jax.random.normal(k3, (D_IN, D_HID), dtype=jnp.float32) * (1.0 / np.sqrt(D_IN))
    b1 = jnp.zeros((D_HID,), dtype=jnp.float32)
    W2 = jax.random.normal(k4, (D_HID, D_OUT), dtype=jnp.float32) * (1.0 / np.sqrt(D_HID))
    b2 = jnp.zeros((D_OUT,), dtype=jnp.float32)
    return {"x": x, "edge_index": edge_index, "W1": W1, "b1": b1, "W2": W2, "b2": b2}


def _gcn_conv(x, src, dst, W, b):
    # PyG GCNConv: linear transform, then aggregate with symmetric normalization
    xw = x @ W
    deg = jnp.zeros((N,), dtype=x.dtype).at[dst].add(1.0)
    dis = jnp.where(deg > 0, jax.lax.rsqrt(jnp.maximum(deg, 1e-12)), 0.0)
    norm = dis[src] * dis[dst]
    msg = xw[src] * norm[:, None]
    out = jnp.zeros((N, W.shape[1]), dtype=x.dtype).at[dst].add(msg)
    return out + b


def reference(x, edge_index, W1, b1, W2, b2):
    # add self-loops once (same graph used by every layer)
    loop = jnp.arange(N, dtype=edge_index.dtype)
    src = jnp.concatenate([edge_index[0], loop])
    dst = jnp.concatenate([edge_index[1], loop])
    h = jax.nn.relu(_gcn_conv(x, src, dst, W1, b1))
    out = _gcn_conv(h, src, dst, W2, b2)
    return out  # output_activation is identity

if __name__ == "__main__":
    import jax
    _d = setup_inputs()
    print(jax.jit(kernel)(*tuple(_d.values())))

</pallas_src>

<mosaic_0001>
#map = affine_map<(d0, d1) -> (0, 0, 0)>
#map1 = affine_map<(d0, d1) -> (0)>
module attributes {stable_mosaic.version = 14 : i64} {
  func.func @_deg_body(%arg0: i32, %arg1: i32, %arg2: memref<16x160x128xi32, #tpu.memory_space<hbm>>, %arg3: memref<10240xf32, #tpu.memory_space<hbm>>, %arg4: memref<160x128xi32, #tpu.memory_space<vmem>>, %arg5: memref<128xf32, #tpu.memory_space<vmem>>, %arg6: memref<640xf32, #tpu.memory_space<vmem>>, %arg7: memref<320xf32, #tpu.memory_space<vmem>>, %arg8: memref<10240xf32, #tpu.memory_space<vmem_shared>>, %arg9: memref<!tpu.dma_semaphore, #tpu.memory_space<semaphore_mem>>, %arg10: memref<!tpu.dma_semaphore, #tpu.memory_space<semaphore_mem>>, %arg11: memref<!tpu.dma_semaphore, #tpu.memory_space<semaphore_mem>>, %arg12: memref<!tpu.dma_semaphore, #tpu.memory_space<semaphore_mem>>, %arg13: memref<!tpu.dma_semaphore, #tpu.memory_space<semaphore_mem>>) attributes {dimension_semantics = [#tpu.dimension_semantics<core_parallel>, #tpu.dimension_semantics<subcore_parallel>], iteration_bounds = array<i64: 2, 16>, scalar_prefetch = 0 : i64, scratch_operands = 10 : i64, tpu.core_type = #tpu.core_type<sc_vector_subcore>, window_params = [{transform_indices = #map}, {transform_indices = #map1}]} {
    %dma_start3A = arith.constant 0 : i32
    %dma_start3A_0 = arith.constant 0 : i32
    %dma_start3A_1 = tpu.memref_slice %arg2[%arg1, %dma_start3A, %dma_start3A_0] : memref<16x160x128xi32, #tpu.memory_space<hbm>> -> memref<1x160x128xi32, #tpu.memory_space<hbm>>
    %dma_start3A_2 = tpu.memref_squeeze %dma_start3A_1 : memref<1x160x128xi32, #tpu.memory_space<hbm>> -> memref<160x128xi32, #tpu.memory_space<hbm>>
    %dma_start3A_3 = arith.constant 0 : i32
    %dma_start3A_4 = arith.constant 0 : i32
    %dma_start3A_5 = tpu.memref_slice %arg2[%arg1, %dma_start3A_3, %dma_start3A_4] : memref<16x160x128xi32, #tpu.memory_space<hbm>> -> memref<1x160x128xi32, #tpu.memory_space<hbm>>
    %dma_start3A_6 = tpu.memref_squeeze %dma_start3A_5 : memref<1x160x128xi32, #tpu.memory_space<hbm>> -> memref<160x128xi32, #tpu.memory_space<hbm>>
    tpu.enqueue_dma source(%dma_start3A_6 : memref<160x128xi32, #tpu.memory_space<hbm>>) target(%arg4 : memref<160x128xi32, #tpu.memory_space<vmem>>) target_semaphore(%arg13 : memref<!tpu.dma_semaphore, #tpu.memory_space<semaphore_mem>>)
    %broadcast_in_dim3A = arith.constant 1.000000e+00 : f32
    %broadcast_in_dim3A_7 = vector.broadcast %broadcast_in_dim3A : f32 to vector<16xf32>
    %swap3A = arith.constant 0 : index
    %swap3A_8 = tpu.vector_load %arg5[%swap3A] {strides = array<i32>} : memref<128xf32, #tpu.memory_space<vmem>>, vector<16xf32>,
    tpu.vector_store %arg5[%swap3A], %broadcast_in_dim3A_7 {strides = array<i32>} : memref<128xf32, #tpu.memory_space<vmem>>, vector<16xf32>,
    %broadcast_in_dim3A_9 = arith.constant 1.000000e+00 : f32
    %broadcast_in_dim3A_10 = vector.broadcast %broadcast_in_dim3A_9 : f32 to vector<16xf32>
    %swap3A_11 = arith.constant 16 : index
    %swap3A_12 = tpu.vector_load %arg5[%swap3A_11] {strides = array<i32>} : memref<128xf32, #tpu.memory_space<vmem>>, vector<16xf32>,
    tpu.vector_store %arg5[%swap3A_11], %broadcast_in_dim3A_10 {strides = array<i32>} : memref<128xf32, #tpu.memory_space<vmem>>, vector<16xf32>,
    %broadcast_in_dim3A_13 = arith.constant 1.000000e+00 : f32
    %broadcast_in_dim3A_14 = vector.broadcast %broadcast_in_dim3A_13 : f32 to vector<16xf32>
    %swap3A_15 = arith.constant 32 : index
    %swap3A_16 = tpu.vector_load %arg5[%swap3A_15] {strides = array<i32>} : memref<128xf32, #tpu.memory_space<vmem>>, vector<16xf32>,
    tpu.vector_store %arg5[%swap3A_15], %broadcast_in_dim3A_14 {strides = array<i32>} : memref<128xf32, #tpu.memory_space<vmem>>, vector<16xf32>,
    %broadcast_in_dim3A_17 = arith.constant 1.000000e+00 : f32
    %broadcast_in_dim3A_18 = vector.broadcast %broadcast_in_dim3A_17 : f32 to vector<16xf32>
    %swap3A_19 = arith.constant 48 : index
    %swap3A_20 = tpu.vector_load %arg5[%swap3A_19] {strides = array<i32>} : memref<128xf32, #tpu.memory_space<vmem>>, vector<16xf32>,
    tpu.vector_store %arg5[%swap3A_19], %broadcast_in_dim3A_18 {strides = array<i32>} : memref<128xf32, #tpu.memory_space<vmem>>, vector<16xf32>,
    %broadcast_in_dim3A_21 = arith.constant 1.000000e+00 : f32
    %broadcast_in_dim3A_22 = vector.broadcast %broadcast_in_dim3A_21 : f32 to vector<16xf32>
    %swap3A_23 = arith.constant 64 : index
    %swap3A_24 = tpu.vector_load %arg5[%swap3A_23] {strides = array<i32>} : memref<128xf32, #tpu.memory_space<vmem>>, vector<16xf32>,
    tpu.vector_store %arg5[%swap3A_23], %broadcast_in_dim3A_22 {strides = array<i32>} : memref<128xf32, #tpu.memory_space<vmem>>, vector<16xf32>,
    %broadcast_in_dim3A_25 = arith.constant 1.000000e+00 : f32
    %broadcast_in_dim3A_26 = vector.broadcast %broadcast_in_dim3A_25 : f32 to vector<16xf32>
    %swap3A_27 = arith.constant 80 : index
    %swap3A_28 = tpu.vector_load %arg5[%swap3A_27] {strides = array<i32>} : memref<128xf32, #tpu.memory_space<vmem>>, vector<16xf32>,
    tpu.vector_store %arg5[%swap3A_27], %broadcast_in_dim3A_26 {strides = array<i32>} : memref<128xf32, #tpu.memory_space<vmem>>, vector<16xf32>,
    %broadcast_in_dim3A_29 = arith.constant 1.000000e+00 : f32
    %broadcast_in_dim3A_30 = vector.broadcast %broadcast_in_dim3A_29 : f32 to vector<16xf32>
    %swap3A_31 = arith.constant 96 : index
    %swap3A_32 = tpu.vector_load %arg5[%swap3A_31] {strides = array<i32>} : memref<128xf32, #tpu.memory_space<vmem>>, vector<16xf32>,
    tpu.vector_store %arg5[%swap3A_31], %broadcast_in_dim3A_30 {strides = array<i32>} : memref<128xf32, #tpu.memory_space<vmem>>, vector<16xf32>,
    %broadcast_in_dim3A_33 = arith.constant 1.000000e+00 : f32
    %broadcast_in_dim3A_34 = vector.broadcast %broadcast_in_dim3A_33 : f32 to vector<16xf32>
    %swap3A_35 = arith.constant 112 : index
    %swap3A_36 = tpu.vector_load %arg5[%swap3A_35] {strides = array<i32>} : memref<128xf32, #tpu.memory_space<vmem>>, vector<16xf32>,
    tpu.vector_store %arg5[%swap3A_35], %broadcast_in_dim3A_34 {strides = array<i32>} : memref<128xf32, #tpu.memory_space<vmem>>, vector<16xf32>,
    %scan3A = arith.constant 0 : i32
    %scan3A_37 = arith.constant 0 : i32
    %scan3A_38 = arith.constant 40 : i32
    %scan3A_39 = arith.addi %scan3A_37, %scan3A_38 : i32
    %scan3A_40 = arith.constant 1 : i32
    scf.for %scan3A_115 = %scan3A_37 to %scan3A_39 step %scan3A_40  : i32 {
      %broadcast_in_dim3A_116 = arith.constant 0.000000e+00 : f32
      %broadcast_in_dim3A_117 = vector.broadcast %broadcast_in_dim3A_116 : f32 to vector<16xf32>
      %mul3A_118 = arith.constant 16 : i32
      %mul3A_119 = arith.muli %scan3A_115, %mul3A_118 : i32
      %swap3A_120 = arith.index_cast %mul3A_119 : i32 to index
      %swap3A_121 = tpu.vector_load %arg6[%swap3A_120] {strides = array<i32>} : memref<640xf32, #tpu.memory_space<vmem>>, vector<16xf32>,
      tpu.vector_store %arg6[%swap3A_120], %broadcast_in_dim3A_117 {strides = array<i32>} : memref<640xf32, #tpu.memory_space<vmem>>, vector<16xf32>,
    }
    %scan3A_41 = arith.constant 40 : i32
    %mul3A = arith.constant 640 : i32
    %mul3A_42 = arith.muli %arg1, %mul3A : i32
    "tpu.region"() ({
      %run_scoped3A = tpu.sem_alloc : memref<!tpu.dma_semaphore, #tpu.memory_space<semaphore_mem>>
      %dma_start3A_115 = tpu.memref_slice %arg8[%mul3A_42] : memref<10240xf32, #tpu.memory_space<vmem_shared>> -> memref<640xf32, #tpu.memory_space<vmem_shared>>
      %dma_start3A_116 = tpu.memref_slice %arg8[%mul3A_42] : memref<10240xf32, #tpu.memory_space<vmem_shared>> -> memref<640xf32, #tpu.memory_space<vmem_shared>>
      tpu.enqueue_dma source(%arg6 : memref<640xf32, #tpu.memory_space<vmem>>) target(%dma_start3A_116 : memref<640xf32, #tpu.memory_space<vmem_shared>>) target_semaphore(%run_scoped3A : memref<!tpu.dma_semaphore, #tpu.memory_space<semaphore_mem>>)
      %dma_wait3A_117 = tpu.memref_slice %arg8[%mul3A_42] : memref<10240xf32, #tpu.memory_space<vmem_shared>> -> memref<640xf32, #tpu.memory_space<vmem_shared>>
      %dma_wait3A_118 = tpu.memref_slice %arg8[%mul3A_42] : memref<10240xf32, #tpu.memory_space<vmem_shared>> -> memref<640xf32, #tpu.memory_space<vmem_shared>>
      tpu.wait_dma2 semaphore(%run_scoped3A : memref<!tpu.dma_semaphore, #tpu.memory_space<semaphore_mem>>) src(%arg6 : memref<640xf32, #tpu.memory_space<vmem>>) dst(%dma_wait3A_118 : memref<640xf32, #tpu.memory_space<vmem_shared>>)
      tpu.yield
    }) : () -> ()
    %dma_wait3A = arith.constant 0 : i32
    %dma_wait3A_43 = arith.constant 0 : i32
    %dma_wait3A_44 = tpu.memref_slice %arg2[%arg1, %dma_wait3A, %dma_wait3A_43] : memref<16x160x128xi32, #tpu.memory_space<hbm>> -> memref<1x160x128xi32, #tpu.memory_space<hbm>>
    %dma_wait3A_45 = tpu.memref_squeeze %dma_wait3A_44 : memref<1x160x128xi32, #tpu.memory_space<hbm>> -> memref<160x128xi32, #tpu.memory_space<hbm>>
    %dma_wait3A_46 = arith.constant 0 : i32
    %dma_wait3A_47 = arith.constant 0 : i32
    %dma_wait3A_48 = tpu.memref_slice %arg2[%arg1, %dma_wait3A_46, %dma_wait3A_47] : memref<16x160x128xi32, #tpu.memory_space<hbm>> -> memref<1x160x128xi32, #tpu.memory_space<hbm>>
    %dma_wait3A_49 = tpu.memref_squeeze %dma_wait3A_48 : memref<1x160x128xi32, #tpu.memory_space<hbm>> -> memref<160x128xi32, #tpu.memory_space<hbm>>
    tpu.wait_dma2 semaphore(%arg13 : memref<!tpu.dma_semaphore, #tpu.memory_space<semaphore_mem>>) src(%dma_wait3A_49 : memref<160x128xi32, #tpu.memory_space<hbm>>) dst(%arg4 : memref<160x128xi32, #tpu.memory_space<vmem>>)
    %barrier3A = arith.constant 0 : index
    tpu.barrier barrier_id(%barrier3A)
    %dma_start3A_50 = arith.constant 0 : i32
    %dma_start3A_51 = arith.constant 0 : i32
    %dma_start3A_52 = tpu.memref_slice %arg4[%dma_start3A_50, %dma_start3A_51] : memref<160x128xi32, #tpu.memory_space<vmem>> -> memref<1x128xi32, #tpu.memory_space<vmem>>
    %dma_start3A_53 = tpu.memref_squeeze %dma_start3A_52 : memref<1x128xi32, #tpu.memory_space<vmem>> -> memref<128xi32, #tpu.memory_space<vmem>>
    %dma_start3A_54 = arith.constant 0 : i32
    %dma_start3A_55 = tpu.memref_slice %arg8[%dma_start3A_54] : memref<10240xf32, #tpu.memory_space<vmem_shared>> -> memref<10240xf32, #tpu.memory_space<vmem_shared>>
    tpu.enqueue_indirect_dma source(%arg5 : memref<128xf32, #tpu.memory_space<vmem>>) target(%dma_start3A_55 : memref<10240xf32, #tpu.memory_space<vmem_shared>>) offsets(%dma_start3A_53 : memref<128xi32, #tpu.memory_space<vmem>>) semaphore(%arg9 : memref<!tpu.dma_semaphore, #tpu.memory_space<semaphore_mem>>) {add = true}
    %dma_start3A_56 = arith.constant 1 : i32
    %dma_start3A_57 = arith.constant 0 : i32
    %dma_start3A_58 = tpu.memref_slice %arg4[%dma_start3A_56, %dma_start3A_57] : memref<160x128xi32, #tpu.memory_space<vmem>> -> memref<1x128xi32, #tpu.memory_space<vmem>>
    %dma_start3A_59 = tpu.memref_squeeze %dma_start3A_58 : memref<1x128xi32, #tpu.memory_space<vmem>> -> memref<128xi32, #tpu.memory_space<vmem>>
    %dma_start3A_60 = arith.constant 0 : i32
    %dma_start3A_61 = tpu.memref_slice %arg8[%dma_start3A_60] : memref<10240xf32, #tpu.memory_space<vmem_shared>> -> memref<10240xf32, #tpu.memory_space<vmem_shared>>
    tpu.enqueue_indirect_dma source(%arg5 : memref<128xf32, #tpu.memory_space<vmem>>) target(%dma_start3A_61 : memref<10240xf32, #tpu.memory_space<vmem_shared>>) offsets(%dma_start3A_59 : memref<128xi32, #tpu.memory_space<vmem>>) semaphore(%arg10 : memref<!tpu.dma_semaphore, #tpu.memory_space<semaphore_mem>>) {add = true}
    %dma_start3A_62 = arith.constant 2 : i32
    %dma_start3A_63 = arith.constant 0 : i32
    %dma_start3A_64 = tpu.memref_slice %arg4[%dma_start3A_62, %dma_start3A_63] : memref<160x128xi32, #tpu.memory_space<vmem>> -> memref<1x128xi32, #tpu.memory_space<vmem>>
    %dma_start3A_65 = tpu.memref_squeeze %dma_start3A_64 : memref<1x128xi32, #tpu.memory_space<vmem>> -> memref<128xi32, #tpu.memory_space<vmem>>
    %dma_start3A_66 = arith.constant 0 : i32
    %dma_start3A_67 = tpu.memref_slice %arg8[%dma_start3A_66] : memref<10240xf32, #tpu.memory_space<vmem_shared>> -> memref<10240xf32, #tpu.memory_space<vmem_shared>>
    tpu.enqueue_indirect_dma source(%arg5 : memref<128xf32, #tpu.memory_space<vmem>>) target(%dma_start3A_67 : memref<10240xf32, #tpu.memory_space<vmem_shared>>) offsets(%dma_start3A_65 : memref<128xi32, #tpu.memory_space<vmem>>) semaphore(%arg11 : memref<!tpu.dma_semaphore, #tpu.memory_space<semaphore_mem>>) {add = true}
    %dma_start3A_68 = arith.constant 3 : i32
    %dma_start3A_69 = arith.constant 0 : i32
    %dma_start3A_70 = tpu.memref_slice %arg4[%dma_start3A_68, %dma_start3A_69] : memref<160x128xi32, #tpu.memory_space<vmem>> -> memref<1x128xi32, #tpu.memory_space<vmem>>
    %dma_start3A_71 = tpu.memref_squeeze %dma_start3A_70 : memref<1x128xi32, #tpu.memory_space<vmem>> -> memref<128xi32, #tpu.memory_space<vmem>>
    %dma_start3A_72 = arith.constant 0 : i32
    %dma_start3A_73 = tpu.memref_slice %arg8[%dma_start3A_72] : memref<10240xf32, #tpu.memory_space<vmem_shared>> -> memref<10240xf32, #tpu.memory_space<vmem_shared>>
    tpu.enqueue_indirect_dma source(%arg5 : memref<128xf32, #tpu.memory_space<vmem>>) target(%dma_start3A_73 : memref<10240xf32, #tpu.memory_space<vmem_shared>>) offsets(%dma_start3A_71 : memref<128xi32, #tpu.memory_space<vmem>>) semaphore(%arg12 : memref<!tpu.dma_semaphore, #tpu.memory_space<semaphore_mem>>) {add = true}
    %scan3A_74 = arith.constant 0 : i32
    %scan3A_75 = arith.constant 0 : i32
    %scan3A_76 = arith.constant 39 : i32
    %scan3A_77 = arith.addi %scan3A_75, %scan3A_76 : i32
    %scan3A_78 = arith.constant 1 : i32
    scf.for %scan3A_115 = %scan3A_75 to %scan3A_77 step %scan3A_78  : i32 {
      %mul3A_116 = arith.constant 4 : i32
      %mul3A_117 = arith.muli %mul3A_116, %scan3A_115 : i32
      %add3A_118 = arith.constant 4 : i32
      %add3A_119 = arith.addi %mul3A_117, %add3A_118 : i32
      %dma_wait3A_120 = arith.constant 0 : i32
      %dma_wait3A_121 = arith.constant 0 : i32
      %dma_wait3A_122 = tpu.memref_slice %arg4[%dma_wait3A_120, %dma_wait3A_121] : memref<160x128xi32, #tpu.memory_space<vmem>> -> memref<1x128xi32, #tpu.memory_space<vmem>>
      %dma_wait3A_123 = tpu.memref_squeeze %dma_wait3A_122 : memref<1x128xi32, #tpu.memory_space<vmem>> -> memref<128xi32, #tpu.memory_space<vmem>>
      %dma_wait3A_124 = arith.constant 0 : i32
      %dma_wait3A_125 = tpu.memref_slice %arg8[%dma_wait3A_124] : memref<10240xf32, #tpu.memory_space<vmem_shared>> -> memref<10240xf32, #tpu.memory_space<vmem_shared>>
      tpu.wait_indirect_dma semaphore(%arg9 : memref<!tpu.dma_semaphore, #tpu.memory_space<semaphore_mem>>) src(%arg5 : memref<128xf32, #tpu.memory_space<vmem>>) dst(%dma_wait3A_125 : memref<10240xf32, #tpu.memory_space<vmem_shared>>)
      %add3A_126 = arith.constant 0 : i32
      %add3A_127 = arith.addi %add3A_119, %add3A_126 : i32
      %dma_start3A_128 = arith.constant 0 : i32
      %dma_start3A_129 = tpu.memref_slice %arg4[%add3A_127, %dma_start3A_128] : memref<160x128xi32, #tpu.memory_space<vmem>> -> memref<1x128xi32, #tpu.memory_space<vmem>>
      %dma_start3A_130 = tpu.memref_squeeze %dma_start3A_129 : memref<1x128xi32, #tpu.memory_space<vmem>> -> memref<128xi32, #tpu.memory_space<vmem>>
      %dma_start3A_131 = arith.constant 0 : i32
      %dma_start3A_132 = tpu.memref_slice %arg8[%dma_start3A_131] : memref<10240xf32, #tpu.memory_space<vmem_shared>> -> memref<10240xf32, #tpu.memory_space<vmem_shared>>
      tpu.enqueue_indirect_dma source(%arg5 : memref<128xf32, #tpu.memory_space<vmem>>) target(%dma_start3A_132 : memref<10240xf32, #tpu.memory_space<vmem_shared>>) offsets(%dma_start3A_130 : memref<128xi32, #tpu.memory_space<vmem>>) semaphore(%arg9 : memref<!tpu.dma_semaphore, #tpu.memory_space<semaphore_mem>>) {add = true}
      %dma_wait3A_133 = arith.constant 0 : i32
      %dma_wait3A_134 = arith.constant 0 : i32
      %dma_wait3A_135 = tpu.memref_slice %arg4[%dma_wait3A_133, %dma_wait3A_134] : memref<160x128xi32, #tpu.memory_space<vmem>> -> memref<1x128xi32, #tpu.memory_space<vmem>>
      %dma_wait3A_136 = tpu.memref_squeeze %dma_wait3A_135 : memref<1x128xi32, #tpu.memory_space<vmem>> -> memref<128xi32, #tpu.memory_space<vmem>>
      %dma_wait3A_137 = arith.constant 0 : i32
      %dma_wait3A_138 = tpu.memref_slice %arg8[%dma_wait3A_137] : memref<10240xf32, #tpu.memory_space<vmem_shared>> -> memref<10240xf32, #tpu.memory_space<vmem_shared>>
      tpu.wait_indirect_dma semaphore(%arg10 : memref<!tpu.dma_semaphore, #tpu.memory_space<semaphore_mem>>) src(%arg5 : memref<128xf32, #tpu.memory_space<vmem>>) dst(%dma_wait3A_138 : memref<10240xf32, #tpu.memory_space<vmem_shared>>)
      %add3A_139 = arith.constant 1 : i32
      %add3A_140 = arith.addi %add3A_119, %add3A_139 : i32
      %dma_start3A_141 = arith.constant 0 : i32
      %dma_start3A_142 = tpu.memref_slice %arg4[%add3A_140, %dma_start3A_141] : memref<160x128xi32, #tpu.memory_space<vmem>> -> memref<1x128xi32, #tpu.memory_space<vmem>>
      %dma_start3A_143 = tpu.memref_squeeze %dma_start3A_142 : memref<1x128xi32, #tpu.memory_space<vmem>> -> memref<128xi32, #tpu.memory_space<vmem>>
      %dma_start3A_144 = arith.constant 0 : i32
      %dma_start3A_145 = tpu.memref_slice %arg8[%dma_start3A_144] : memref<10240xf32, #tpu.memory_space<vmem_shared>> -> memref<10240xf32, #tpu.memory_space<vmem_shared>>
      tpu.enqueue_indirect_dma source(%arg5 : memref<128xf32, #tpu.memory_space<vmem>>) target(%dma_start3A_145 : memref<10240xf32, #tpu.memory_space<vmem_shared>>) offsets(%dma_start3A_143 : memref<128xi32, #tpu.memory_space<vmem>>) semaphore(%arg10 : memref<!tpu.dma_semaphore, #tpu.memory_space<semaphore_mem>>) {add = true}
      %dma_wait3A_146 = arith.constant 0 : i32
      %dma_wait3A_147 = arith.constant 0 : i32
      %dma_wait3A_148 = tpu.memref_slice %arg4[%dma_wait3A_146, %dma_wait3A_147] : memref<160x128xi32, #tpu.memory_space<vmem>> -> memref<1x128xi32, #tpu.memory_space<vmem>>
      %dma_wait3A_149 = tpu.memref_squeeze %dma_wait3A_148 : memref<1x128xi32, #tpu.memory_space<vmem>> -> memref<128xi32, #tpu.memory_space<vmem>>
      %dma_wait3A_150 = arith.constant 0 : i32
      %dma_wait3A_151 = tpu.memref_slice %arg8[%dma_wait3A_150] : memref<10240xf32, #tpu.memory_space<vmem_shared>> -> memref<10240xf32, #tpu.memory_space<vmem_shared>>
      tpu.wait_indirect_dma semaphore(%arg11 : memref<!tpu.dma_semaphore, #tpu.memory_space<semaphore_mem>>) src(%arg5 : memref<128xf32, #tpu.memory_space<vmem>>) dst(%dma_wait3A_151 : memref<10240xf32, #tpu.memory_space<vmem_shared>>)
      %add3A_152 = arith.constant 2 : i32
      %add3A_153 = arith.addi %add3A_119, %add3A_152 : i32
      %dma_start3A_154 = arith.constant 0 : i32
      %dma_start3A_155 = tpu.memref_slice %arg4[%add3A_153, %dma_start3A_154] : memref<160x128xi32, #tpu.memory_space<vmem>> -> memref<1x128xi32, #tpu.memory_space<vmem>>
      %dma_start3A_156 = tpu.memref_squeeze %dma_start3A_155 : memref<1x128xi32, #tpu.memory_space<vmem>> -> memref<128xi32, #tpu.memory_space<vmem>>
      %dma_start3A_157 = arith.constant 0 : i32
      %dma_start3A_158 = tpu.memref_slice %arg8[%dma_start3A_157] : memref<10240xf32, #tpu.memory_space<vmem_shared>> -> memref<10240xf32, #tpu.memory_space<vmem_shared>>
      tpu.enqueue_indirect_dma source(%arg5 : memref<128xf32, #tpu.memory_space<vmem>>) target(%dma_start3A_158 : memref<10240xf32, #tpu.memory_space<vmem_shared>>) offsets(%dma_start3A_156 : memref<128xi32, #tpu.memory_space<vmem>>) semaphore(%arg11 : memref<!tpu.dma_semaphore, #tpu.memory_space<semaphore_mem>>) {add = true}
      %dma_wait3A_159 = arith.constant 0 : i32
      %dma_wait3A_160 = arith.constant 0 : i32
      %dma_wait3A_161 = tpu.memref_slice %arg4[%dma_wait3A_159, %dma_wait3A_160] : memref<160x128xi32, #tpu.memory_space<vmem>> -> memref<1x128xi32, #tpu.memory_space<vmem>>
      %dma_wait3A_162 = tpu.memref_squeeze %dma_wait3A_161 : memref<1x128xi32, #tpu.memory_space<vmem>> -> memref<128xi32, #tpu.memory_space<vmem>>
      %dma_wait3A_163 = arith.constant 0 : i32
      %dma_wait3A_164 = tpu.memref_slice %arg8[%dma_wait3A_163] : memref<10240xf32, #tpu.memory_space<vmem_shared>> -> memref<10240xf32, #tpu.memory_space<vmem_shared>>
      tpu.wait_indirect_dma semaphore(%arg12 : memref<!tpu.dma_semaphore, #tpu.memory_space<semaphore_mem>>) src(%arg5 : memref<128xf32, #tpu.memory_space<vmem>>) dst(%dma_wait3A_164 : memref<10240xf32, #tpu.memory_space<vmem_shared>>)
      %add3A_165 = arith.constant 3 : i32
      %add3A_166 = arith.addi %add3A_119, %add3A_165 : i32
      %dma_start3A_167 = arith.constant 0 : i32
      %dma_start3A_168 = tpu.memref_slice %arg4[%add3A_166, %dma_start3A_167] : memref<160x128xi32, #tpu.memory_space<vmem>> -> memref<1x128xi32, #tpu.memory_space<vmem>>
      %dma_start3A_169 = tpu.memref_squeeze %dma_start3A_168 : memref<1x128xi32, #tpu.memory_space<vmem>> -> memref<128xi32, #tpu.memory_space<vmem>>
      %dma_start3A_170 = arith.constant 0 : i32
      %dma_start3A_171 = tpu.memref_slice %arg8[%dma_start3A_170] : memref<10240xf32, #tpu.memory_space<vmem_shared>> -> memref<10240xf32, #tpu.memory_space<vmem_shared>>
      tpu.enqueue_indirect_dma source(%arg5 : memref<128xf32, #tpu.memory_space<vmem>>) target(%dma_start3A_171 : memref<10240xf32, #tpu.memory_space<vmem_shared>>) offsets(%dma_start3A_169 : memref<128xi32, #tpu.memory_space<vmem>>) semaphore(%arg12 : memref<!tpu.dma_semaphore, #tpu.memory_space<semaphore_mem>>) {add = true}
    }
    %scan3A_79 = arith.constant 39 : i32
    %dma_wait3A_80 = arith.constant 0 : i32
    %dma_wait3A_81 = arith.constant 0 : i32
    %dma_wait3A_82 = tpu.memref_slice %arg4[%dma_wait3A_80, %dma_wait3A_81] : memref<160x128xi32, #tpu.memory_space<vmem>> -> memref<1x128xi32, #tpu.memory_space<vmem>>
    %dma_wait3A_83 = tpu.memref_squeeze %dma_wait3A_82 : memref<1x128xi32, #tpu.memory_space<vmem>> -> memref<128xi32, #tpu.memory_space<vmem>>
    %dma_wait3A_84 = arith.constant 0 : i32
    %dma_wait3A_85 = tpu.memref_slice %arg8[%dma_wait3A_84] : memref<10240xf32, #tpu.memory_space<vmem_shared>> -> memref<10240xf32, #tpu.memory_space<vmem_shared>>
    tpu.wait_indirect_dma semaphore(%arg9 : memref<!tpu.dma_semaphore, #tpu.memory_space<semaphore_mem>>) src(%arg5 : memref<128xf32, #tpu.memory_space<vmem>>) dst(%dma_wait3A_85 : memref<10240xf32, #tpu.memory_space<vmem_shared>>)
    %dma_wait3A_86 = arith.constant 0 : i32
    %dma_wait3A_87 = arith.constant 0 : i32
    %dma_wait3A_88 = tpu.memref_slice %arg4[%dma_wait3A_86, %dma_wait3A_87] : memref<160x128xi32, #tpu.memory_space<vmem>> -> memref<1x128xi32, #tpu.memory_space<vmem>>
    %dma_wait3A_89 = tpu.memref_squeeze %dma_wait3A_88 : memref<1x128xi32, #tpu.memory_space<vmem>> -> memref<128xi32, #tpu.memory_space<vmem>>
    %dma_wait3A_90 = arith.constant 0 : i32
    %dma_wait3A_91 = tpu.memref_slice %arg8[%dma_wait3A_90] : memref<10240xf32, #tpu.memory_space<vmem_shared>> -> memref<10240xf32, #tpu.memory_space<vmem_shared>>
    tpu.wait_indirect_dma semaphore(%arg10 : memref<!tpu.dma_semaphore, #tpu.memory_space<semaphore_mem>>) src(%arg5 : memref<128xf32, #tpu.memory_space<vmem>>) dst(%dma_wait3A_91 : memref<10240xf32, #tpu.memory_space<vmem_shared>>)
    %dma_wait3A_92 = arith.constant 0 : i32
    %dma_wait3A_93 = arith.constant 0 : i32
    %dma_wait3A_94 = tpu.memref_slice %arg4[%dma_wait3A_92, %dma_wait3A_93] : memref<160x128xi32, #tpu.memory_space<vmem>> -> memref<1x128xi32, #tpu.memory_space<vmem>>
    %dma_wait3A_95 = tpu.memref_squeeze %dma_wait3A_94 : memref<1x128xi32, #tpu.memory_space<vmem>> -> memref<128xi32, #tpu.memory_space<vmem>>
    %dma_wait3A_96 = arith.constant 0 : i32
    %dma_wait3A_97 = tpu.memref_slice %arg8[%dma_wait3A_96] : memref<10240xf32, #tpu.memory_space<vmem_shared>> -> memref<10240xf32, #tpu.memory_space<vmem_shared>>
    tpu.wait_indirect_dma semaphore(%arg11 : memref<!tpu.dma_semaphore, #tpu.memory_space<semaphore_mem>>) src(%arg5 : memref<128xf32, #tpu.memory_space<vmem>>) dst(%dma_wait3A_97 : memref<10240xf32, #tpu.memory_space<vmem_shared>>)
    %dma_wait3A_98 = arith.constant 0 : i32
    %dma_wait3A_99 = arith.constant 0 : i32
    %dma_wait3A_100 = tpu.memref_slice %arg4[%dma_wait3A_98, %dma_wait3A_99] : memref<160x128xi32, #tpu.memory_space<vmem>> -> memref<1x128xi32, #tpu.memory_space<vmem>>
    %dma_wait3A_101 = tpu.memref_squeeze %dma_wait3A_100 : memref<1x128xi32, #tpu.memory_space<vmem>> -> memref<128xi32, #tpu.memory_space<vmem>>
    %dma_wait3A_102 = arith.constant 0 : i32
    %dma_wait3A_103 = tpu.memref_slice %arg8[%dma_wait3A_102] : memref<10240xf32, #tpu.memory_space<vmem_shared>> -> memref<10240xf32, #tpu.memory_space<vmem_shared>>
    tpu.wait_indirect_dma semaphore(%arg12 : memref<!tpu.dma_semaphore, #tpu.memory_space<semaphore_mem>>) src(%arg5 : memref<128xf32, #tpu.memory_space<vmem>>) dst(%dma_wait3A_103 : memref<10240xf32, #tpu.memory_space<vmem_shared>>)
    %barrier3A_104 = arith.constant 0 : index
    tpu.barrier barrier_id(%barrier3A_104)
    %mul3A_105 = arith.constant 16 : i32
    %mul3A_106 = arith.muli %arg0, %mul3A_105 : i32
    %add3A = arith.addi %mul3A_106, %arg1 : i32
    %mul3A_107 = arith.constant 320 : i32
    %mul3A_108 = arith.muli %add3A, %mul3A_107 : i32
    "tpu.region"() ({
      %run_scoped3A = tpu.sem_alloc : memref<!tpu.dma_semaphore, #tpu.memory_space<semaphore_mem>>
      %dma_start3A_115 = tpu.memref_slice %arg8[%mul3A_108] : memref<10240xf32, #tpu.memory_space<vmem_shared>> -> memref<320xf32, #tpu.memory_space<vmem_shared>>
      %dma_start3A_116 = tpu.memref_slice %arg8[%mul3A_108] : memref<10240xf32, #tpu.memory_space<vmem_shared>> -> memref<320xf32, #tpu.memory_space<vmem_shared>>
      tpu.enqueue_dma source(%dma_start3A_116 : memref<320xf32, #tpu.memory_space<vmem_shared>>) target(%arg7 : memref<320xf32, #tpu.memory_space<vmem>>) target_semaphore(%run_scoped3A : memref<!tpu.dma_semaphore, #tpu.memory_space<semaphore_mem>>)
      %dma_wait3A_117 = tpu.memref_slice %arg8[%mul3A_108] : memref<10240xf32, #tpu.memory_space<vmem_shared>> -> memref<320xf32, #tpu.memory_space<vmem_shared>>
      %dma_wait3A_118 = tpu.memref_slice %arg8[%mul3A_108] : memref<10240xf32, #tpu.memory_space<vmem_shared>> -> memref<320xf32, #tpu.memory_space<vmem_shared>>
      tpu.wait_dma2 semaphore(%run_scoped3A : memref<!tpu.dma_semaphore, #tpu.memory_space<semaphore_mem>>) src(%dma_wait3A_118 : memref<320xf32, #tpu.memory_space<vmem_shared>>) dst(%arg7 : memref<320xf32, #tpu.memory_space<vmem>>)
      tpu.yield
    }) : () -> ()
    %scan3A_109 = arith.constant 0 : i32
    %scan3A_110 = arith.constant 0 : i32
    %scan3A_111 = arith.constant 20 : i32
    %scan3A_112 = arith.addi %scan3A_110, %scan3A_111 : i32
    %scan3A_113 = arith.constant 1 : i32
    scf.for %scan3A_115 = %scan3A_110 to %scan3A_112 step %scan3A_113  : i32 {
      %mul3A_116 = arith.constant 16 : i32
      %mul3A_117 = arith.muli %scan3A_115, %mul3A_116 : i32
      %get3A = arith.index_cast %mul3A_117 : i32 to index
      %get3A_118 = tpu.vector_load %arg7[%get3A] {strides = array<i32>} : memref<320xf32, #tpu.memory_space<vmem>>, vector<16xf32>,
      %add3A_119 = arith.constant 1.000000e+00 : f32
      %add3A_120 = vector.broadcast %add3A_119 : f32 to vector<16xf32>
      %add3A_121 = arith.addf %get3A_118, %add3A_120 : vector<16xf32>
      %mul3A_122 = arith.constant 5.000000e-01 : f32
      %mul3A_123 = vector.broadcast %mul3A_122 : f32 to vector<16xf32>
      %mul3A_124 = arith.mulf %add3A_121, %mul3A_123 : vector<16xf32>
      %bitcast3A = vector.bitcast %add3A_121 : vector<16xf32> to vector<16xi32>
      %shift_right_logical3A = arith.constant 1 : i32
      %shift_right_logical3A_125 = vector.broadcast %shift_right_logical3A : i32 to vector<16xi32>
      %shift_right_logical3A_126 = arith.shrui %bitcast3A, %shift_right_logical3A_125 : vector<16xi32>
      %sub3A = arith.constant 1597463007 : i32
      %sub3A_127 = vector.broadcast %sub3A : i32 to vector<16xi32>
      %sub3A_128 = arith.subi %sub3A_127, %shift_right_logical3A_126 : vector<16xi32>
      %bitcast3A_129 = vector.bitcast %sub3A_128 : vector<16xi32> to vector<16xf32>
      %mul3A_130 = arith.mulf %mul3A_124, %bitcast3A_129 : vector<16xf32>
      %mul3A_131 = arith.mulf %mul3A_130, %bitcast3A_129 : vector<16xf32>
      %sub3A_132 = arith.constant 1.500000e+00 : f32
      %sub3A_133 = vector.broadcast %sub3A_132 : f32 to vector<16xf32>
      %sub3A_134 = arith.subf %sub3A_133, %mul3A_131 : vector<16xf32>
      %mul3A_135 = arith.mulf %bitcast3A_129, %sub3A_134 : vector<16xf32>
      %mul3A_136 = arith.mulf %mul3A_124, %mul3A_135 : vector<16xf32>
      %mul3A_137 = arith.mulf %mul3A_136, %mul3A_135 : vector<16xf32>
      %sub3A_138 = arith.constant 1.500000e+00 : f32
      %sub3A_139 = vector.broadcast %sub3A_138 : f32 to vector<16xf32>
      %sub3A_140 = arith.subf %sub3A_139, %mul3A_137 : vector<16xf32>
      %mul3A_141 = arith.mulf %mul3A_135, %sub3A_140 : vector<16xf32>
      %mul3A_142 = arith.mulf %mul3A_124, %mul3A_141 : vector<16xf32>
      %mul3A_143 = arith.mulf %mul3A_142, %mul3A_141 : vector<16xf32>
      %sub3A_144 = arith.constant 1.500000e+00 : f32
      %sub3A_145 = vector.broadcast %sub3A_144 : f32 to vector<16xf32>
      %sub3A_146 = arith.subf %sub3A_145, %mul3A_143 : vector<16xf32>
      %mul3A_147 = arith.mulf %mul3A_141, %sub3A_146 : vector<16xf32>
      %mul3A_148 = arith.constant 16 : i32
      %mul3A_149 = arith.muli %scan3A_115, %mul3A_148 : i32
      %swap3A_150 = arith.index_cast %mul3A_149 : i32 to index
      %swap3A_151 = tpu.vector_load %arg7[%swap3A_150] {strides = array<i32>} : memref<320xf32, #tpu.memory_space<vmem>>, vector<16xf32>,
      tpu.vector_store %arg7[%swap3A_150], %mul3A_147 {strides = array<i32>} : memref<320xf32, #tpu.memory_space<vmem>>, vector<16xf32>,
    }
    %scan3A_114 = arith.constant 20 : i32
    "tpu.region"() ({
      %run_scoped3A = tpu.sem_alloc : memref<!tpu.dma_semaphore, #tpu.memory_space<semaphore_mem>>
      %dma_start3A_115 = tpu.memref_slice %arg3[%mul3A_108] : memref<10240xf32, #tpu.memory_space<hbm>> -> memref<320xf32, #tpu.memory_space<hbm>>
      %dma_start3A_116 = tpu.memref_slice %arg3[%mul3A_108] : memref<10240xf32, #tpu.memory_space<hbm>> -> memref<320xf32, #tpu.memory_space<hbm>>
      tpu.enqueue_dma source(%arg7 : memref<320xf32, #tpu.memory_space<vmem>>) target(%dma_start3A_116 : memref<320xf32, #tpu.memory_space<hbm>>) target_semaphore(%run_scoped3A : memref<!tpu.dma_semaphore, #tpu.memory_space<semaphore_mem>>)
      %dma_wait3A_117 = tpu.memref_slice %arg3[%mul3A_108] : memref<10240xf32, #tpu.memory_space<hbm>> -> memref<320xf32, #tpu.memory_space<hbm>>
      %dma_wait3A_118 = tpu.memref_slice %arg3[%mul3A_108] : memref<10240xf32, #tpu.memory_space<hbm>> -> memref<320xf32, #tpu.memory_space<hbm>>
      tpu.wait_dma2 semaphore(%run_scoped3A : memref<!tpu.dma_semaphore, #tpu.memory_space<semaphore_mem>>) src(%arg7 : memref<320xf32, #tpu.memory_space<vmem>>) dst(%dma_wait3A_118 : memref<320xf32, #tpu.memory_space<hbm>>)
      tpu.yield
    }) : () -> ()
    return
  }
}

#map = affine_map<(d0, d1) -> (0, 0, 0)>
#map1 = affine_map<(d0, d1) -> (0, 0)>
module attributes {stable_mosaic.version = 14 : i64} {
  func.func @_agg_body(%arg0: i32, %arg1: i32, %arg2: memref<32x80x128xi32, #tpu.memory_space<hbm>>, %arg3: memref<32x80x128xi32, #tpu.memory_space<hbm>>, %arg4: memref<10000x16xf32, #tpu.memory_space<hbm>>, %arg5: memref<2x10000x16xf32, #tpu.memory_space<hbm>>, %arg6: memref<80x128xi32, #tpu.memory_space<vmem>>, %arg7: memref<80x128xi32, #tpu.memory_space<vmem>>, %arg8: memref<128x16xf32, #tpu.memory_space<vmem>>, %arg9: memref<128x16xf32, #tpu.memory_space<vmem>>, %arg10: memref<128x16xf32, #tpu.memory_space<vmem>>, %arg11: memref<128x16xf32, #tpu.memory_space<vmem>>, %arg12: memref<128x16xf32, #tpu.memory_space<vmem>>, %arg13: memref<128x16xf32, #tpu.memory_space<vmem>>, %arg14: memref<128x16xf32, #tpu.memory_space<vmem>>, %arg15: memref<128x16xf32, #tpu.memory_space<vmem>>, %arg16: memref<626x16xf32, #tpu.memory_space<vmem>>, %arg17: memref<10016x16xf32, #tpu.memory_space<vmem_shared>>, %arg18: memref<!tpu.dma_semaphore, #tpu.memory_space<semaphore_mem>>, %arg19: memref<!tpu.dma_semaphore, #tpu.memory_space<semaphore_mem>>, %arg20: memref<!tpu.dma_semaphore, #tpu.memory_space<semaphore_mem>>, %arg21: memref<!tpu.dma_semaphore, #tpu.memory_space<semaphore_mem>>, %arg22: memref<!tpu.dma_semaphore, #tpu.memory_space<semaphore_mem>>, %arg23: memref<!tpu.dma_semaphore, #tpu.memory_space<semaphore_mem>>, %arg24: memref<!tpu.dma_semaphore, #tpu.memory_space<semaphore_mem>>, %arg25: memref<!tpu.dma_semaphore, #tpu.memory_space<semaphore_mem>>, %arg26: memref<!tpu.dma_semaphore, #tpu.memory_space<semaphore_mem>>, %arg27: memref<!tpu.dma_semaphore, #tpu.memory_space<semaphore_mem>>, %arg28: memref<!tpu.dma_semaphore, #tpu.memory_space<semaphore_mem>>, %arg29: memref<!tpu.dma_semaphore, #tpu.memory_space<semaphore_mem>>, %arg30: memref<!tpu.dma_semaphore, #tpu.memory_space<semaphore_mem>>, %arg31: memref<!tpu.dma_semaphore, #tpu.memory_space<semaphore_mem>>, %arg32: memref<!tpu.dma_semaphore, #tpu.memory_space<semaphore_mem>>, %arg33: memref<!tpu.dma_semaphore, #tpu.memory_space<semaphore_mem>>, %arg34: memref<!tpu.dma_semaphore, #tpu.memory_space<semaphore_mem>>, %arg35: memref<!tpu.dma_semaphore, #tpu.memory_space<semaphore_mem>>) attributes {dimension_semantics = [#tpu.dimension_semantics<core_parallel>, #tpu.dimension_semantics<subcore_parallel>], iteration_bounds = array<i64: 2, 16>, scalar_prefetch = 0 : i64, scratch_operands = 30 : i64, tpu.core_type = #tpu.core_type<sc_vector_subcore>, window_params = [{transform_indices = #map}, {transform_indices = #map}, {transform_indices = #map1}, {transform_indices = #map}]} {
    %mul3A = arith.constant 16 : i32
    %mul3A_0 = arith.muli %arg0, %mul3A : i32
    %add3A = arith.addi %mul3A_0, %arg1 : i32
    %dma_start3A = arith.constant 0 : i32
    %dma_start3A_1 = arith.constant 0 : i32
    %dma_start3A_2 = tpu.memref_slice %arg2[%add3A, %dma_start3A, %dma_start3A_1] : memref<32x80x128xi32, #tpu.memory_space<hbm>> -> memref<1x80x128xi32, #tpu.memory_space<hbm>>
    %dma_start3A_3 = tpu.memref_squeeze %dma_start3A_2 : memref<1x80x128xi32, #tpu.memory_space<hbm>> -> memref<80x128xi32, #tpu.memory_space<hbm>>
    %dma_start3A_4 = arith.constant 0 : i32
    %dma_start3A_5 = arith.constant 0 : i32
    %dma_start3A_6 = tpu.memref_slice %arg2[%add3A, %dma_start3A_4, %dma_start3A_5] : memref<32x80x128xi32, #tpu.memory_space<hbm>> -> memref<1x80x128xi32, #tpu.memory_space<hbm>>
    %dma_start3A_7 = tpu.memref_squeeze %dma_start3A_6 : memref<1x80x128xi32, #tpu.memory_space<hbm>> -> memref<80x128xi32, #tpu.memory_space<hbm>>
    tpu.enqueue_dma source(%dma_start3A_7 : memref<80x128xi32, #tpu.memory_space<hbm>>) target(%arg6 : memref<80x128xi32, #tpu.memory_space<vmem>>) target_semaphore(%arg34 : memref<!tpu.dma_semaphore, #tpu.memory_space<semaphore_mem>>)
    %dma_start3A_8 = arith.constant 0 : i32
    %dma_start3A_9 = arith.constant 0 : i32
    %dma_start3A_10 = tpu.memref_slice %arg3[%add3A, %dma_start3A_8, %dma_start3A_9] : memref<32x80x128xi32, #tpu.memory_space<hbm>> -> memref<1x80x128xi32, #tpu.memory_space<hbm>>
    %dma_start3A_11 = tpu.memref_squeeze %dma_start3A_10 : memref<1x80x128xi32, #tpu.memory_space<hbm>> -> memref<80x128xi32, #tpu.memory_space<hbm>>
    %dma_start3A_12 = arith.constant 0 : i32
    %dma_start3A_13 = arith.constant 0 : i32
    %dma_start3A_14 = tpu.memref_slice %arg3[%add3A, %dma_start3A_12, %dma_start3A_13] : memref<32x80x128xi32, #tpu.memory_space<hbm>> -> memref<1x80x128xi32, #tpu.memory_space<hbm>>
    %dma_start3A_15 = tpu.memref_squeeze %dma_start3A_14 : memref<1x80x128xi32, #tpu.memory_space<hbm>> -> memref<80x128xi32, #tpu.memory_space<hbm>>
    tpu.enqueue_dma source(%dma_start3A_15 : memref<80x128xi32, #tpu.memory_space<hbm>>) target(%arg7 : memref<80x128xi32, #tpu.memory_space<vmem>>) target_semaphore(%arg35 : memref<!tpu.dma_semaphore, #tpu.memory_space<semaphore_mem>>)
    %scan3A = arith.constant 0 : i32
    %scan3A_16 = arith.constant 0 : i32
    %scan3A_17 = arith.constant 626 : i32
    %scan3A_18 = arith.addi %scan3A_16, %scan3A_17 : i32
    %scan3A_19 = arith.constant 1 : i32
    scf.for %scan3A_344 = %scan3A_16 to %scan3A_18 step %scan3A_19  : i32 {
      %broadcast_in_dim3A = arith.constant 0.000000e+00 : f32
      %broadcast_in_dim3A_345 = vector.broadcast %broadcast_in_dim3A : f32 to vector<16xf32>
      %swap3A = arith.index_cast %scan3A_344 : i32 to index
      %swap3A_346 = arith.constant 0 : index
      %swap3A_347 = tpu.vector_load %arg16[%swap3A, %swap3A_346] {strides = array<i32>} : memref<626x16xf32, #tpu.memory_space<vmem>>, vector<16xf32>,
      tpu.vector_store %arg16[%swap3A, %swap3A_346], %broadcast_in_dim3A_345 {strides = array<i32>} : memref<626x16xf32, #tpu.memory_space<vmem>>, vector<16xf32>,
    }
    %scan3A_20 = arith.constant 626 : i32
    %mul3A_21 = arith.constant 626 : i32
    %mul3A_22 = arith.muli %arg1, %mul3A_21 : i32
    "tpu.region"() ({
      %run_scoped3A = tpu.sem_alloc : memref<!tpu.dma_semaphore, #tpu.memory_space<semaphore_mem>>
      %dma_start3A_344 = arith.constant 0 : i32
      %dma_start3A_345 = tpu.memref_slice %arg17[%mul3A_22, %dma_start3A_344] : memref<10016x16xf32, #tpu.memory_space<vmem_shared>> -> memref<626x16xf32, #tpu.memory_space<vmem_shared>>
      %dma_start3A_346 = arith.constant 0 : i32
      %dma_start3A_347 = tpu.memref_slice %arg17[%mul3A_22, %dma_start3A_346] : memref<10016x16xf32, #tpu.memory_space<vmem_shared>> -> memref<626x16xf32, #tpu.memory_space<vmem_shared>>
      tpu.enqueue_dma source(%arg16 : memref<626x16xf32, #tpu.memory_space<vmem>>) target(%dma_start3A_347 : memref<626x16xf32, #tpu.memory_space<vmem_shared>>) target_semaphore(%run_scoped3A : memref<!tpu.dma_semaphore, #tpu.memory_space<semaphore_mem>>)
      %dma_wait3A_348 = arith.constant 0 : i32
      %dma_wait3A_349 = tpu.memref_slice %arg17[%mul3A_22, %dma_wait3A_348] : memref<10016x16xf32, #tpu.memory_space<vmem_shared>> -> memref<626x16xf32, #tpu.memory_space<vmem_shared>>
      %dma_wait3A_350 = arith.constant 0 : i32
      %dma_wait3A_351 = tpu.memref_slice %arg17[%mul3A_22, %dma_wait3A_350] : memref<10016x16xf32, #tpu.memory_space<vmem_shared>> -> memref<626x16xf32, #tpu.memory_space<vmem_shared>>
      tpu.wait_dma2 semaphore(%run_scoped3A : memref<!tpu.dma_semaphore, #tpu.memory_space<semaphore_mem>>) src(%arg16 : memref<626x16xf32, #tpu.memory_space<vmem>>) dst(%dma_wait3A_351 : memref<626x16xf32, #tpu.memory_space<vmem_shared>>)
      tpu.yield
    }) : () -> ()
    %dma_wait3A = arith.constant 0 : i32
    %dma_wait3A_23 = arith.constant 0 : i32
    %dma_wait3A_24 = tpu.memref_slice %arg2[%add3A, %dma_wait3A, %dma_wait3A_23] : memref<32x80x128xi32, #tpu.memory_space<hbm>> -> memref<1x80x128xi32, #tpu.memory_space<hbm>>
    %dma_wait3A_25 = tpu.memref_squeeze %dma_wait3A_24 : memref<1x80x128xi32, #tpu.memory_space<hbm>> -> memref<80x128xi32, #tpu.memory_space<hbm>>
    %dma_wait3A_26 = arith.constant 0 : i32
    %dma_wait3A_27 = arith.constant 0 : i32
    %dma_wait3A_28 = tpu.memref_slice %arg2[%add3A, %dma_wait3A_26, %dma_wait3A_27] : memref<32x80x128xi32, #tpu.memory_space<hbm>> -> memref<1x80x128xi32, #tpu.memory_space<hbm>>
    %dma_wait3A_29 = tpu.memref_squeeze %dma_wait3A_28 : memref<1x80x128xi32, #tpu.memory_space<hbm>> -> memref<80x128xi32, #tpu.memory_space<hbm>>
    tpu.wait_dma2 semaphore(%arg34 : memref<!tpu.dma_semaphore, #tpu.memory_space<semaphore_mem>>) src(%dma_wait3A_29 : memref<80x128xi32, #tpu.memory_space<hbm>>) dst(%arg6 : memref<80x128xi32, #tpu.memory_space<vmem>>)
    %dma_wait3A_30 = arith.constant 0 : i32
    %dma_wait3A_31 = arith.constant 0 : i32
    %dma_wait3A_32 = tpu.memref_slice %arg3[%add3A, %dma_wait3A_30, %dma_wait3A_31] : memref<32x80x128xi32, #tpu.memory_space<hbm>> -> memref<1x80x128xi32, #tpu.memory_space<hbm>>
    %dma_wait3A_33 = tpu.memref_squeeze %dma_wait3A_32 : memref<1x80x128xi32, #tpu.memory_space<hbm>> -> memref<80x128xi32, #tpu.memory_space<hbm>>
    %dma_wait3A_34 = arith.constant 0 : i32
    %dma_wait3A_35 = arith.constant 0 : i32
    %dma_wait3A_36 = tpu.memref_slice %arg3[%add3A, %dma_wait3A_34, %dma_wait3A_35] : memref<32x80x128xi32, #tpu.memory_space<hbm>> -> memref<1x80x128xi32, #tpu.memory_space<hbm>>
    %dma_wait3A_37 = tpu.memref_squeeze %dma_wait3A_36 : memref<1x80x128xi32, #tpu.memory_space<hbm>> -> memref<80x128xi32, #tpu.memory_space<hbm>>
    tpu.wait_dma2 semaphore(%arg35 : memref<!tpu.dma_semaphore, #tpu.memory_space<semaphore_mem>>) src(%dma_wait3A_37 : memref<80x128xi32, #tpu.memory_space<hbm>>) dst(%arg7 : memref<80x128xi32, #tpu.memory_space<vmem>>)
    %barrier3A = arith.constant 0 : index
    tpu.barrier barrier_id(%barrier3A)
    %dma_start3A_38 = arith.constant 0 : i32
    %dma_start3A_39 = arith.constant 0 : i32
    %dma_start3A_40 = tpu.memref_slice %arg6[%dma_start3A_38, %dma_start3A_39] : memref<80x128xi32, #tpu.memory_space<vmem>> -> memref<1x128xi32, #tpu.memory_space<vmem>>
    %dma_start3A_41 = tpu.memref_squeeze %dma_start3A_40 : memref<1x128xi32, #tpu.memory_space<vmem>> -> memref<128xi32, #tpu.memory_space<vmem>>
    %dma_start3A_42 = arith.constant 0 : i32
    %dma_start3A_43 = arith.constant 0 : i32
    %dma_start3A_44 = tpu.memref_slice %arg4[%dma_start3A_42, %dma_start3A_43] : memref<10000x16xf32, #tpu.memory_space<hbm>> -> memref<10000x16xf32, #tpu.memory_space<hbm>>
    tpu.enqueue_indirect_dma source(%dma_start3A_44 : memref<10000x16xf32, #tpu.memory_space<hbm>>) target(%arg8 : memref<128x16xf32, #tpu.memory_space<vmem>>) offsets(%dma_start3A_41 : memref<128xi32, #tpu.memory_space<vmem>>) semaphore(%arg18 : memref<!tpu.dma_semaphore, #tpu.memory_space<semaphore_mem>>)
    %dma_start3A_45 = arith.constant 1 : i32
    %dma_start3A_46 = arith.constant 0 : i32
    %dma_start3A_47 = tpu.memref_slice %arg6[%dma_start3A_45, %dma_start3A_46] : memref<80x128xi32, #tpu.memory_space<vmem>> -> memref<1x128xi32, #tpu.memory_space<vmem>>
    %dma_start3A_48 = tpu.memref_squeeze %dma_start3A_47 : memref<1x128xi32, #tpu.memory_space<vmem>> -> memref<128xi32, #tpu.memory_space<vmem>>
    %dma_start3A_49 = arith.constant 0 : i32
    %dma_start3A_50 = arith.constant 0 : i32
    %dma_start3A_51 = tpu.memref_slice %arg4[%dma_start3A_49, %dma_start3A_50] : memref<10000x16xf32, #tpu.memory_space<hbm>> -> memref<10000x16xf32, #tpu.memory_space<hbm>>
    tpu.enqueue_indirect_dma source(%dma_start3A_51 : memref<10000x16xf32, #tpu.memory_space<hbm>>) target(%arg9 : memref<128x16xf32, #tpu.memory_space<vmem>>) offsets(%dma_start3A_48 : memref<128xi32, #tpu.memory_space<vmem>>) semaphore(%arg19 : memref<!tpu.dma_semaphore, #tpu.memory_space<semaphore_mem>>)
    %dma_start3A_52 = arith.constant 2 : i32
    %dma_start3A_53 = arith.constant 0 : i32
    %dma_start3A_54 = tpu.memref_slice %arg6[%dma_start3A_52, %dma_start3A_53] : memref<80x128xi32, #tpu.memory_space<vmem>> -> memref<1x128xi32, #tpu.memory_space<vmem>>
    %dma_start3A_55 = tpu.memref_squeeze %dma_start3A_54 : memref<1x128xi32, #tpu.memory_space<vmem>> -> memref<128xi32, #tpu.memory_space<vmem>>
    %dma_start3A_56 = arith.constant 0 : i32
    %dma_start3A_57 = arith.constant 0 : i32
    %dma_start3A_58 = tpu.memref_slice %arg4[%dma_start3A_56, %dma_start3A_57] : memref<10000x16xf32, #tpu.memory_space<hbm>> -> memref<10000x16xf32, #tpu.memory_space<hbm>>
    tpu.enqueue_indirect_dma source(%dma_start3A_58 : memref<10000x16xf32, #tpu.memory_space<hbm>>) target(%arg10 : memref<128x16xf32, #tpu.memory_space<vmem>>) offsets(%dma_start3A_55 : memref<128xi32, #tpu.memory_space<vmem>>) semaphore(%arg20 : memref<!tpu.dma_semaphore, #tpu.memory_space<semaphore_mem>>)
    %dma_start3A_59 = arith.constant 3 : i32
    %dma_start3A_60 = arith.constant 0 : i32
    %dma_start3A_61 = tpu.memref_slice %arg6[%dma_start3A_59, %dma_start3A_60] : memref<80x128xi32, #tpu.memory_space<vmem>> -> memref<1x128xi32, #tpu.memory_space<vmem>>
    %dma_start3A_62 = tpu.memref_squeeze %dma_start3A_61 : memref<1x128xi32, #tpu.memory_space<vmem>> -> memref<128xi32, #tpu.memory_space<vmem>>
    %dma_start3A_63 = arith.constant 0 : i32
    %dma_start3A_64 = arith.constant 0 : i32
    %dma_start3A_65 = tpu.memref_slice %arg4[%dma_start3A_63, %dma_start3A_64] : memref<10000x16xf32, #tpu.memory_space<hbm>> -> memref<10000x16xf32, #tpu.memory_space<hbm>>
    tpu.enqueue_indirect_dma source(%dma_start3A_65 : memref<10000x16xf32, #tpu.memory_space<hbm>>) target(%arg11 : memref<128x16xf32, #tpu.memory_space<vmem>>) offsets(%dma_start3A_62 : memref<128xi32, #tpu.memory_space<vmem>>) semaphore(%arg21 : memref<!tpu.dma_semaphore, #tpu.memory_space<semaphore_mem>>)
    %dma_wait3A_66 = arith.constant 0 : i32
    %dma_wait3A_67 = arith.constant 0 : i32
    %dma_wait3A_68 = tpu.memref_slice %arg6[%dma_wait3A_66, %dma_wait3A_67] : memref<80x128xi32, #tpu.memory_space<vmem>> -> memref<1x128xi32, #tpu.memory_space<vmem>>
    %dma_wait3A_69 = tpu.memref_squeeze %dma_wait3A_68 : memref<1x128xi32, #tpu.memory_space<vmem>> -> memref<128xi32, #tpu.memory_space<vmem>>
    %dma_wait3A_70 = arith.constant 0 : i32
    %dma_wait3A_71 = arith.constant 0 : i32
    %dma_wait3A_72 = tpu.memref_slice %arg4[%dma_wait3A_70, %dma_wait3A_71] : memref<10000x16xf32, #tpu.memory_space<hbm>> -> memref<10000x16xf32, #tpu.memory_space<hbm>>
    tpu.wait_indirect_dma semaphore(%arg18 : memref<!tpu.dma_semaphore, #tpu.memory_space<semaphore_mem>>) src(%dma_wait3A_72 : memref<10000x16xf32, #tpu.memory_space<hbm>>) dst(%arg8 : memref<128x16xf32, #tpu.memory_space<vmem>>)
    %dma_start3A_73 = arith.constant 0 : i32
    %dma_start3A_74 = arith.constant 0 : i32
    %dma_start3A_75 = tpu.memref_slice %arg7[%dma_start3A_73, %dma_start3A_74] : memref<80x128xi32, #tpu.memory_space<vmem>> -> memref<1x128xi32, #tpu.memory_space<vmem>>
    %dma_start3A_76 = tpu.memref_squeeze %dma_start3A_75 : memref<1x128xi32, #tpu.memory_space<vmem>> -> memref<128xi32, #tpu.memory_space<vmem>>
    %dma_start3A_77 = arith.constant 0 : i32
    %dma_start3A_78 = arith.constant 0 : i32
    %dma_start3A_79 = tpu.memref_slice %arg17[%dma_start3A_77, %dma_start3A_78] : memref<10016x16xf32, #tpu.memory_space<vmem_shared>> -> memref<10016x16xf32, #tpu.memory_space<vmem_shared>>
    tpu.enqueue_indirect_dma source(%arg8 : memref<128x16xf32, #tpu.memory_space<vmem>>) target(%dma_start3A_79 : memref<10016x16xf32, #tpu.memory_space<vmem_shared>>) offsets(%dma_start3A_76 : memref<128xi32, #tpu.memory_space<vmem>>) semaphore(%arg26 : memref<!tpu.dma_semaphore, #tpu.memory_space<semaphore_mem>>) {add = true}
    %min3A = arith.constant 4 : i32
    %min3A_80 = arith.constant 79 : i32
    %min3A_81 = arith.minsi %min3A, %min3A_80 : i32
    %dma_start3A_82 = arith.constant 0 : i32
    %dma_start3A_83 = tpu.memref_slice %arg6[%min3A_81, %dma_start3A_82] : memref<80x128xi32, #tpu.memory_space<vmem>> -> memref<1x128xi32, #tpu.memory_space<vmem>>
    %dma_start3A_84 = tpu.memref_squeeze %dma_start3A_83 : memref<1x128xi32, #tpu.memory_space<vmem>> -> memref<128xi32, #tpu.memory_space<vmem>>
    %dma_start3A_85 = arith.constant 0 : i32
    %dma_start3A_86 = arith.constant 0 : i32
    %dma_start3A_87 = tpu.memref_slice %arg4[%dma_start3A_85, %dma_start3A_86] : memref<10000x16xf32, #tpu.memory_space<hbm>> -> memref<10000x16xf32, #tpu.memory_space<hbm>>
    tpu.enqueue_indirect_dma source(%dma_start3A_87 : memref<10000x16xf32, #tpu.memory_space<hbm>>) target(%arg12 : memref<128x16xf32, #tpu.memory_space<vmem>>) offsets(%dma_start3A_84 : memref<128xi32, #tpu.memory_space<vmem>>) semaphore(%arg22 : memref<!tpu.dma_semaphore, #tpu.memory_space<semaphore_mem>>)
    %dma_wait3A_88 = arith.constant 1 : i32
    %dma_wait3A_89 = arith.constant 0 : i32
    %dma_wait3A_90 = tpu.memref_slice %arg6[%dma_wait3A_88, %dma_wait3A_89] : memref<80x128xi32, #tpu.memory_space<vmem>> -> memref<1x128xi32, #tpu.memory_space<vmem>>
    %dma_wait3A_91 = tpu.memref_squeeze %dma_wait3A_90 : memref<1x128xi32, #tpu.memory_space<vmem>> -> memref<128xi32, #tpu.memory_space<vmem>>
    %dma_wait3A_92 = arith.constant 0 : i32
    %dma_wait3A_93 = arith.constant 0 : i32
    %dma_wait3A_94 = tpu.memref_slice %arg4[%dma_wait3A_92, %dma_wait3A_93] : memref<10000x16xf32, #tpu.memory_space<hbm>> -> memref<10000x16xf32, #tpu.memory_space<hbm>>
    tpu.wait_indirect_dma semaphore(%arg19 : memref<!tpu.dma_semaphore, #tpu.memory_space<semaphore_mem>>) src(%dma_wait3A_94 : memref<10000x16xf32, #tpu.memory_space<hbm>>) dst(%arg9 : memref<128x16xf32, #tpu.memory_space<vmem>>)
    %dma_start3A_95 = arith.constant 1 : i32
    %dma_start3A_96 = arith.constant 0 : i32
    %dma_start3A_97 = tpu.memref_slice %arg7[%dma_start3A_95, %dma_start3A_96] : memref<80x128xi32, #tpu.memory_space<vmem>> -> memref<1x128xi32, #tpu.memory_space<vmem>>
    %dma_start3A_98 = tpu.memref_squeeze %dma_start3A_97 : memref<1x128xi32, #tpu.memory_space<vmem>> -> memref<128xi32, #tpu.memory_space<vmem>>
    %dma_start3A_99 = arith.constant 0 : i32
    %dma_start3A_100 = arith.constant 0 : i32
    %dma_start3A_101 = tpu.memref_slice %arg17[%dma_start3A_99, %dma_start3A_100] : memref<10016x16xf32, #tpu.memory_space<vmem_shared>> -> memref<10016x16xf32, #tpu.memory_space<vmem_shared>>
    tpu.enqueue_indirect_dma source(%arg9 : memref<128x16xf32, #tpu.memory_space<vmem>>) target(%dma_start3A_101 : memref<10016x16xf32, #tpu.memory_space<vmem_shared>>) offsets(%dma_start3A_98 : memref<128xi32, #tpu.memory_space<vmem>>) semaphore(%arg27 : memref<!tpu.dma_semaphore, #tpu.memory_space<semaphore_mem>>) {add = true}
    %min3A_102 = arith.constant 5 : i32
    %min3A_103 = arith.constant 79 : i32
    %min3A_104 = arith.minsi %min3A_102, %min3A_103 : i32
    %dma_start3A_105 = arith.constant 0 : i32
    %dma_start3A_106 = tpu.memref_slice %arg6[%min3A_104, %dma_start3A_105] : memref<80x128xi32, #tpu.memory_space<vmem>> -> memref<1x128xi32, #tpu.memory_space<vmem>>
    %dma_start3A_107 = tpu.memref_squeeze %dma_start3A_106 : memref<1x128xi32, #tpu.memory_space<vmem>> -> memref<128xi32, #tpu.memory_space<vmem>>
    %dma_start3A_108 = arith.constant 0 : i32
    %dma_start3A_109 = arith.constant 0 : i32
    %dma_start3A_110 = tpu.memref_slice %arg4[%dma_start3A_108, %dma_start3A_109] : memref<10000x16xf32, #tpu.memory_space<hbm>> -> memref<10000x16xf32, #tpu.memory_space<hbm>>
    tpu.enqueue_indirect_dma source(%dma_start3A_110 : memref<10000x16xf32, #tpu.memory_space<hbm>>) target(%arg13 : memref<128x16xf32, #tpu.memory_space<vmem>>) offsets(%dma_start3A_107 : memref<128xi32, #tpu.memory_space<vmem>>) semaphore(%arg23 : memref<!tpu.dma_semaphore, #tpu.memory_space<semaphore_mem>>)
    %dma_wait3A_111 = arith.constant 2 : i32
    %dma_wait3A_112 = arith.constant 0 : i32
    %dma_wait3A_113 = tpu.memref_slice %arg6[%dma_wait3A_111, %dma_wait3A_112] : memref<80x128xi32, #tpu.memory_space<vmem>> -> memref<1x128xi32, #tpu.memory_space<vmem>>
    %dma_wait3A_114 = tpu.memref_squeeze %dma_wait3A_113 : memref<1x128xi32, #tpu.memory_space<vmem>> -> memref<128xi32, #tpu.memory_space<vmem>>
    %dma_wait3A_115 = arith.constant 0 : i32
    %dma_wait3A_116 = arith.constant 0 : i32
    %dma_wait3A_117 = tpu.memref_slice %arg4[%dma_wait3A_115, %dma_wait3A_116] : memref<10000x16xf32, #tpu.memory_space<hbm>> -> memref<10000x16xf32, #tpu.memory_space<hbm>>
    tpu.wait_indirect_dma semaphore(%arg20 : memref<!tpu.dma_semaphore, #tpu.memory_space<semaphore_mem>>) src(%dma_wait3A_117 : memref<10000x16xf32, #tpu.memory_space<hbm>>) dst(%arg10 : memref<128x16xf32, #tpu.memory_space<vmem>>)
    %dma_start3A_118 = arith.constant 2 : i32
    %dma_start3A_119 = arith.constant 0 : i32
    %dma_start3A_120 = tpu.memref_slice %arg7[%dma_start3A_118, %dma_start3A_119] : memref<80x128xi32, #tpu.memory_space<vmem>> -> memref<1x128xi32, #tpu.memory_space<vmem>>
    %dma_start3A_121 = tpu.memref_squeeze %dma_start3A_120 : memref<1x128xi32, #tpu.memory_space<vmem>> -> memref<128xi32, #tpu.memory_space<vmem>>
    %dma_start3A_122 = arith.constant 0 : i32
    %dma_start3A_123 = arith.constant 0 : i32
    %dma_start3A_124 = tpu.memref_slice %arg17[%dma_start3A_122, %dma_start3A_123] : memref<10016x16xf32, #tpu.memory_space<vmem_shared>> -> memref<10016x16xf32, #tpu.memory_space<vmem_shared>>
    tpu.enqueue_indirect_dma source(%arg10 : memref<128x16xf32, #tpu.memory_space<vmem>>) target(%dma_start3A_124 : memref<10016x16xf32, #tpu.memory_space<vmem_shared>>) offsets(%dma_start3A_121 : memref<128xi32, #tpu.memory_space<vmem>>) semaphore(%arg28 : memref<!tpu.dma_semaphore, #tpu.memory_space<semaphore_mem>>) {add = true}
    %min3A_125 = arith.constant 6 : i32
    %min3A_126 = arith.constant 79 : i32
    %min3A_127 = arith.minsi %min3A_125, %min3A_126 : i32
    %dma_start3A_128 = arith.constant 0 : i32
    %dma_start3A_129 = tpu.memref_slice %arg6[%min3A_127, %dma_start3A_128] : memref<80x128xi32, #tpu.memory_space<vmem>> -> memref<1x128xi32, #tpu.memory_space<vmem>>
    %dma_start3A_130 = tpu.memref_squeeze %dma_start3A_129 : memref<1x128xi32, #tpu.memory_space<vmem>> -> memref<128xi32, #tpu.memory_space<vmem>>
    %dma_start3A_131 = arith.constant 0 : i32
    %dma_start3A_132 = arith.constant 0 : i32
    %dma_start3A_133 = tpu.memref_slice %arg4[%dma_start3A_131, %dma_start3A_132] : memref<10000x16xf32, #tpu.memory_space<hbm>> -> memref<10000x16xf32, #tpu.memory_space<hbm>>
    tpu.enqueue_indirect_dma source(%dma_start3A_133 : memref<10000x16xf32, #tpu.memory_space<hbm>>) target(%arg14 : memref<128x16xf32, #tpu.memory_space<vmem>>) offsets(%dma_start3A_130 : memref<128xi32, #tpu.memory_space<vmem>>) semaphore(%arg24 : memref<!tpu.dma_semaphore, #tpu.memory_space<semaphore_mem>>)
    %dma_wait3A_134 = arith.constant 3 : i32
    %dma_wait3A_135 = arith.constant 0 : i32
    %dma_wait3A_136 = tpu.memref_slice %arg6[%dma_wait3A_134, %dma_wait3A_135] : memref<80x128xi32, #tpu.memory_space<vmem>> -> memref<1x128xi32, #tpu.memory_space<vmem>>
    %dma_wait3A_137 = tpu.memref_squeeze %dma_wait3A_136 : memref<1x128xi32, #tpu.memory_space<vmem>> -> memref<128xi32, #tpu.memory_space<vmem>>
    %dma_wait3A_138 = arith.constant 0 : i32
    %dma_wait3A_139 = arith.constant 0 : i32
    %dma_wait3A_140 = tpu.memref_slice %arg4[%dma_wait3A_138, %dma_wait3A_139] : memref<10000x16xf32, #tpu.memory_space<hbm>> -> memref<10000x16xf32, #tpu.memory_space<hbm>>
    tpu.wait_indirect_dma semaphore(%arg21 : memref<!tpu.dma_semaphore, #tpu.memory_space<semaphore_mem>>) src(%dma_wait3A_140 : memref<10000x16xf32, #tpu.memory_space<hbm>>) dst(%arg11 : memref<128x16xf32, #tpu.memory_space<vmem>>)
    %dma_start3A_141 = arith.constant 3 : i32
    %dma_start3A_142 = arith.constant 0 : i32
    %dma_start3A_143 = tpu.memref_slice %arg7[%dma_start3A_141, %dma_start3A_142] : memref<80x128xi32, #tpu.memory_space<vmem>> -> memref<1x128xi32, #tpu.memory_space<vmem>>
    %dma_start3A_144 = tpu.memref_squeeze %dma_start3A_143 : memref<1x128xi32, #tpu.memory_space<vmem>> -> memref<128xi32, #tpu.memory_space<vmem>>
    %dma_start3A_145 = arith.constant 0 : i32
    %dma_start3A_146 = arith.constant 0 : i32
    %dma_start3A_147 = tpu.memref_slice %arg17[%dma_start3A_145, %dma_start3A_146] : memref<10016x16xf32, #tpu.memory_space<vmem_shared>> -> memref<10016x16xf32, #tpu.memory_space<vmem_shared>>
    tpu.enqueue_indirect_dma source(%arg11 : memref<128x16xf32, #tpu.memory_space<vmem>>) target(%dma_start3A_147 : memref<10016x16xf32, #tpu.memory_space<vmem_shared>>) offsets(%dma_start3A_144 : memref<128xi32, #tpu.memory_space<vmem>>) semaphore(%arg29 : memref<!tpu.dma_semaphore, #tpu.memory_space<semaphore_mem>>) {add = true}
    %min3A_148 = arith.constant 7 : i32
    %min3A_149 = arith.constant 79 : i32
    %min3A_150 = arith.minsi %min3A_148, %min3A_149 : i32
    %dma_start3A_151 = arith.constant 0 : i32
    %dma_start3A_152 = tpu.memref_slice %arg6[%min3A_150, %dma_start3A_151] : memref<80x128xi32, #tpu.memory_space<vmem>> -> memref<1x128xi32, #tpu.memory_space<vmem>>
    %dma_start3A_153 = tpu.memref_squeeze %dma_start3A_152 : memref<1x128xi32, #tpu.memory_space<vmem>> -> memref<128xi32, #tpu.memory_space<vmem>>
    %dma_start3A_154 = arith.constant 0 : i32
    %dma_start3A_155 = arith.constant 0 : i32
    %dma_start3A_156 = tpu.memref_slice %arg4[%dma_start3A_154, %dma_start3A_155] : memref<10000x16xf32, #tpu.memory_space<hbm>> -> memref<10000x16xf32, #tpu.memory_space<hbm>>
    tpu.enqueue_indirect_dma source(%dma_start3A_156 : memref<10000x16xf32, #tpu.memory_space<hbm>>) target(%arg15 : memref<128x16xf32, #tpu.memory_space<vmem>>) offsets(%dma_start3A_153 : memref<128xi32, #tpu.memory_space<vmem>>) semaphore(%arg25 : memref<!tpu.dma_semaphore, #tpu.memory_space<semaphore_mem>>)
    %scan3A_157 = arith.constant 0 : i32
    %scan3A_158 = arith.constant 0 : i32
    %scan3A_159 = arith.constant 9 : i32
    %scan3A_160 = arith.addi %scan3A_158, %scan3A_159 : i32
    %scan3A_161 = arith.constant 1 : i32
    scf.for %scan3A_344 = %scan3A_158 to %scan3A_160 step %scan3A_161  : i32 {
      %mul3A_345 = arith.constant 8 : i32
      %mul3A_346 = arith.muli %mul3A_345, %scan3A_344 : i32
      %add3A_347 = arith.constant 4 : i32
      %add3A_348 = arith.addi %add3A_347, %mul3A_346 : i32
      %add3A_349 = arith.constant 0 : i32
      %add3A_350 = arith.addi %add3A_348, %add3A_349 : i32
      %dma_wait3A_351 = arith.constant 0 : i32
      %dma_wait3A_352 = tpu.memref_slice %arg6[%add3A_350, %dma_wait3A_351] : memref<80x128xi32, #tpu.memory_space<vmem>> -> memref<1x128xi32, #tpu.memory_space<vmem>>
      %dma_wait3A_353 = tpu.memref_squeeze %dma_wait3A_352 : memref<1x128xi32, #tpu.memory_space<vmem>> -> memref<128xi32, #tpu.memory_space<vmem>>
      %dma_wait3A_354 = arith.constant 0 : i32
      %dma_wait3A_355 = arith.constant 0 : i32
      %dma_wait3A_356 = tpu.memref_slice %arg4[%dma_wait3A_354, %dma_wait3A_355] : memref<10000x16xf32, #tpu.memory_space<hbm>> -> memref<10000x16xf32, #tpu.memory_space<hbm>>
      tpu.wait_indirect_dma semaphore(%arg22 : memref<!tpu.dma_semaphore, #tpu.memory_space<semaphore_mem>>) src(%dma_wait3A_356 : memref<10000x16xf32, #tpu.memory_space<hbm>>) dst(%arg12 : memref<128x16xf32, #tpu.memory_space<vmem>>)
      %dma_start3A_357 = arith.constant 0 : i32
      %dma_start3A_358 = tpu.memref_slice %arg7[%add3A_350, %dma_start3A_357] : memref<80x128xi32, #tpu.memory_space<vmem>> -> memref<1x128xi32, #tpu.memory_space<vmem>>
      %dma_start3A_359 = tpu.memref_squeeze %dma_start3A_358 : memref<1x128xi32, #tpu.memory_space<vmem>> -> memref<128xi32, #tpu.memory_space<vmem>>
      %dma_start3A_360 = arith.constant 0 : i32
      %dma_start3A_361 = arith.constant 0 : i32
      %dma_start3A_362 = tpu.memref_slice %arg17[%dma_start3A_360, %dma_start3A_361] : memref<10016x16xf32, #tpu.memory_space<vmem_shared>> -> memref<10016x16xf32, #tpu.memory_space<vmem_shared>>
      tpu.enqueue_indirect_dma source(%arg12 : memref<128x16xf32, #tpu.memory_space<vmem>>) target(%dma_start3A_362 : memref<10016x16xf32, #tpu.memory_space<vmem_shared>>) offsets(%dma_start3A_359 : memref<128xi32, #tpu.memory_space<vmem>>) semaphore(%arg30 : memref<!tpu.dma_semaphore, #tpu.memory_space<semaphore_mem>>) {add = true}
      %dma_wait3A_363 = arith.constant 0 : i32
      %dma_wait3A_364 = tpu.memref_slice %arg7[%add3A_350, %dma_wait3A_363] : memref<80x128xi32, #tpu.memory_space<vmem>> -> memref<1x128xi32, #tpu.memory_space<vmem>>
      %dma_wait3A_365 = tpu.memref_squeeze %dma_wait3A_364 : memref<1x128xi32, #tpu.memory_space<vmem>> -> memref<128xi32, #tpu.memory_space<vmem>>
      %dma_wait3A_366 = arith.constant 0 : i32
      %dma_wait3A_367 = arith.constant 0 : i32
      %dma_wait3A_368 = tpu.memref_slice %arg17[%dma_wait3A_366, %dma_wait3A_367] : memref<10016x16xf32, #tpu.memory_space<vmem_shared>> -> memref<10016x16xf32, #tpu.memory_space<vmem_shared>>
      tpu.wait_indirect_dma semaphore(%arg26 : memref<!tpu.dma_semaphore, #tpu.memory_space<semaphore_mem>>) src(%arg8 : memref<128x16xf32, #tpu.memory_space<vmem>>) dst(%dma_wait3A_368 : memref<10016x16xf32, #tpu.memory_space<vmem_shared>>)
      %add3A_369 = arith.constant 4 : i32
      %add3A_370 = arith.addi %add3A_350, %add3A_369 : i32
      %min3A_371 = arith.constant 79 : i32
      %min3A_372 = arith.minsi %add3A_370, %min3A_371 : i32
      %dma_start3A_373 = arith.constant 0 : i32
      %dma_start3A_374 = tpu.memref_slice %arg6[%min3A_372, %dma_start3A_373] : memref<80x128xi32, #tpu.memory_space<vmem>> -> memref<1x128xi32, #tpu.memory_space<vmem>>
      %dma_start3A_375 = tpu.memref_squeeze %dma_start3A_374 : memref<1x128xi32, #tpu.memory_space<vmem>> -> memref<128xi32, #tpu.memory_space<vmem>>
      %dma_start3A_376 = arith.constant 0 : i32
      %dma_start3A_377 = arith.constant 0 : i32
      %dma_start3A_378 = tpu.memref_slice %arg4[%dma_start3A_376, %dma_start3A_377] : memref<10000x16xf32, #tpu.memory_space<hbm>> -> memref<10000x16xf32, #tpu.memory_space<hbm>>
      tpu.enqueue_indirect_dma source(%dma_start3A_378 : memref<10000x16xf32, #tpu.memory_space<hbm>>) target(%arg8 : memref<128x16xf32, #tpu.memory_space<vmem>>) offsets(%dma_start3A_375 : memref<128xi32, #tpu.memory_space<vmem>>) semaphore(%arg18 : memref<!tpu.dma_semaphore, #tpu.memory_space<semaphore_mem>>)
      %add3A_379 = arith.constant 1 : i32
      %add3A_380 = arith.addi %add3A_348, %add3A_379 : i32
      %dma_wait3A_381 = arith.constant 0 : i32
      %dma_wait3A_382 = tpu.memref_slice %arg6[%add3A_380, %dma_wait3A_381] : memref<80x128xi32, #tpu.memory_space<vmem>> -> memref<1x128xi32, #tpu.memory_space<vmem>>
      %dma_wait3A_383 = tpu.memref_squeeze %dma_wait3A_382 : memref<1x128xi32, #tpu.memory_space<vmem>> -> memref<128xi32, #tpu.memory_space<vmem>>
      %dma_wait3A_384 = arith.constant 0 : i32
      %dma_wait3A_385 = arith.constant 0 : i32
      %dma_wait3A_386 = tpu.memref_slice %arg4[%dma_wait3A_384, %dma_wait3A_385] : memref<10000x16xf32, #tpu.memory_space<hbm>> -> memref<10000x16xf32, #tpu.memory_space<hbm>>
      tpu.wait_indirect_dma semaphore(%arg23 : memref<!tpu.dma_semaphore, #tpu.memory_space<semaphore_mem>>) src(%dma_wait3A_386 : memref<10000x16xf32, #tpu.memory_space<hbm>>) dst(%arg13 : memref<128x16xf32, #tpu.memory_space<vmem>>)
      %dma_start3A_387 = arith.constant 0 : i32
      %dma_start3A_388 = tpu.memref_slice %arg7[%add3A_380, %dma_start3A_387] : memref<80x128xi32, #tpu.memory_space<vmem>> -> memref<1x128xi32, #tpu.memory_space<vmem>>
      %dma_start3A_389 = tpu.memref_squeeze %dma_start3A_388 : memref<1x128xi32, #tpu.memory_space<vmem>> -> memref<128xi32, #tpu.memory_space<vmem>>
      %dma_start3A_390 = arith.constant 0 : i32
      %dma_start3A_391 = arith.constant 0 : i32
      %dma_start3A_392 = tpu.memref_slice %arg17[%dma_start3A_390, %dma_start3A_391] : memref<10016x16xf32, #tpu.memory_space<vmem_shared>> -> memref<10016x16xf32, #tpu.memory_space<vmem_shared>>
      tpu.enqueue_indirect_dma source(%arg13 : memref<128x16xf32, #tpu.memory_space<vmem>>) target(%dma_start3A_392 : memref<10016x16xf32, #tpu.memory_space<vmem_shared>>) offsets(%dma_start3A_389 : memref<128xi32, #tpu.memory_space<vmem>>) semaphore(%arg31 : memref<!tpu.dma_semaphore, #tpu.memory_space<semaphore_mem>>) {add = true}
      %dma_wait3A_393 = arith.constant 0 : i32
      %dma_wait3A_394 = tpu.memref_slice %arg7[%add3A_380, %dma_wait3A_393] : memref<80x128xi32, #tpu.memory_space<vmem>> -> memref<1x128xi32, #tpu.memory_space<vmem>>
      %dma_wait3A_395 = tpu.memref_squeeze %dma_wait3A_394 : memref<1x128xi32, #tpu.memory_space<vmem>> -> memref<128xi32, #tpu.memory_space<vmem>>
      %dma_wait3A_396 = arith.constant 0 : i32
      %dma_wait3A_397 = arith.constant 0 : i32
      %dma_wait3A_398 = tpu.memref_slice %arg17[%dma_wait3A_396, %dma_wait3A_397] : memref<10016x16xf32, #tpu.memory_space<vmem_shared>> -> memref<10016x16xf32, #tpu.memory_space<vmem_shared>>
      tpu.wait_indirect_dma semaphore(%arg27 : memref<!tpu.dma_semaphore, #tpu.memory_space<semaphore_mem>>) src(%arg9 : memref<128x16xf32, #tpu.memory_space<vmem>>) dst(%dma_wait3A_398 : memref<10016x16xf32, #tpu.memory_space<vmem_shared>>)
      %add3A_399 = arith.constant 4 : i32
      %add3A_400 = arith.addi %add3A_380, %add3A_399 : i32
      %min3A_401 = arith.constant 79 : i32
      %min3A_402 = arith.minsi %add3A_400, %min3A_401 : i32
      %dma_start3A_403 = arith.constant 0 : i32
      %dma_start3A_404 = tpu.memref_slice %arg6[%min3A_402, %dma_start3A_403] : memref<80x128xi32, #tpu.memory_space<vmem>> -> memref<1x128xi32, #tpu.memory_space<vmem>>
      %dma_start3A_405 = tpu.memref_squeeze %dma_start3A_404 : memref<1x128xi32, #tpu.memory_space<vmem>> -> memref<128xi32, #tpu.memory_space<vmem>>
      %dma_start3A_406 = arith.constant 0 : i32
      %dma_start3A_407 = arith.constant 0 : i32
      %dma_start3A_408 = tpu.memref_slice %arg4[%dma_start3A_406, %dma_start3A_407] : memref<10000x16xf32, #tpu.memory_space<hbm>> -> memref<10000x16xf32, #tpu.memory_space<hbm>>
      tpu.enqueue_indirect_dma source(%dma_start3A_408 : memref<10000x16xf32, #tpu.memory_space<hbm>>) target(%arg9 : memref<128x16xf32, #tpu.memory_space<vmem>>) offsets(%dma_start3A_405 : memref<128xi32, #tpu.memory_space<vmem>>) semaphore(%arg19 : memref<!tpu.dma_semaphore, #tpu.memory_space<semaphore_mem>>)
      %add3A_409 = arith.constant 2 : i32
      %add3A_410 = arith.addi %add3A_348, %add3A_409 : i32
      %dma_wait3A_411 = arith.constant 0 : i32
      %dma_wait3A_412 = tpu.memref_slice %arg6[%add3A_410, %dma_wait3A_411] : memref<80x128xi32, #tpu.memory_space<vmem>> -> memref<1x128xi32, #tpu.memory_space<vmem>>
      %dma_wait3A_413 = tpu.memref_squeeze %dma_wait3A_412 : memref<1x128xi32, #tpu.memory_space<vmem>> -> memref<128xi32, #tpu.memory_space<vmem>>
      %dma_wait3A_414 = arith.constant 0 : i32
      %dma_wait3A_415 = arith.constant 0 : i32
      %dma_wait3A_416 = tpu.memref_slice %arg4[%dma_wait3A_414, %dma_wait3A_415] : memref<10000x16xf32, #tpu.memory_space<hbm>> -> memref<10000x16xf32, #tpu.memory_space<hbm>>
      tpu.wait_indirect_dma semaphore(%arg24 : memref<!tpu.dma_semaphore, #tpu.memory_space<semaphore_mem>>) src(%dma_wait3A_416 : memref<10000x16xf32, #tpu.memory_space<hbm>>) dst(%arg14 : memref<128x16xf32, #tpu.memory_space<vmem>>)
      %dma_start3A_417 = arith.constant 0 : i32
      %dma_start3A_418 = tpu.memref_slice %arg7[%add3A_410, %dma_start3A_417] : memref<80x128xi32, #tpu.memory_space<vmem>> -> memref<1x128xi32, #tpu.memory_space<vmem>>
      %dma_start3A_419 = tpu.memref_squeeze %dma_start3A_418 : memref<1x128xi32, #tpu.memory_space<vmem>> -> memref<128xi32, #tpu.memory_space<vmem>>
      %dma_start3A_420 = arith.constant 0 : i32
      %dma_start3A_421 = arith.constant 0 : i32
      %dma_start3A_422 = tpu.memref_slice %arg17[%dma_start3A_420, %dma_start3A_421] : memref<10016x16xf32, #tpu.memory_space<vmem_shared>> -> memref<10016x16xf32, #tpu.memory_space<vmem_shared>>
      tpu.enqueue_indirect_dma source(%arg14 : memref<128x16xf32, #tpu.memory_space<vmem>>) target(%dma_start3A_422 : memref<10016x16xf32, #tpu.memory_space<vmem_shared>>) offsets(%dma_start3A_419 : memref<128xi32, #tpu.memory_space<vmem>>) semaphore(%arg32 : memref<!tpu.dma_semaphore, #tpu.memory_space<semaphore_mem>>) {add = true}
      %dma_wait3A_423 = arith.constant 0 : i32
      %dma_wait3A_424 = tpu.memref_slice %arg7[%add3A_410, %dma_wait3A_423] : memref<80x128xi32, #tpu.memory_space<vmem>> -> memref<1x128xi32, #tpu.memory_space<vmem>>
      %dma_wait3A_425 = tpu.memref_squeeze %dma_wait3A_424 : memref<1x128xi32, #tpu.memory_space<vmem>> -> memref<128xi32, #tpu.memory_space<vmem>>
      %dma_wait3A_426 = arith.constant 0 : i32
      %dma_wait3A_427 = arith.constant 0 : i32
      %dma_wait3A_428 = tpu.memref_slice %arg17[%dma_wait3A_426, %dma_wait3A_427] : memref<10016x16xf32, #tpu.memory_space<vmem_shared>> -> memref<10016x16xf32, #tpu.memory_space<vmem_shared>>
      tpu.wait_indirect_dma semaphore(%arg28 : memref<!tpu.dma_semaphore, #tpu.memory_space<semaphore_mem>>) src(%arg10 : memref<128x16xf32, #tpu.memory_space<vmem>>) dst(%dma_wait3A_428 : memref<10016x16xf32, #tpu.memory_space<vmem_shared>>)
      %add3A_429 = arith.constant 4 : i32
      %add3A_430 = arith.addi %add3A_410, %add3A_429 : i32
      %min3A_431 = arith.constant 79 : i32
      %min3A_432 = arith.minsi %add3A_430, %min3A_431 : i32
      %dma_start3A_433 = arith.constant 0 : i32
      %dma_start3A_434 = tpu.memref_slice %arg6[%min3A_432, %dma_start3A_433] : memref<80x128xi32, #tpu.memory_space<vmem>> -> memref<1x128xi32, #tpu.memory_space<vmem>>
      %dma_start3A_435 = tpu.memref_squeeze %dma_start3A_434 : memref<1x128xi32, #tpu.memory_space<vmem>> -> memref<128xi32, #tpu.memory_space<vmem>>
      %dma_start3A_436 = arith.constant 0 : i32
      %dma_start3A_437 = arith.constant 0 : i32
      %dma_start3A_438 = tpu.memref_slice %arg4[%dma_start3A_436, %dma_start3A_437] : memref<10000x16xf32, #tpu.memory_space<hbm>> -> memref<10000x16xf32, #tpu.memory_space<hbm>>
      tpu.enqueue_indirect_dma source(%dma_start3A_438 : memref<10000x16xf32, #tpu.memory_space<hbm>>) target(%arg10 : memref<128x16xf32, #tpu.memory_space<vmem>>) offsets(%dma_start3A_435 : memref<128xi32, #tpu.memory_space<vmem>>) semaphore(%arg20 : memref<!tpu.dma_semaphore, #tpu.memory_space<semaphore_mem>>)
      %add3A_439 = arith.constant 3 : i32
      %add3A_440 = arith.addi %add3A_348, %add3A_439 : i32
      %dma_wait3A_441 = arith.constant 0 : i32
      %dma_wait3A_442 = tpu.memref_slice %arg6[%add3A_440, %dma_wait3A_441] : memref<80x128xi32, #tpu.memory_space<vmem>> -> memref<1x128xi32, #tpu.memory_space<vmem>>
      %dma_wait3A_443 = tpu.memref_squeeze %dma_wait3A_442 : memref<1x128xi32, #tpu.memory_space<vmem>> -> memref<128xi32, #tpu.memory_space<vmem>>
      %dma_wait3A_444 = arith.constant 0 : i32
      %dma_wait3A_445 = arith.constant 0 : i32
      %dma_wait3A_446 = tpu.memref_slice %arg4[%dma_wait3A_444, %dma_wait3A_445] : memref<10000x16xf32, #tpu.memory_space<hbm>> -> memref<10000x16xf32, #tpu.memory_space<hbm>>
      tpu.wait_indirect_dma semaphore(%arg25 : memref<!tpu.dma_semaphore, #tpu.memory_space<semaphore_mem>>) src(%dma_wait3A_446 : memref<10000x16xf32, #tpu.memory_space<hbm>>) dst(%arg15 : memref<128x16xf32, #tpu.memory_space<vmem>>)
      %dma_start3A_447 = arith.constant 0 : i32
      %dma_start3A_448 = tpu.memref_slice %arg7[%add3A_440, %dma_start3A_447] : memref<80x128xi32, #tpu.memory_space<vmem>> -> memref<1x128xi32, #tpu.memory_space<vmem>>
      %dma_start3A_449 = tpu.memref_squeeze %dma_start3A_448 : memref<1x128xi32, #tpu.memory_space<vmem>> -> memref<128xi32, #tpu.memory_space<vmem>>
      %dma_start3A_450 = arith.constant 0 : i32
      %dma_start3A_451 = arith.constant 0 : i32
      %dma_start3A_452 = tpu.memref_slice %arg17[%dma_start3A_450, %dma_start3A_451] : memref<10016x16xf32, #tpu.memory_space<vmem_shared>> -> memref<10016x16xf32, #tpu.memory_space<vmem_shared>>
      tpu.enqueue_indirect_dma source(%arg15 : memref<128x16xf32, #tpu.memory_space<vmem>>) target(%dma_start3A_452 : memref<10016x16xf32, #tpu.memory_space<vmem_shared>>) offsets(%dma_start3A_449 : memref<128xi32, #tpu.memory_space<vmem>>) semaphore(%arg33 : memref<!tpu.dma_semaphore, #tpu.memory_space<semaphore_mem>>) {add = true}
      %dma_wait3A_453 = arith.constant 0 : i32
      %dma_wait3A_454 = tpu.memref_slice %arg7[%add3A_440, %dma_wait3A_453] : memref<80x128xi32, #tpu.memory_space<vmem>> -> memref<1x128xi32, #tpu.memory_space<vmem>>
      %dma_wait3A_455 = tpu.memref_squeeze %dma_wait3A_454 : memref<1x128xi32, #tpu.memory_space<vmem>> -> memref<128xi32, #tpu.memory_space<vmem>>
      %dma_wait3A_456 = arith.constant 0 : i32
      %dma_wait3A_457 = arith.constant 0 : i32
      %dma_wait3A_458 = tpu.memref_slice %arg17[%dma_wait3A_456, %dma_wait3A_457] : memref<10016x16xf32, #tpu.memory_space<vmem_shared>> -> memref<10016x16xf32, #tpu.memory_space<vmem_shared>>
      tpu.wait_indirect_dma semaphore(%arg29 : memref<!tpu.dma_semaphore, #tpu.memory_space<semaphore_mem>>) src(%arg11 : memref<128x16xf32, #tpu.memory_space<vmem>>) dst(%dma_wait3A_458 : memref<10016x16xf32, #tpu.memory_space<vmem_shared>>)
      %add3A_459 = arith.constant 4 : i32
      %add3A_460 = arith.addi %add3A_440, %add3A_459 : i32
      %min3A_461 = arith.constant 79 : i32
      %min3A_462 = arith.minsi %add3A_460, %min3A_461 : i32
      %dma_start3A_463 = arith.constant 0 : i32
      %dma_start3A_464 = tpu.memref_slice %arg6[%min3A_462, %dma_start3A_463] : memref<80x128xi32, #tpu.memory_space<vmem>> -> memref<1x128xi32, #tpu.memory_space<vmem>>
      %dma_start3A_465 = tpu.memref_squeeze %dma_start3A_464 : memref<1x128xi32, #tpu.memory_space<vmem>> -> memref<128xi32, #tpu.memory_space<vmem>>
      %dma_start3A_466 = arith.constant 0 : i32
      %dma_start3A_467 = arith.constant 0 : i32
      %dma_start3A_468 = tpu.memref_slice %arg4[%dma_start3A_466, %dma_start3A_467] : memref<10000x16xf32, #tpu.memory_space<hbm>> -> memref<10000x16xf32, #tpu.memory_space<hbm>>
      tpu.enqueue_indirect_dma source(%dma_start3A_468 : memref<10000x16xf32, #tpu.memory_space<hbm>>) target(%arg11 : memref<128x16xf32, #tpu.memory_space<vmem>>) offsets(%dma_start3A_465 : memref<128xi32, #tpu.memory_space<vmem>>) semaphore(%arg21 : memref<!tpu.dma_semaphore, #tpu.memory_space<semaphore_mem>>)
      %add3A_469 = arith.constant 4 : i32
      %add3A_470 = arith.addi %add3A_348, %add3A_469 : i32
      %dma_wait3A_471 = arith.constant 0 : i32
      %dma_wait3A_472 = tpu.memref_slice %arg6[%add3A_470, %dma_wait3A_471] : memref<80x128xi32, #tpu.memory_space<vmem>> -> memref<1x128xi32, #tpu.memory_space<vmem>>
      %dma_wait3A_473 = tpu.memref_squeeze %dma_wait3A_472 : memref<1x128xi32, #tpu.memory_space<vmem>> -> memref<128xi32, #tpu.memory_space<vmem>>
      %dma_wait3A_474 = arith.constant 0 : i32
      %dma_wait3A_475 = arith.constant 0 : i32
      %dma_wait3A_476 = tpu.memref_slice %arg4[%dma_wait3A_474, %dma_wait3A_475] : memref<10000x16xf32, #tpu.memory_space<hbm>> -> memref<10000x16xf32, #tpu.memory_space<hbm>>
      tpu.wait_indirect_dma semaphore(%arg18 : memref<!tpu.dma_semaphore, #tpu.memory_space<semaphore_mem>>) src(%dma_wait3A_476 : memref<10000x16xf32, #tpu.memory_space<hbm>>) dst(%arg8 : memref<128x16xf32, #tpu.memory_space<vmem>>)
      %dma_start3A_477 = arith.constant 0 : i32
      %dma_start3A_478 = tpu.memref_slice %arg7[%add3A_470, %dma_start3A_477] : memref<80x128xi32, #tpu.memory_space<vmem>> -> memref<1x128xi32, #tpu.memory_space<vmem>>
      %dma_start3A_479 = tpu.memref_squeeze %dma_start3A_478 : memref<1x128xi32, #tpu.memory_space<vmem>> -> memref<128xi32, #tpu.memory_space<vmem>>
      %dma_start3A_480 = arith.constant 0 : i32
      %dma_start3A_481 = arith.constant 0 : i32
      %dma_start3A_482 = tpu.memref_slice %arg17[%dma_start3A_480, %dma_start3A_481] : memref<10016x16xf32, #tpu.memory_space<vmem_shared>> -> memref<10016x16xf32, #tpu.memory_space<vmem_shared>>
      tpu.enqueue_indirect_dma source(%arg8 : memref<128x16xf32, #tpu.memory_space<vmem>>) target(%dma_start3A_482 : memref<10016x16xf32, #tpu.memory_space<vmem_shared>>) offsets(%dma_start3A_479 : memref<128xi32, #tpu.memory_space<vmem>>) semaphore(%arg26 : memref<!tpu.dma_semaphore, #tpu.memory_space<semaphore_mem>>) {add = true}
      %dma_wait3A_483 = arith.constant 0 : i32
      %dma_wait3A_484 = tpu.memref_slice %arg7[%add3A_470, %dma_wait3A_483] : memref<80x128xi32, #tpu.memory_space<vmem>> -> memref<1x128xi32, #tpu.memory_space<vmem>>
      %dma_wait3A_485 = tpu.memref_squeeze %dma_wait3A_484 : memref<1x128xi32, #tpu.memory_space<vmem>> -> memref<128xi32, #tpu.memory_space<vmem>>
      %dma_wait3A_486 = arith.constant 0 : i32
      %dma_wait3A_487 = arith.constant 0 : i32
      %dma_wait3A_488 = tpu.memref_slice %arg17[%dma_wait3A_486, %dma_wait3A_487] : memref<10016x16xf32, #tpu.memory_space<vmem_shared>> -> memref<10016x16xf32, #tpu.memory_space<vmem_shared>>
      tpu.wait_indirect_dma semaphore(%arg30 : memref<!tpu.dma_semaphore, #tpu.memory_space<semaphore_mem>>) src(%arg12 : memref<128x16xf32, #tpu.memory_space<vmem>>) dst(%dma_wait3A_488 : memref<10016x16xf32, #tpu.memory_space<vmem_shared>>)
      %add3A_489 = arith.constant 4 : i32
      %add3A_490 = arith.addi %add3A_470, %add3A_489 : i32
      %min3A_491 = arith.constant 79 : i32
      %min3A_492 = arith.minsi %add3A_490, %min3A_491 : i32
      %dma_start3A_493 = arith.constant 0 : i32
      %dma_start3A_494 = tpu.memref_slice %arg6[%min3A_492, %dma_start3A_493] : memref<80x128xi32, #tpu.memory_space<vmem>> -> memref<1x128xi32, #tpu.memory_space<vmem>>
      %dma_start3A_495 = tpu.memref_squeeze %dma_start3A_494 : memref<1x128xi32, #tpu.memory_space<vmem>> -> memref<128xi32, #tpu.memory_space<vmem>>
      %dma_start3A_496 = arith.constant 0 : i32
      %dma_start3A_497 = arith.constant 0 : i32
      %dma_start3A_498 = tpu.memref_slice %arg4[%dma_start3A_496, %dma_start3A_497] : memref<10000x16xf32, #tpu.memory_space<hbm>> -> memref<10000x16xf32, #tpu.memory_space<hbm>>
      tpu.enqueue_indirect_dma source(%dma_start3A_498 : memref<10000x16xf32, #tpu.memory_space<hbm>>) target(%arg12 : memref<128x16xf32, #tpu.memory_space<vmem>>) offsets(%dma_start3A_495 : memref<128xi32, #tpu.memory_space<vmem>>) semaphore(%arg22 : memref<!tpu.dma_semaphore, #tpu.memory_space<semaphore_mem>>)
      %add3A_499 = arith.constant 5 : i32
      %add3A_500 = arith.addi %add3A_348, %add3A_499 : i32
      %dma_wait3A_501 = arith.constant 0 : i32
      %dma_wait3A_502 = tpu.memref_slice %arg6[%add3A_500, %dma_wait3A_501] : memref<80x128xi32, #tpu.memory_space<vmem>> -> memref<1x128xi32, #tpu.memory_space<vmem>>
      %dma_wait3A_503 = tpu.memref_squeeze %dma_wait3A_502 : memref<1x128xi32, #tpu.memory_space<vmem>> -> memref<128xi32, #tpu.memory_space<vmem>>
      %dma_wait3A_504 = arith.constant 0 : i32
      %dma_wait3A_505 = arith.constant 0 : i32
      %dma_wait3A_506 = tpu.memref_slice %arg4[%dma_wait3A_504, %dma_wait3A_505] : memref<10000x16xf32, #tpu.memory_space<hbm>> -> memref<10000x16xf32, #tpu.memory_space<hbm>>
      tpu.wait_indirect_dma semaphore(%arg19 : memref<!tpu.dma_semaphore, #tpu.memory_space<semaphore_mem>>) src(%dma_wait3A_506 : memref<10000x16xf32, #tpu.memory_space<hbm>>) dst(%arg9 : memref<128x16xf32, #tpu.memory_space<vmem>>)
      %dma_start3A_507 = arith.constant 0 : i32
      %dma_start3A_508 = tpu.memref_slice %arg7[%add3A_500, %dma_start3A_507] : memref<80x128xi32, #tpu.memory_space<vmem>> -> memref<1x128xi32, #tpu.memory_space<vmem>>
      %dma_start3A_509 = tpu.memref_squeeze %dma_start3A_508 : memref<1x128xi32, #tpu.memory_space<vmem>> -> memref<128xi32, #tpu.memory_space<vmem>>
      %dma_start3A_510 = arith.constant 0 : i32
      %dma_start3A_511 = arith.constant 0 : i32
      %dma_start3A_512 = tpu.memref_slice %arg17[%dma_start3A_510, %dma_start3A_511] : memref<10016x16xf32, #tpu.memory_space<vmem_shared>> -> memref<10016x16xf32, #tpu.memory_space<vmem_shared>>
      tpu.enqueue_indirect_dma source(%arg9 : memref<128x16xf32, #tpu.memory_space<vmem>>) target(%dma_start3A_512 : memref<10016x16xf32, #tpu.memory_space<vmem_shared>>) offsets(%dma_start3A_509 : memref<128xi32, #tpu.memory_space<vmem>>) semaphore(%arg27 : memref<!tpu.dma_semaphore, #tpu.memory_space<semaphore_mem>>) {add = true}
      %dma_wait3A_513 = arith.constant 0 : i32
      %dma_wait3A_514 = tpu.memref_slice %arg7[%add3A_500, %dma_wait3A_513] : memref<80x128xi32, #tpu.memory_space<vmem>> -> memref<1x128xi32, #tpu.memory_space<vmem>>
      %dma_wait3A_515 = tpu.memref_squeeze %dma_wait3A_514 : memref<1x128xi32, #tpu.memory_space<vmem>> -> memref<128xi32, #tpu.memory_space<vmem>>
      %dma_wait3A_516 = arith.constant 0 : i32
      %dma_wait3A_517 = arith.constant 0 : i32
      %dma_wait3A_518 = tpu.memref_slice %arg17[%dma_wait3A_516, %dma_wait3A_517] : memref<10016x16xf32, #tpu.memory_space<vmem_shared>> -> memref<10016x16xf32, #tpu.memory_space<vmem_shared>>
      tpu.wait_indirect_dma semaphore(%arg31 : memref<!tpu.dma_semaphore, #tpu.memory_space<semaphore_mem>>) src(%arg13 : memref<128x16xf32, #tpu.memory_space<vmem>>) dst(%dma_wait3A_518 : memref<10016x16xf32, #tpu.memory_space<vmem_shared>>)
      %add3A_519 = arith.constant 4 : i32
      %add3A_520 = arith.addi %add3A_500, %add3A_519 : i32
      %min3A_521 = arith.constant 79 : i32
      %min3A_522 = arith.minsi %add3A_520, %min3A_521 : i32
      %dma_start3A_523 = arith.constant 0 : i32
      %dma_start3A_524 = tpu.memref_slice %arg6[%min3A_522, %dma_start3A_523] : memref<80x128xi32, #tpu.memory_space<vmem>> -> memref<1x128xi32, #tpu.memory_space<vmem>>
      %dma_start3A_525 = tpu.memref_squeeze %dma_start3A_524 : memref<1x128xi32, #tpu.memory_space<vmem>> -> memref<128xi32, #tpu.memory_space<vmem>>
      %dma_start3A_526 = arith.constant 0 : i32
      %dma_start3A_527 = arith.constant 0 : i32
      %dma_start3A_528 = tpu.memref_slice %arg4[%dma_start3A_526, %dma_start3A_527] : memref<10000x16xf32, #tpu.memory_space<hbm>> -> memref<10000x16xf32, #tpu.memory_space<hbm>>
      tpu.enqueue_indirect_dma source(%dma_start3A_528 : memref<10000x16xf32, #tpu.memory_space<hbm>>) target(%arg13 : memref<128x16xf32, #tpu.memory_space<vmem>>) offsets(%dma_start3A_525 : memref<128xi32, #tpu.memory_space<vmem>>) semaphore(%arg23 : memref<!tpu.dma_semaphore, #tpu.memory_space<semaphore_mem>>)
      %add3A_529 = arith.constant 6 : i32
      %add3A_530 = arith.addi %add3A_348, %add3A_529 : i32
      %dma_wait3A_531 = arith.constant 0 : i32
      %dma_wait3A_532 = tpu.memref_slice %arg6[%add3A_530, %dma_wait3A_531] : memref<80x128xi32, #tpu.memory_space<vmem>> -> memref<1x128xi32, #tpu.memory_space<vmem>>
      %dma_wait3A_533 = tpu.memref_squeeze %dma_wait3A_532 : memref<1x128xi32, #tpu.memory_space<vmem>> -> memref<128xi32, #tpu.memory_space<vmem>>
      %dma_wait3A_534 = arith.constant 0 : i32
      %dma_wait3A_535 = arith.constant 0 : i32
      %dma_wait3A_536 = tpu.memref_slice %arg4[%dma_wait3A_534, %dma_wait3A_535] : memref<10000x16xf32, #tpu.memory_space<hbm>> -> memref<10000x16xf32, #tpu.memory_space<hbm>>
      tpu.wait_indirect_dma semaphore(%arg20 : memref<!tpu.dma_semaphore, #tpu.memory_space<semaphore_mem>>) src(%dma_wait3A_536 : memref<10000x16xf32, #tpu.memory_space<hbm>>) dst(%arg10 : memref<128x16xf32, #tpu.memory_space<vmem>>)
      %dma_start3A_537 = arith.constant 0 : i32
      %dma_start3A_538 = tpu.memref_slice %arg7[%add3A_530, %dma_start3A_537] : memref<80x128xi32, #tpu.memory_space<vmem>> -> memref<1x128xi32, #tpu.memory_space<vmem>>
      %dma_start3A_539 = tpu.memref_squeeze %dma_start3A_538 : memref<1x128xi32, #tpu.memory_space<vmem>> -> memref<128xi32, #tpu.memory_space<vmem>>
      %dma_start3A_540 = arith.constant 0 : i32
      %dma_start3A_541 = arith.constant 0 : i32
      %dma_start3A_542 = tpu.memref_slice %arg17[%dma_start3A_540, %dma_start3A_541] : memref<10016x16xf32, #tpu.memory_space<vmem_shared>> -> memref<10016x16xf32, #tpu.memory_space<vmem_shared>>
      tpu.enqueue_indirect_dma source(%arg10 : memref<128x16xf32, #tpu.memory_space<vmem>>) target(%dma_start3A_542 : memref<10016x16xf32, #tpu.memory_space<vmem_shared>>) offsets(%dma_start3A_539 : memref<128xi32, #tpu.memory_space<vmem>>) semaphore(%arg28 : memref<!tpu.dma_semaphore, #tpu.memory_space<semaphore_mem>>) {add = true}
      %dma_wait3A_543 = arith.constant 0 : i32
      %dma_wait3A_544 = tpu.memref_slice %arg7[%add3A_530, %dma_wait3A_543] : memref<80x128xi32, #tpu.memory_space<vmem>> -> memref<1x128xi32, #tpu.memory_space<vmem>>
      %dma_wait3A_545 = tpu.memref_squeeze %dma_wait3A_544 : memref<1x128xi32, #tpu.memory_space<vmem>> -> memref<128xi32, #tpu.memory_space<vmem>>
      %dma_wait3A_546 = arith.constant 0 : i32
      %dma_wait3A_547 = arith.constant 0 : i32
      %dma_wait3A_548 = tpu.memref_slice %arg17[%dma_wait3A_546, %dma_wait3A_547] : memref<10016x16xf32, #tpu.memory_space<vmem_shared>> -> memref<10016x16xf32, #tpu.memory_space<vmem_shared>>
      tpu.wait_indirect_dma semaphore(%arg32 : memref<!tpu.dma_semaphore, #tpu.memory_space<semaphore_mem>>) src(%arg14 : memref<128x16xf32, #tpu.memory_space<vmem>>) dst(%dma_wait3A_548 : memref<10016x16xf32, #tpu.memory_space<vmem_shared>>)
      %add3A_549 = arith.constant 4 : i32
      %add3A_550 = arith.addi %add3A_530, %add3A_549 : i32
      %min3A_551 = arith.constant 79 : i32
      %min3A_552 = arith.minsi %add3A_550, %min3A_551 : i32
      %dma_start3A_553 = arith.constant 0 : i32
      %dma_start3A_554 = tpu.memref_slice %arg6[%min3A_552, %dma_start3A_553] : memref<80x128xi32, #tpu.memory_space<vmem>> -> memref<1x128xi32, #tpu.memory_space<vmem>>
      %dma_start3A_555 = tpu.memref_squeeze %dma_start3A_554 : memref<1x128xi32, #tpu.memory_space<vmem>> -> memref<128xi32, #tpu.memory_space<vmem>>
      %dma_start3A_556 = arith.constant 0 : i32
      %dma_start3A_557 = arith.constant 0 : i32
      %dma_start3A_558 = tpu.memref_slice %arg4[%dma_start3A_556, %dma_start3A_557] : memref<10000x16xf32, #tpu.memory_space<hbm>> -> memref<10000x16xf32, #tpu.memory_space<hbm>>
      tpu.enqueue_indirect_dma source(%dma_start3A_558 : memref<10000x16xf32, #tpu.memory_space<hbm>>) target(%arg14 : memref<128x16xf32, #tpu.memory_space<vmem>>) offsets(%dma_start3A_555 : memref<128xi32, #tpu.memory_space<vmem>>) semaphore(%arg24 : memref<!tpu.dma_semaphore, #tpu.memory_space<semaphore_mem>>)
      %add3A_559 = arith.constant 7 : i32
      %add3A_560 = arith.addi %add3A_348, %add3A_559 : i32
      %dma_wait3A_561 = arith.constant 0 : i32
      %dma_wait3A_562 = tpu.memref_slice %arg6[%add3A_560, %dma_wait3A_561] : memref<80x128xi32, #tpu.memory_space<vmem>> -> memref<1x128xi32, #tpu.memory_space<vmem>>
      %dma_wait3A_563 = tpu.memref_squeeze %dma_wait3A_562 : memref<1x128xi32, #tpu.memory_space<vmem>> -> memref<128xi32, #tpu.memory_space<vmem>>
      %dma_wait3A_564 = arith.constant 0 : i32
      %dma_wait3A_565 = arith.constant 0 : i32
      %dma_wait3A_566 = tpu.memref_slice %arg4[%dma_wait3A_564, %dma_wait3A_565] : memref<10000x16xf32, #tpu.memory_space<hbm>> -> memref<10000x16xf32, #tpu.memory_space<hbm>>
      tpu.wait_indirect_dma semaphore(%arg21 : memref<!tpu.dma_semaphore, #tpu.memory_space<semaphore_mem>>) src(%dma_wait3A_566 : memref<10000x16xf32, #tpu.memory_space<hbm>>) dst(%arg11 : memref<128x16xf32, #tpu.memory_space<vmem>>)
      %dma_start3A_567 = arith.constant 0 : i32
      %dma_start3A_568 = tpu.memref_slice %arg7[%add3A_560, %dma_start3A_567] : memref<80x128xi32, #tpu.memory_space<vmem>> -> memref<1x128xi32, #tpu.memory_space<vmem>>
      %dma_start3A_569 = tpu.memref_squeeze %dma_start3A_568 : memref<1x128xi32, #tpu.memory_space<vmem>> -> memref<128xi32, #tpu.memory_space<vmem>>
      %dma_start3A_570 = arith.constant 0 : i32
      %dma_start3A_571 = arith.constant 0 : i32
      %dma_start3A_572 = tpu.memref_slice %arg17[%dma_start3A_570, %dma_start3A_571] : memref<10016x16xf32, #tpu.memory_space<vmem_shared>> -> memref<10016x16xf32, #tpu.memory_space<vmem_shared>>
      tpu.enqueue_indirect_dma source(%arg11 : memref<128x16xf32, #tpu.memory_space<vmem>>) target(%dma_start3A_572 : memref<10016x16xf32, #tpu.memory_space<vmem_shared>>) offsets(%dma_start3A_569 : memref<128xi32, #tpu.memory_space<vmem>>) semaphore(%arg29 : memref<!tpu.dma_semaphore, #tpu.memory_space<semaphore_mem>>) {add = true}
      %dma_wait3A_573 = arith.constant 0 : i32
      %dma_wait3A_574 = tpu.memref_slice %arg7[%add3A_560, %dma_wait3A_573] : memref<80x128xi32, #tpu.memory_space<vmem>> -> memref<1x128xi32, #tpu.memory_space<vmem>>
      %dma_wait3A_575 = tpu.memref_squeeze %dma_wait3A_574 : memref<1x128xi32, #tpu.memory_space<vmem>> -> memref<128xi32, #tpu.memory_space<vmem>>
      %dma_wait3A_576 = arith.constant 0 : i32
      %dma_wait3A_577 = arith.constant 0 : i32
      %dma_wait3A_578 = tpu.memref_slice %arg17[%dma_wait3A_576, %dma_wait3A_577] : memref<10016x16xf32, #tpu.memory_space<vmem_shared>> -> memref<10016x16xf32, #tpu.memory_space<vmem_shared>>
      tpu.wait_indirect_dma semaphore(%arg33 : memref<!tpu.dma_semaphore, #tpu.memory_space<semaphore_mem>>) src(%arg15 : memref<128x16xf32, #tpu.memory_space<vmem>>) dst(%dma_wait3A_578 : memref<10016x16xf32, #tpu.memory_space<vmem_shared>>)
      %add3A_579 = arith.constant 4 : i32
      %add3A_580 = arith.addi %add3A_560, %add3A_579 : i32
      %min3A_581 = arith.constant 79 : i32
      %min3A_582 = arith.minsi %add3A_580, %min3A_581 : i32
      %dma_start3A_583 = arith.constant 0 : i32
      %dma_start3A_584 = tpu.memref_slice %arg6[%min3A_582, %dma_start3A_583] : memref<80x128xi32, #tpu.memory_space<vmem>> -> memref<1x128xi32, #tpu.memory_space<vmem>>
      %dma_start3A_585 = tpu.memref_squeeze %dma_start3A_584 : memref<1x128xi32, #tpu.memory_space<vmem>> -> memref<128xi32, #tpu.memory_space<vmem>>
      %dma_start3A_586 = arith.constant 0 : i32
      %dma_start3A_587 = arith.constant 0 : i32
      %dma_start3A_588 = tpu.memref_slice %arg4[%dma_start3A_586, %dma_start3A_587] : memref<10000x16xf32, #tpu.memory_space<hbm>> -> memref<10000x16xf32, #tpu.memory_space<hbm>>
      tpu.enqueue_indirect_dma source(%dma_start3A_588 : memref<10000x16xf32, #tpu.memory_space<hbm>>) target(%arg15 : memref<128x16xf32, #tpu.memory_space<vmem>>) offsets(%dma_start3A_585 : memref<128xi32, #tpu.memory_space<vmem>>) semaphore(%arg25 : memref<!tpu.dma_semaphore, #tpu.memory_space<semaphore_mem>>)
    }
    %scan3A_162 = arith.constant 9 : i32
    %dma_wait3A_163 = arith.constant 76 : i32
    %dma_wait3A_164 = arith.constant 0 : i32
    %dma_wait3A_165 = tpu.memref_slice %arg6[%dma_wait3A_163, %dma_wait3A_164] : memref<80x128xi32, #tpu.memory_space<vmem>> -> memref<1x128xi32, #tpu.memory_space<vmem>>
    %dma_wait3A_166 = tpu.memref_squeeze %dma_wait3A_165 : memref<1x128xi32, #tpu.memory_space<vmem>> -> memref<128xi32, #tpu.memory_space<vmem>>
    %dma_wait3A_167 = arith.constant 0 : i32
    %dma_wait3A_168 = arith.constant 0 : i32
    %dma_wait3A_169 = tpu.memref_slice %arg4[%dma_wait3A_167, %dma_wait3A_168] : memref<10000x16xf32, #tpu.memory_space<hbm>> -> memref<10000x16xf32, #tpu.memory_space<hbm>>
    tpu.wait_indirect_dma semaphore(%arg22 : memref<!tpu.dma_semaphore, #tpu.memory_space<semaphore_mem>>) src(%dma_wait3A_169 : memref<10000x16xf32, #tpu.memory_space<hbm>>) dst(%arg12 : memref<128x16xf32, #tpu.memory_space<vmem>>)
    %dma_start3A_170 = arith.constant 76 : i32
    %dma_start3A_171 = arith.constant 0 : i32
    %dma_start3A_172 = tpu.memref_slice %arg7[%dma_start3A_170, %dma_start3A_171] : memref<80x128xi32, #tpu.memory_space<vmem>> -> memref<1x128xi32, #tpu.memory_space<vmem>>
    %dma_start3A_173 = tpu.memref_squeeze %dma_start3A_172 : memref<1x128xi32, #tpu.memory_space<vmem>> -> memref<128xi32, #tpu.memory_space<vmem>>
    %dma_start3A_174 = arith.constant 0 : i32
    %dma_start3A_175 = arith.constant 0 : i32
    %dma_start3A_176 = tpu.memref_slice %arg17[%dma_start3A_174, %dma_start3A_175] : memref<10016x16xf32, #tpu.memory_space<vmem_shared>> -> memref<10016x16xf32, #tpu.memory_space<vmem_shared>>
    tpu.enqueue_indirect_dma source(%arg12 : memref<128x16xf32, #tpu.memory_space<vmem>>) target(%dma_start3A_176 : memref<10016x16xf32, #tpu.memory_space<vmem_shared>>) offsets(%dma_start3A_173 : memref<128xi32, #tpu.memory_space<vmem>>) semaphore(%arg30 : memref<!tpu.dma_semaphore, #tpu.memory_space<semaphore_mem>>) {add = true}
    %dma_wait3A_177 = arith.constant 76 : i32
    %dma_wait3A_178 = arith.constant 0 : i32
    %dma_wait3A_179 = tpu.memref_slice %arg7[%dma_wait3A_177, %dma_wait3A_178] : memref<80x128xi32, #tpu.memory_space<vmem>> -> memref<1x128xi32, #tpu.memory_space<vmem>>
    %dma_wait3A_180 = tpu.memref_squeeze %dma_wait3A_179 : memref<1x128xi32, #tpu.memory_space<vmem>> -> memref<128xi32, #tpu.memory_space<vmem>>
    %dma_wait3A_181 = arith.constant 0 : i32
    %dma_wait3A_182 = arith.constant 0 : i32
    %dma_wait3A_183 = tpu.memref_slice %arg17[%dma_wait3A_181, %dma_wait3A_182] : memref<10016x16xf32, #tpu.memory_space<vmem_shared>> -> memref<10016x16xf32, #tpu.memory_space<vmem_shared>>
    tpu.wait_indirect_dma semaphore(%arg26 : memref<!tpu.dma_semaphore, #tpu.memory_space<semaphore_mem>>) src(%arg8 : memref<128x16xf32, #tpu.memory_space<vmem>>) dst(%dma_wait3A_183 : memref<10016x16xf32, #tpu.memory_space<vmem_shared>>)
    %min3A_184 = arith.constant 80 : i32
    %min3A_185 = arith.constant 79 : i32
    %min3A_186 = arith.minsi %min3A_184, %min3A_185 : i32
    %dma_start3A_187 = arith.constant 0 : i32
    %dma_start3A_188 = tpu.memref_slice %arg6[%min3A_186, %dma_start3A_187] : memref<80x128xi32, #tpu.memory_space<vmem>> -> memref<1x128xi32, #tpu.memory_space<vmem>>
    %dma_start3A_189 = tpu.memref_squeeze %dma_start3A_188 : memref<1x128xi32, #tpu.memory_space<vmem>> -> memref<128xi32, #tpu.memory_space<vmem>>
    %dma_start3A_190 = arith.constant 0 : i32
    %dma_start3A_191 = arith.constant 0 : i32
    %dma_start3A_192 = tpu.memref_slice %arg4[%dma_start3A_190, %dma_start3A_191] : memref<10000x16xf32, #tpu.memory_space<hbm>> -> memref<10000x16xf32, #tpu.memory_space<hbm>>
    tpu.enqueue_indirect_dma source(%dma_start3A_192 : memref<10000x16xf32, #tpu.memory_space<hbm>>) target(%arg8 : memref<128x16xf32, #tpu.memory_space<vmem>>) offsets(%dma_start3A_189 : memref<128xi32, #tpu.memory_space<vmem>>) semaphore(%arg18 : memref<!tpu.dma_semaphore, #tpu.memory_space<semaphore_mem>>)
    %dma_wait3A_193 = arith.constant 77 : i32
    %dma_wait3A_194 = arith.constant 0 : i32
    %dma_wait3A_195 = tpu.memref_slice %arg6[%dma_wait3A_193, %dma_wait3A_194] : memref<80x128xi32, #tpu.memory_space<vmem>> -> memref<1x128xi32, #tpu.memory_space<vmem>>
    %dma_wait3A_196 = tpu.memref_squeeze %dma_wait3A_195 : memref<1x128xi32, #tpu.memory_space<vmem>> -> memref<128xi32, #tpu.memory_space<vmem>>
    %dma_wait3A_197 = arith.constant 0 : i32
    %dma_wait3A_198 = arith.constant 0 : i32
    %dma_wait3A_199 = tpu.memref_slice %arg4[%dma_wait3A_197, %dma_wait3A_198] : memref<10000x16xf32, #tpu.memory_space<hbm>> -> memref<10000x16xf32, #tpu.memory_space<hbm>>
    tpu.wait_indirect_dma semaphore(%arg23 : memref<!tpu.dma_semaphore, #tpu.memory_space<semaphore_mem>>) src(%dma_wait3A_199 : memref<10000x16xf32, #tpu.memory_space<hbm>>) dst(%arg13 : memref<128x16xf32, #tpu.memory_space<vmem>>)
    %dma_start3A_200 = arith.constant 77 : i32
    %dma_start3A_201 = arith.constant 0 : i32
    %dma_start3A_202 = tpu.memref_slice %arg7[%dma_start3A_200, %dma_start3A_201] : memref<80x128xi32, #tpu.memory_space<vmem>> -> memref<1x128xi32, #tpu.memory_space<vmem>>
    %dma_start3A_203 = tpu.memref_squeeze %dma_start3A_202 : memref<1x128xi32, #tpu.memory_space<vmem>> -> memref<128xi32, #tpu.memory_space<vmem>>
    %dma_start3A_204 = arith.constant 0 : i32
    %dma_start3A_205 = arith.constant 0 : i32
    %dma_start3A_206 = tpu.memref_slice %arg17[%dma_start3A_204, %dma_start3A_205] : memref<10016x16xf32, #tpu.memory_space<vmem_shared>> -> memref<10016x16xf32, #tpu.memory_space<vmem_shared>>
    tpu.enqueue_indirect_dma source(%arg13 : memref<128x16xf32, #tpu.memory_space<vmem>>) target(%dma_start3A_206 : memref<10016x16xf32, #tpu.memory_space<vmem_shared>>) offsets(%dma_start3A_203 : memref<128xi32, #tpu.memory_space<vmem>>) semaphore(%arg31 : memref<!tpu.dma_semaphore, #tpu.memory_space<semaphore_mem>>) {add = true}
    %dma_wait3A_207 = arith.constant 77 : i32
    %dma_wait3A_208 = arith.constant 0 : i32
    %dma_wait3A_209 = tpu.memref_slice %arg7[%dma_wait3A_207, %dma_wait3A_208] : memref<80x128xi32, #tpu.memory_space<vmem>> -> memref<1x128xi32, #tpu.memory_space<vmem>>
    %dma_wait3A_210 = tpu.memref_squeeze %dma_wait3A_209 : memref<1x128xi32, #tpu.memory_space<vmem>> -> memref<128xi32, #tpu.memory_space<vmem>>
    %dma_wait3A_211 = arith.constant 0 : i32
    %dma_wait3A_212 = arith.constant 0 : i32
    %dma_wait3A_213 = tpu.memref_slice %arg17[%dma_wait3A_211, %dma_wait3A_212] : memref<10016x16xf32, #tpu.memory_space<vmem_shared>> -> memref<10016x16xf32, #tpu.memory_space<vmem_shared>>
    tpu.wait_indirect_dma semaphore(%arg27 : memref<!tpu.dma_semaphore, #tpu.memory_space<semaphore_mem>>) src(%arg9 : memref<128x16xf32, #tpu.memory_space<vmem>>) dst(%dma_wait3A_213 : memref<10016x16xf32, #tpu.memory_space<vmem_shared>>)
    %min3A_214 = arith.constant 81 : i32
    %min3A_215 = arith.constant 79 : i32
    %min3A_216 = arith.minsi %min3A_214, %min3A_215 : i32
    %dma_start3A_217 = arith.constant 0 : i32
    %dma_start3A_218 = tpu.memref_slice %arg6[%min3A_216, %dma_start3A_217] : memref<80x128xi32, #tpu.memory_space<vmem>> -> memref<1x128xi32, #tpu.memory_space<vmem>>
    %dma_start3A_219 = tpu.memref_squeeze %dma_start3A_218 : memref<1x128xi32, #tpu.memory_space<vmem>> -> memref<128xi32, #tpu.memory_space<vmem>>
    %dma_start3A_220 = arith.constant 0 : i32
    %dma_start3A_221 = arith.constant 0 : i32
    %dma_start3A_222 = tpu.memref_slice %arg4[%dma_start3A_220, %dma_start3A_221] : memref<10000x16xf32, #tpu.memory_space<hbm>> -> memref<10000x16xf32, #tpu.memory_space<hbm>>
    tpu.enqueue_indirect_dma source(%dma_start3A_222 : memref<10000x16xf32, #tpu.memory_space<hbm>>) target(%arg9 : memref<128x16xf32, #tpu.memory_space<vmem>>) offsets(%dma_start3A_219 : memref<128xi32, #tpu.memory_space<vmem>>) semaphore(%arg19 : memref<!tpu.dma_semaphore, #tpu.memory_space<semaphore_mem>>)
    %dma_wait3A_223 = arith.constant 78 : i32
    %dma_wait3A_224 = arith.constant 0 : i32
    %dma_wait3A_225 = tpu.memref_slice %arg6[%dma_wait3A_223, %dma_wait3A_224] : memref<80x128xi32, #tpu.memory_space<vmem>> -> memref<1x128xi32, #tpu.memory_space<vmem>>
    %dma_wait3A_226 = tpu.memref_squeeze %dma_wait3A_225 : memref<1x128xi32, #tpu.memory_space<vmem>> -> memref<128xi32, #tpu.memory_space<vmem>>
    %dma_wait3A_227 = arith.constant 0 : i32
    %dma_wait3A_228 = arith.constant 0 : i32
    %dma_wait3A_229 = tpu.memref_slice %arg4[%dma_wait3A_227, %dma_wait3A_228] : memref<10000x16xf32, #tpu.memory_space<hbm>> -> memref<10000x16xf32, #tpu.memory_space<hbm>>
    tpu.wait_indirect_dma semaphore(%arg24 : memref<!tpu.dma_semaphore, #tpu.memory_space<semaphore_mem>>) src(%dma_wait3A_229 : memref<10000x16xf32, #tpu.memory_space<hbm>>) dst(%arg14 : memref<128x16xf32, #tpu.memory_space<vmem>>)
    %dma_start3A_230 = arith.constant 78 : i32
    %dma_start3A_231 = arith.constant 0 : i32
    %dma_start3A_232 = tpu.memref_slice %arg7[%dma_start3A_230, %dma_start3A_231] : memref<80x128xi32, #tpu.memory_space<vmem>> -> memref<1x128xi32, #tpu.memory_space<vmem>>
    %dma_start3A_233 = tpu.memref_squeeze %dma_start3A_232 : memref<1x128xi32, #tpu.memory_space<vmem>> -> memref<128xi32, #tpu.memory_space<vmem>>
    %dma_start3A_234 = arith.constant 0 : i32
    %dma_start3A_235 = arith.constant 0 : i32
    %dma_start3A_236 = tpu.memref_slice %arg17[%dma_start3A_234, %dma_start3A_235] : memref<10016x16xf32, #tpu.memory_space<vmem_shared>> -> memref<10016x16xf32, #tpu.memory_space<vmem_shared>>
    tpu.enqueue_indirect_dma source(%arg14 : memref<128x16xf32, #tpu.memory_space<vmem>>) target(%dma_start3A_236 : memref<10016x16xf32, #tpu.memory_space<vmem_shared>>) offsets(%dma_start3A_233 : memref<128xi32, #tpu.memory_space<vmem>>) semaphore(%arg32 : memref<!tpu.dma_semaphore, #tpu.memory_space<semaphore_mem>>) {add = true}
    %dma_wait3A_237 = arith.constant 78 : i32
    %dma_wait3A_238 = arith.constant 0 : i32
    %dma_wait3A_239 = tpu.memref_slice %arg7[%dma_wait3A_237, %dma_wait3A_238] : memref<80x128xi32, #tpu.memory_space<vmem>> -> memref<1x128xi32, #tpu.memory_space<vmem>>
    %dma_wait3A_240 = tpu.memref_squeeze %dma_wait3A_239 : memref<1x128xi32, #tpu.memory_space<vmem>> -> memref<128xi32, #tpu.memory_space<vmem>>
    %dma_wait3A_241 = arith.constant 0 : i32
    %dma_wait3A_242 = arith.constant 0 : i32
    %dma_wait3A_243 = tpu.memref_slice %arg17[%dma_wait3A_241, %dma_wait3A_242] : memref<10016x16xf32, #tpu.memory_space<vmem_shared>> -> memref<10016x16xf32, #tpu.memory_space<vmem_shared>>
    tpu.wait_indirect_dma semaphore(%arg28 : memref<!tpu.dma_semaphore, #tpu.memory_space<semaphore_mem>>) src(%arg10 : memref<128x16xf32, #tpu.memory_space<vmem>>) dst(%dma_wait3A_243 : memref<10016x16xf32, #tpu.memory_space<vmem_shared>>)
    %min3A_244 = arith.constant 82 : i32
    %min3A_245 = arith.constant 79 : i32
    %min3A_246 = arith.minsi %min3A_244, %min3A_245 : i32
    %dma_start3A_247 = arith.constant 0 : i32
    %dma_start3A_248 = tpu.memref_slice %arg6[%min3A_246, %dma_start3A_247] : memref<80x128xi32, #tpu.memory_space<vmem>> -> memref<1x128xi32, #tpu.memory_space<vmem>>
    %dma_start3A_249 = tpu.memref_squeeze %dma_start3A_248 : memref<1x128xi32, #tpu.memory_space<vmem>> -> memref<128xi32, #tpu.memory_space<vmem>>
    %dma_start3A_250 = arith.constant 0 : i32
    %dma_start3A_251 = arith.constant 0 : i32
    %dma_start3A_252 = tpu.memref_slice %arg4[%dma_start3A_250, %dma_start3A_251] : memref<10000x16xf32, #tpu.memory_space<hbm>> -> memref<10000x16xf32, #tpu.memory_space<hbm>>
    tpu.enqueue_indirect_dma source(%dma_start3A_252 : memref<10000x16xf32, #tpu.memory_space<hbm>>) target(%arg10 : memref<128x16xf32, #tpu.memory_space<vmem>>) offsets(%dma_start3A_249 : memref<128xi32, #tpu.memory_space<vmem>>) semaphore(%arg20 : memref<!tpu.dma_semaphore, #tpu.memory_space<semaphore_mem>>)
    %dma_wait3A_253 = arith.constant 79 : i32
    %dma_wait3A_254 = arith.constant 0 : i32
    %dma_wait3A_255 = tpu.memref_slice %arg6[%dma_wait3A_253, %dma_wait3A_254] : memref<80x128xi32, #tpu.memory_space<vmem>> -> memref<1x128xi32, #tpu.memory_space<vmem>>
    %dma_wait3A_256 = tpu.memref_squeeze %dma_wait3A_255 : memref<1x128xi32, #tpu.memory_space<vmem>> -> memref<128xi32, #tpu.memory_space<vmem>>
    %dma_wait3A_257 = arith.constant 0 : i32
    %dma_wait3A_258 = arith.constant 0 : i32
    %dma_wait3A_259 = tpu.memref_slice %arg4[%dma_wait3A_257, %dma_wait3A_258] : memref<10000x16xf32, #tpu.memory_space<hbm>> -> memref<10000x16xf32, #tpu.memory_space<hbm>>
    tpu.wait_indirect_dma semaphore(%arg25 : memref<!tpu.dma_semaphore, #tpu.memory_space<semaphore_mem>>) src(%dma_wait3A_259 : memref<10000x16xf32, #tpu.memory_space<hbm>>) dst(%arg15 : memref<128x16xf32, #tpu.memory_space<vmem>>)
    %dma_start3A_260 = arith.constant 79 : i32
    %dma_start3A_261 = arith.constant 0 : i32
    %dma_start3A_262 = tpu.memref_slice %arg7[%dma_start3A_260, %dma_start3A_261] : memref<80x128xi32, #tpu.memory_space<vmem>> -> memref<1x128xi32, #tpu.memory_space<vmem>>
    %dma_start3A_263 = tpu.memref_squeeze %dma_start3A_262 : memref<1x128xi32, #tpu.memory_space<vmem>> -> memref<128xi32, #tpu.memory_space<vmem>>
    %dma_start3A_264 = arith.constant 0 : i32
    %dma_start3A_265 = arith.constant 0 : i32
    %dma_start3A_266 = tpu.memref_slice %arg17[%dma_start3A_264, %dma_start3A_265] : memref<10016x16xf32, #tpu.memory_space<vmem_shared>> -> memref<10016x16xf32, #tpu.memory_space<vmem_shared>>
    tpu.enqueue_indirect_dma source(%arg15 : memref<128x16xf32, #tpu.memory_space<vmem>>) target(%dma_start3A_266 : memref<10016x16xf32, #tpu.memory_space<vmem_shared>>) offsets(%dma_start3A_263 : memref<128xi32, #tpu.memory_space<vmem>>) semaphore(%arg33 : memref<!tpu.dma_semaphore, #tpu.memory_space<semaphore_mem>>) {add = true}
    %dma_wait3A_267 = arith.constant 79 : i32
    %dma_wait3A_268 = arith.constant 0 : i32
    %dma_wait3A_269 = tpu.memref_slice %arg7[%dma_wait3A_267, %dma_wait3A_268] : memref<80x128xi32, #tpu.memory_space<vmem>> -> memref<1x128xi32, #tpu.memory_space<vmem>>
    %dma_wait3A_270 = tpu.memref_squeeze %dma_wait3A_269 : memref<1x128xi32, #tpu.memory_space<vmem>> -> memref<128xi32, #tpu.memory_space<vmem>>
    %dma_wait3A_271 = arith.constant 0 : i32
    %dma_wait3A_272 = arith.constant 0 : i32
    %dma_wait3A_273 = tpu.memref_slice %arg17[%dma_wait3A_271, %dma_wait3A_272] : memref<10016x16xf32, #tpu.memory_space<vmem_shared>> -> memref<10016x16xf32, #tpu.memory_space<vmem_shared>>
    tpu.wait_indirect_dma semaphore(%arg29 : memref<!tpu.dma_semaphore, #tpu.memory_space<semaphore_mem>>) src(%arg11 : memref<128x16xf32, #tpu.memory_space<vmem>>) dst(%dma_wait3A_273 : memref<10016x16xf32, #tpu.memory_space<vmem_shared>>)
    %min3A_274 = arith.constant 83 : i32
    %min3A_275 = arith.constant 79 : i32
    %min3A_276 = arith.minsi %min3A_274, %min3A_275 : i32
    %dma_start3A_277 = arith.constant 0 : i32
    %dma_start3A_278 = tpu.memref_slice %arg6[%min3A_276, %dma_start3A_277] : memref<80x128xi32, #tpu.memory_space<vmem>> -> memref<1x128xi32, #tpu.memory_space<vmem>>
    %dma_start3A_279 = tpu.memref_squeeze %dma_start3A_278 : memref<1x128xi32, #tpu.memory_space<vmem>> -> memref<128xi32, #tpu.memory_space<vmem>>
    %dma_start3A_280 = arith.constant 0 : i32
    %dma_start3A_281 = arith.constant 0 : i32
    %dma_start3A_282 = tpu.memref_slice %arg4[%dma_start3A_280, %dma_start3A_281] : memref<10000x16xf32, #tpu.memory_space<hbm>> -> memref<10000x16xf32, #tpu.memory_space<hbm>>
    tpu.enqueue_indirect_dma source(%dma_start3A_282 : memref<10000x16xf32, #tpu.memory_space<hbm>>) target(%arg11 : memref<128x16xf32, #tpu.memory_space<vmem>>) offsets(%dma_start3A_279 : memref<128xi32, #tpu.memory_space<vmem>>) semaphore(%arg21 : memref<!tpu.dma_semaphore, #tpu.memory_space<semaphore_mem>>)
    %dma_wait3A_283 = arith.constant 0 : i32
    %dma_wait3A_284 = arith.constant 0 : i32
    %dma_wait3A_285 = tpu.memref_slice %arg6[%dma_wait3A_283, %dma_wait3A_284] : memref<80x128xi32, #tpu.memory_space<vmem>> -> memref<1x128xi32, #tpu.memory_space<vmem>>
    %dma_wait3A_286 = tpu.memref_squeeze %dma_wait3A_285 : memref<1x128xi32, #tpu.memory_space<vmem>> -> memref<128xi32, #tpu.memory_space<vmem>>
    %dma_wait3A_287 = arith.constant 0 : i32
    %dma_wait3A_288 = arith.constant 0 : i32
    %dma_wait3A_289 = tpu.memref_slice %arg4[%dma_wait3A_287, %dma_wait3A_288] : memref<10000x16xf32, #tpu.memory_space<hbm>> -> memref<10000x16xf32, #tpu.memory_space<hbm>>
    tpu.wait_indirect_dma semaphore(%arg18 : memref<!tpu.dma_semaphore, #tpu.memory_space<semaphore_mem>>) src(%dma_wait3A_289 : memref<10000x16xf32, #tpu.memory_space<hbm>>) dst(%arg8 : memref<128x16xf32, #tpu.memory_space<vmem>>)
    %dma_wait3A_290 = arith.constant 0 : i32
    %dma_wait3A_291 = arith.constant 0 : i32
    %dma_wait3A_292 = tpu.memref_slice %arg6[%dma_wait3A_290, %dma_wait3A_291] : memref<80x128xi32, #tpu.memory_space<vmem>> -> memref<1x128xi32, #tpu.memory_space<vmem>>
    %dma_wait3A_293 = tpu.memref_squeeze %dma_wait3A_292 : memref<1x128xi32, #tpu.memory_space<vmem>> -> memref<128xi32, #tpu.memory_space<vmem>>
    %dma_wait3A_294 = arith.constant 0 : i32
    %dma_wait3A_295 = arith.constant 0 : i32
    %dma_wait3A_296 = tpu.memref_slice %arg4[%dma_wait3A_294, %dma_wait3A_295] : memref<10000x16xf32, #tpu.memory_space<hbm>> -> memref<10000x16xf32, #tpu.memory_space<hbm>>
    tpu.wait_indirect_dma semaphore(%arg19 : memref<!tpu.dma_semaphore, #tpu.memory_space<semaphore_mem>>) src(%dma_wait3A_296 : memref<10000x16xf32, #tpu.memory_space<hbm>>) dst(%arg9 : memref<128x16xf32, #tpu.memory_space<vmem>>)
    %dma_wait3A_297 = arith.constant 0 : i32
    %dma_wait3A_298 = arith.constant 0 : i32
    %dma_wait3A_299 = tpu.memref_slice %arg6[%dma_wait3A_297, %dma_wait3A_298] : memref<80x128xi32, #tpu.memory_space<vmem>> -> memref<1x128xi32, #tpu.memory_space<vmem>>
    %dma_wait3A_300 = tpu.memref_squeeze %dma_wait3A_299 : memref<1x128xi32, #tpu.memory_space<vmem>> -> memref<128xi32, #tpu.memory_space<vmem>>
    %dma_wait3A_301 = arith.constant 0 : i32
    %dma_wait3A_302 = arith.constant 0 : i32
    %dma_wait3A_303 = tpu.memref_slice %arg4[%dma_wait3A_301, %dma_wait3A_302] : memref<10000x16xf32, #tpu.memory_space<hbm>> -> memref<10000x16xf32, #tpu.memory_space<hbm>>
    tpu.wait_indirect_dma semaphore(%arg20 : memref<!tpu.dma_semaphore, #tpu.memory_space<semaphore_mem>>) src(%dma_wait3A_303 : memref<10000x16xf32, #tpu.memory_space<hbm>>) dst(%arg10 : memref<128x16xf32, #tpu.memory_space<vmem>>)
    %dma_wait3A_304 = arith.constant 0 : i32
    %dma_wait3A_305 = arith.constant 0 : i32
    %dma_wait3A_306 = tpu.memref_slice %arg6[%dma_wait3A_304, %dma_wait3A_305] : memref<80x128xi32, #tpu.memory_space<vmem>> -> memref<1x128xi32, #tpu.memory_space<vmem>>
    %dma_wait3A_307 = tpu.memref_squeeze %dma_wait3A_306 : memref<1x128xi32, #tpu.memory_space<vmem>> -> memref<128xi32, #tpu.memory_space<vmem>>
    %dma_wait3A_308 = arith.constant 0 : i32
    %dma_wait3A_309 = arith.constant 0 : i32
    %dma_wait3A_310 = tpu.memref_slice %arg4[%dma_wait3A_308, %dma_wait3A_309] : memref<10000x16xf32, #tpu.memory_space<hbm>> -> memref<10000x16xf32, #tpu.memory_space<hbm>>
    tpu.wait_indirect_dma semaphore(%arg21 : memref<!tpu.dma_semaphore, #tpu.memory_space<semaphore_mem>>) src(%dma_wait3A_310 : memref<10000x16xf32, #tpu.memory_space<hbm>>) dst(%arg11 : memref<128x16xf32, #tpu.memory_space<vmem>>)
    %dma_wait3A_311 = arith.constant 0 : i32
    %dma_wait3A_312 = arith.constant 0 : i32
    %dma_wait3A_313 = tpu.memref_slice %arg7[%dma_wait3A_311, %dma_wait3A_312] : memref<80x128xi32, #tpu.memory_space<vmem>> -> memref<1x128xi32, #tpu.memory_space<vmem>>
    %dma_wait3A_314 = tpu.memref_squeeze %dma_wait3A_313 : memref<1x128xi32, #tpu.memory_space<vmem>> -> memref<128xi32, #tpu.memory_space<vmem>>
    %dma_wait3A_315 = arith.constant 0 : i32
    %dma_wait3A_316 = arith.constant 0 : i32
    %dma_wait3A_317 = tpu.memref_slice %arg17[%dma_wait3A_315, %dma_wait3A_316] : memref<10016x16xf32, #tpu.memory_space<vmem_shared>> -> memref<10016x16xf32, #tpu.memory_space<vmem_shared>>
    tpu.wait_indirect_dma semaphore(%arg30 : memref<!tpu.dma_semaphore, #tpu.memory_space<semaphore_mem>>) src(%arg12 : memref<128x16xf32, #tpu.memory_space<vmem>>) dst(%dma_wait3A_317 : memref<10016x16xf32, #tpu.memory_space<vmem_shared>>)
    %dma_wait3A_318 = arith.constant 0 : i32
    %dma_wait3A_319 = arith.constant 0 : i32
    %dma_wait3A_320 = tpu.memref_slice %arg7[%dma_wait3A_318, %dma_wait3A_319] : memref<80x128xi32, #tpu.memory_space<vmem>> -> memref<1x128xi32, #tpu.memory_space<vmem>>
    %dma_wait3A_321 = tpu.memref_squeeze %dma_wait3A_320 : memref<1x128xi32, #tpu.memory_space<vmem>> -> memref<128xi32, #tpu.memory_space<vmem>>
    %dma_wait3A_322 = arith.constant 0 : i32
    %dma_wait3A_323 = arith.constant 0 : i32
    %dma_wait3A_324 = tpu.memref_slice %arg17[%dma_wait3A_322, %dma_wait3A_323] : memref<10016x16xf32, #tpu.memory_space<vmem_shared>> -> memref<10016x16xf32, #tpu.memory_space<vmem_shared>>
    tpu.wait_indirect_dma semaphore(%arg31 : memref<!tpu.dma_semaphore, #tpu.memory_space<semaphore_mem>>) src(%arg13 : memref<128x16xf32, #tpu.memory_space<vmem>>) dst(%dma_wait3A_324 : memref<10016x16xf32, #tpu.memory_space<vmem_shared>>)
    %dma_wait3A_325 = arith.constant 0 : i32
    %dma_wait3A_326 = arith.constant 0 : i32
    %dma_wait3A_327 = tpu.memref_slice %arg7[%dma_wait3A_325, %dma_wait3A_326] : memref<80x128xi32, #tpu.memory_space<vmem>> -> memref<1x128xi32, #tpu.memory_space<vmem>>
    %dma_wait3A_328 = tpu.memref_squeeze %dma_wait3A_327 : memref<1x128xi32, #tpu.memory_space<vmem>> -> memref<128xi32, #tpu.memory_space<vmem>>
    %dma_wait3A_329 = arith.constant 0 : i32
    %dma_wait3A_330 = arith.constant 0 : i32
    %dma_wait3A_331 = tpu.memref_slice %arg17[%dma_wait3A_329, %dma_wait3A_330] : memref<10016x16xf32, #tpu.memory_space<vmem_shared>> -> memref<10016x16xf32, #tpu.memory_space<vmem_shared>>
    tpu.wait_indirect_dma semaphore(%arg32 : memref<!tpu.dma_semaphore, #tpu.memory_space<semaphore_mem>>) src(%arg14 : memref<128x16xf32, #tpu.memory_space<vmem>>) dst(%dma_wait3A_331 : memref<10016x16xf32, #tpu.memory_space<vmem_shared>>)
    %dma_wait3A_332 = arith.constant 0 : i32
    %dma_wait3A_333 = arith.constant 0 : i32
    %dma_wait3A_334 = tpu.memref_slice %arg7[%dma_wait3A_332, %dma_wait3A_333] : memref<80x128xi32, #tpu.memory_space<vmem>> -> memref<1x128xi32, #tpu.memory_space<vmem>>
    %dma_wait3A_335 = tpu.memref_squeeze %dma_wait3A_334 : memref<1x128xi32, #tpu.memory_space<vmem>> -> memref<128xi32, #tpu.memory_space<vmem>>
    %dma_wait3A_336 = arith.constant 0 : i32
    %dma_wait3A_337 = arith.constant 0 : i32
    %dma_wait3A_338 = tpu.memref_slice %arg17[%dma_wait3A_336, %dma_wait3A_337] : memref<10016x16xf32, #tpu.memory_space<vmem_shared>> -> memref<10016x16xf32, #tpu.memory_space<vmem_shared>>
    tpu.wait_indirect_dma semaphore(%arg33 : memref<!tpu.dma_semaphore, #tpu.memory_space<semaphore_mem>>) src(%arg15 : memref<128x16xf32, #tpu.memory_space<vmem>>) dst(%dma_wait3A_338 : memref<10016x16xf32, #tpu.memory_space<vmem_shared>>)
    %barrier3A_339 = arith.constant 0 : index
    tpu.barrier barrier_id(%barrier3A_339)
    %mul3A_340 = arith.constant 625 : i32
    %mul3A_341 = arith.muli %arg1, %mul3A_340 : i32
    %mul3A_342 = arith.constant 625 : i32
    %mul3A_343 = arith.muli %arg1, %mul3A_342 : i32
    "tpu.region"() ({
      %run_scoped3A = tpu.sem_alloc : memref<!tpu.dma_semaphore, #tpu.memory_space<semaphore_mem>>
      %dma_start3A_344 = arith.constant 0 : i32
      %dma_start3A_345 = tpu.memref_slice %arg5[%arg0, %mul3A_343, %dma_start3A_344] : memref<2x10000x16xf32, #tpu.memory_space<hbm>> -> memref<1x625x16xf32, #tpu.memory_space<hbm>>
      %dma_start3A_346 = tpu.memref_squeeze %dma_start3A_345 : memref<1x625x16xf32, #tpu.memory_space<hbm>> -> memref<625x16xf32, #tpu.memory_space<hbm>>
      %dma_start3A_347 = arith.constant 0 : i32
      %dma_start3A_348 = tpu.memref_slice %arg17[%mul3A_341, %dma_start3A_347] : memref<10016x16xf32, #tpu.memory_space<vmem_shared>> -> memref<625x16xf32, #tpu.memory_space<vmem_shared>>
      tpu.enqueue_dma source(%dma_start3A_348 : memref<625x16xf32, #tpu.memory_space<vmem_shared>>) target(%dma_start3A_346 : memref<625x16xf32, #tpu.memory_space<hbm>>) target_semaphore(%run_scoped3A : memref<!tpu.dma_semaphore, #tpu.memory_space<semaphore_mem>>)
      %dma_wait3A_349 = arith.constant 0 : i32
      %dma_wait3A_350 = tpu.memref_slice %arg5[%arg0, %mul3A_343, %dma_wait3A_349] : memref<2x10000x16xf32, #tpu.memory_space<hbm>> -> memref<1x625x16xf32, #tpu.memory_space<hbm>>
      %dma_wait3A_351 = tpu.memref_squeeze %dma_wait3A_350 : memref<1x625x16xf32, #tpu.memory_space<hbm>> -> memref<625x16xf32, #tpu.memory_space<hbm>>
      %dma_wait3A_352 = arith.constant 0 : i32
      %dma_wait3A_353 = tpu.memref_slice %arg17[%mul3A_341, %dma_wait3A_352] : memref<10016x16xf32, #tpu.memory_space<vmem_shared>> -> memref<625x16xf32, #tpu.memory_space<vmem_shared>>
      tpu.wait_dma2 semaphore(%run_scoped3A : memref<!tpu.dma_semaphore, #tpu.memory_space<semaphore_mem>>) src(%dma_wait3A_353 : memref<625x16xf32, #tpu.memory_space<vmem_shared>>) dst(%dma_wait3A_351 : memref<625x16xf32, #tpu.memory_space<hbm>>)
      tpu.yield
    }) : () -> ()
    return
  }
}

#map = affine_map<(d0, d1) -> (0, 0, 0)>
#map1 = affine_map<(d0, d1) -> (0, 0)>
module attributes {stable_mosaic.version = 14 : i64} {
  func.func @_agg_body(%arg0: i32, %arg1: i32, %arg2: memref<32x80x128xi32, #tpu.memory_space<hbm>>, %arg3: memref<32x80x128xi32, #tpu.memory_space<hbm>>, %arg4: memref<10000x16xf32, #tpu.memory_space<hbm>>, %arg5: memref<2x10000x16xf32, #tpu.memory_space<hbm>>, %arg6: memref<80x128xi32, #tpu.memory_space<vmem>>, %arg7: memref<80x128xi32, #tpu.memory_space<vmem>>, %arg8: memref<128x16xf32, #tpu.memory_space<vmem>>, %arg9: memref<128x16xf32, #tpu.memory_space<vmem>>, %arg10: memref<128x16xf32, #tpu.memory_space<vmem>>, %arg11: memref<128x16xf32, #tpu.memory_space<vmem>>, %arg12: memref<128x16xf32, #tpu.memory_space<vmem>>, %arg13: memref<128x16xf32, #tpu.memory_space<vmem>>, %arg14: memref<128x16xf32, #tpu.memory_space<vmem>>, %arg15: memref<128x16xf32, #tpu.memory_space<vmem>>, %arg16: memref<626x16xf32, #tpu.memory_space<vmem>>, %arg17: memref<10016x16xf32, #tpu.memory_space<vmem_shared>>, %arg18: memref<!tpu.dma_semaphore, #tpu.memory_space<semaphore_mem>>, %arg19: memref<!tpu.dma_semaphore, #tpu.memory_space<semaphore_mem>>, %arg20: memref<!tpu.dma_semaphore, #tpu.memory_space<semaphore_mem>>, %arg21: memref<!tpu.dma_semaphore, #tpu.memory_space<semaphore_mem>>, %arg22: memref<!tpu.dma_semaphore, #tpu.memory_space<semaphore_mem>>, %arg23: memref<!tpu.dma_semaphore, #tpu.memory_space<semaphore_mem>>, %arg24: memref<!tpu.dma_semaphore, #tpu.memory_space<semaphore_mem>>, %arg25: memref<!tpu.dma_semaphore, #tpu.memory_space<semaphore_mem>>, %arg26: memref<!tpu.dma_semaphore, #tpu.memory_space<semaphore_mem>>, %arg27: memref<!tpu.dma_semaphore, #tpu.memory_space<semaphore_mem>>, %arg28: memref<!tpu.dma_semaphore, #tpu.memory_space<semaphore_mem>>, %arg29: memref<!tpu.dma_semaphore, #tpu.memory_space<semaphore_mem>>, %arg30: memref<!tpu.dma_semaphore, #tpu.memory_space<semaphore_mem>>, %arg31: memref<!tpu.dma_semaphore, #tpu.memory_space<semaphore_mem>>, %arg32: memref<!tpu.dma_semaphore, #tpu.memory_space<semaphore_mem>>, %arg33: memref<!tpu.dma_semaphore, #tpu.memory_space<semaphore_mem>>, %arg34: memref<!tpu.dma_semaphore, #tpu.memory_space<semaphore_mem>>, %arg35: memref<!tpu.dma_semaphore, #tpu.memory_space<semaphore_mem>>) attributes {dimension_semantics = [#tpu.dimension_semantics<core_parallel>, #tpu.dimension_semantics<subcore_parallel>], iteration_bounds = array<i64: 2, 16>, scalar_prefetch = 0 : i64, scratch_operands = 30 : i64, tpu.core_type = #tpu.core_type<sc_vector_subcore>, window_params = [{transform_indices = #map}, {transform_indices = #map}, {transform_indices = #map1}, {transform_indices = #map}]} {
    %mul3A = arith.constant 16 : i32
    %mul3A_0 = arith.muli %arg0, %mul3A : i32
    %add3A = arith.addi %mul3A_0, %arg1 : i32
    %dma_start3A = arith.constant 0 : i32
    %dma_start3A_1 = arith.constant 0 : i32
    %dma_start3A_2 = tpu.memref_slice %arg2[%add3A, %dma_start3A, %dma_start3A_1] : memref<32x80x128xi32, #tpu.memory_space<hbm>> -> memref<1x80x128xi32, #tpu.memory_space<hbm>>
    %dma_start3A_3 = tpu.memref_squeeze %dma_start3A_2 : memref<1x80x128xi32, #tpu.memory_space<hbm>> -> memref<80x128xi32, #tpu.memory_space<hbm>>
    %dma_start3A_4 = arith.constant 0 : i32
    %dma_start3A_5 = arith.constant 0 : i32
    %dma_start3A_6 = tpu.memref_slice %arg2[%add3A, %dma_start3A_4, %dma_start3A_5] : memref<32x80x128xi32, #tpu.memory_space<hbm>> -> memref<1x80x128xi32, #tpu.memory_space<hbm>>
    %dma_start3A_7 = tpu.memref_squeeze %dma_start3A_6 : memref<1x80x128xi32, #tpu.memory_space<hbm>> -> memref<80x128xi32, #tpu.memory_space<hbm>>
    tpu.enqueue_dma source(%dma_start3A_7 : memref<80x128xi32, #tpu.memory_space<hbm>>) target(%arg6 : memref<80x128xi32, #tpu.memory_space<vmem>>) target_semaphore(%arg34 : memref<!tpu.dma_semaphore, #tpu.memory_space<semaphore_mem>>)
    %dma_start3A_8 = arith.constant 0 : i32
    %dma_start3A_9 = arith.constant 0 : i32
    %dma_start3A_10 = tpu.memref_slice %arg3[%add3A, %dma_start3A_8, %dma_start3A_9] : memref<32x80x128xi32, #tpu.memory_space<hbm>> -> memref<1x80x128xi32, #tpu.memory_space<hbm>>
    %dma_start3A_11 = tpu.memref_squeeze %dma_start3A_10 : memref<1x80x128xi32, #tpu.memory_space<hbm>> -> memref<80x128xi32, #tpu.memory_space<hbm>>
    %dma_start3A_12 = arith.constant 0 : i32
    %dma_start3A_13 = arith.constant 0 : i32
    %dma_start3A_14 = tpu.memref_slice %arg3[%add3A, %dma_start3A_12, %dma_start3A_13] : memref<32x80x128xi32, #tpu.memory_space<hbm>> -> memref<1x80x128xi32, #tpu.memory_space<hbm>>
    %dma_start3A_15 = tpu.memref_squeeze %dma_start3A_14 : memref<1x80x128xi32, #tpu.memory_space<hbm>> -> memref<80x128xi32, #tpu.memory_space<hbm>>
    tpu.enqueue_dma source(%dma_start3A_15 : memref<80x128xi32, #tpu.memory_space<hbm>>) target(%arg7 : memref<80x128xi32, #tpu.memory_space<vmem>>) target_semaphore(%arg35 : memref<!tpu.dma_semaphore, #tpu.memory_space<semaphore_mem>>)
    %scan3A = arith.constant 0 : i32
    %scan3A_16 = arith.constant 0 : i32
    %scan3A_17 = arith.constant 626 : i32
    %scan3A_18 = arith.addi %scan3A_16, %scan3A_17 : i32
    %scan3A_19 = arith.constant 1 : i32
    scf.for %scan3A_344 = %scan3A_16 to %scan3A_18 step %scan3A_19  : i32 {
      %broadcast_in_dim3A = arith.constant 0.000000e+00 : f32
      %broadcast_in_dim3A_345 = vector.broadcast %broadcast_in_dim3A : f32 to vector<16xf32>
      %swap3A = arith.index_cast %scan3A_344 : i32 to index
      %swap3A_346 = arith.constant 0 : index
      %swap3A_347 = tpu.vector_load %arg16[%swap3A, %swap3A_346] {strides = array<i32>} : memref<626x16xf32, #tpu.memory_space<vmem>>, vector<16xf32>,
      tpu.vector_store %arg16[%swap3A, %swap3A_346], %broadcast_in_dim3A_345 {strides = array<i32>} : memref<626x16xf32, #tpu.memory_space<vmem>>, vector<16xf32>,
    }
    %scan3A_20 = arith.constant 626 : i32
    %mul3A_21 = arith.constant 626 : i32
    %mul3A_22 = arith.muli %arg1, %mul3A_21 : i32
    "tpu.region"() ({
      %run_scoped3A = tpu.sem_alloc : memref<!tpu.dma_semaphore, #tpu.memory_space<semaphore_mem>>
      %dma_start3A_344 = arith.constant 0 : i32
      %dma_start3A_345 = tpu.memref_slice %arg17[%mul3A_22, %dma_start3A_344] : memref<10016x16xf32, #tpu.memory_space<vmem_shared>> -> memref<626x16xf32, #tpu.memory_space<vmem_shared>>
      %dma_start3A_346 = arith.constant 0 : i32
      %dma_start3A_347 = tpu.memref_slice %arg17[%mul3A_22, %dma_start3A_346] : memref<10016x16xf32, #tpu.memory_space<vmem_shared>> -> memref<626x16xf32, #tpu.memory_space<vmem_shared>>
      tpu.enqueue_dma source(%arg16 : memref<626x16xf32, #tpu.memory_space<vmem>>) target(%dma_start3A_347 : memref<626x16xf32, #tpu.memory_space<vmem_shared>>) target_semaphore(%run_scoped3A : memref<!tpu.dma_semaphore, #tpu.memory_space<semaphore_mem>>)
      %dma_wait3A_348 = arith.constant 0 : i32
      %dma_wait3A_349 = tpu.memref_slice %arg17[%mul3A_22, %dma_wait3A_348] : memref<10016x16xf32, #tpu.memory_space<vmem_shared>> -> memref<626x16xf32, #tpu.memory_space<vmem_shared>>
      %dma_wait3A_350 = arith.constant 0 : i32
      %dma_wait3A_351 = tpu.memref_slice %arg17[%mul3A_22, %dma_wait3A_350] : memref<10016x16xf32, #tpu.memory_space<vmem_shared>> -> memref<626x16xf32, #tpu.memory_space<vmem_shared>>
      tpu.wait_dma2 semaphore(%run_scoped3A : memref<!tpu.dma_semaphore, #tpu.memory_space<semaphore_mem>>) src(%arg16 : memref<626x16xf32, #tpu.memory_space<vmem>>) dst(%dma_wait3A_351 : memref<626x16xf32, #tpu.memory_space<vmem_shared>>)
      tpu.yield
    }) : () -> ()
    %dma_wait3A = arith.constant 0 : i32
    %dma_wait3A_23 = arith.constant 0 : i32
    %dma_wait3A_24 = tpu.memref_slice %arg2[%add3A, %dma_wait3A, %dma_wait3A_23] : memref<32x80x128xi32, #tpu.memory_space<hbm>> -> memref<1x80x128xi32, #tpu.memory_space<hbm>>
    %dma_wait3A_25 = tpu.memref_squeeze %dma_wait3A_24 : memref<1x80x128xi32, #tpu.memory_space<hbm>> -> memref<80x128xi32, #tpu.memory_space<hbm>>
    %dma_wait3A_26 = arith.constant 0 : i32
    %dma_wait3A_27 = arith.constant 0 : i32
    %dma_wait3A_28 = tpu.memref_slice %arg2[%add3A, %dma_wait3A_26, %dma_wait3A_27] : memref<32x80x128xi32, #tpu.memory_space<hbm>> -> memref<1x80x128xi32, #tpu.memory_space<hbm>>
    %dma_wait3A_29 = tpu.memref_squeeze %dma_wait3A_28 : memref<1x80x128xi32, #tpu.memory_space<hbm>> -> memref<80x128xi32, #tpu.memory_space<hbm>>
    tpu.wait_dma2 semaphore(%arg34 : memref<!tpu.dma_semaphore, #tpu.memory_space<semaphore_mem>>) src(%dma_wait3A_29 : memref<80x128xi32, #tpu.memory_space<hbm>>) dst(%arg6 : memref<80x128xi32, #tpu.memory_space<vmem>>)
    %dma_wait3A_30 = arith.constant 0 : i32
    %dma_wait3A_31 = arith.constant 0 : i32
    %dma_wait3A_32 = tpu.memref_slice %arg3[%add3A, %dma_wait3A_30, %dma_wait3A_31] : memref<32x80x128xi32, #tpu.memory_space<hbm>> -> memref<1x80x128xi32, #tpu.memory_space<hbm>>
    %dma_wait3A_33 = tpu.memref_squeeze %dma_wait3A_32 : memref<1x80x128xi32, #tpu.memory_space<hbm>> -> memref<80x128xi32, #tpu.memory_space<hbm>>
    %dma_wait3A_34 = arith.constant 0 : i32
    %dma_wait3A_35 = arith.constant 0 : i32
    %dma_wait3A_36 = tpu.memref_slice %arg3[%add3A, %dma_wait3A_34, %dma_wait3A_35] : memref<32x80x128xi32, #tpu.memory_space<hbm>> -> memref<1x80x128xi32, #tpu.memory_space<hbm>>
    %dma_wait3A_37 = tpu.memref_squeeze %dma_wait3A_36 : memref<1x80x128xi32, #tpu.memory_space<hbm>> -> memref<80x128xi32, #tpu.memory_space<hbm>>
    tpu.wait_dma2 semaphore(%arg35 : memref<!tpu.dma_semaphore, #tpu.memory_space<semaphore_mem>>) src(%dma_wait3A_37 : memref<80x128xi32, #tpu.memory_space<hbm>>) dst(%arg7 : memref<80x128xi32, #tpu.memory_space<vmem>>)
    %barrier3A = arith.constant 0 : index
    tpu.barrier barrier_id(%barrier3A)
    %dma_start3A_38 = arith.constant 0 : i32
    %dma_start3A_39 = arith.constant 0 : i32
    %dma_start3A_40 = tpu.memref_slice %arg6[%dma_start3A_38, %dma_start3A_39] : memref<80x128xi32, #tpu.memory_space<vmem>> -> memref<1x128xi32, #tpu.memory_space<vmem>>
    %dma_start3A_41 = tpu.memref_squeeze %dma_start3A_40 : memref<1x128xi32, #tpu.memory_space<vmem>> -> memref<128xi32, #tpu.memory_space<vmem>>
    %dma_start3A_42 = arith.constant 0 : i32
    %dma_start3A_43 = arith.constant 0 : i32
    %dma_start3A_44 = tpu.memref_slice %arg4[%dma_start3A_42, %dma_start3A_43] : memref<10000x16xf32, #tpu.memory_space<hbm>> -> memref<10000x16xf32, #tpu.memory_space<hbm>>
    tpu.enqueue_indirect_dma source(%dma_start3A_44 : memref<10000x16xf32, #tpu.memory_space<hbm>>) target(%arg8 : memref<128x16xf32, #tpu.memory_space<vmem>>) offsets(%dma_start3A_41 : memref<128xi32, #tpu.memory_space<vmem>>) semaphore(%arg18 : memref<!tpu.dma_semaphore, #tpu.memory_space<semaphore_mem>>)
    %dma_start3A_45 = arith.constant 1 : i32
    %dma_start3A_46 = arith.constant 0 : i32
    %dma_start3A_47 = tpu.memref_slice %arg6[%dma_start3A_45, %dma_start3A_46] : memref<80x128xi32, #tpu.memory_space<vmem>> -> memref<1x128xi32, #tpu.memory_space<vmem>>
    %dma_start3A_48 = tpu.memref_squeeze %dma_start3A_47 : memref<1x128xi32, #tpu.memory_space<vmem>> -> memref<128xi32, #tpu.memory_space<vmem>>
    %dma_start3A_49 = arith.constant 0 : i32
    %dma_start3A_50 = arith.constant 0 : i32
    %dma_start3A_51 = tpu.memref_slice %arg4[%dma_start3A_49, %dma_start3A_50] : memref<10000x16xf32, #tpu.memory_space<hbm>> -> memref<10000x16xf32, #tpu.memory_space<hbm>>
    tpu.enqueue_indirect_dma source(%dma_start3A_51 : memref<10000x16xf32, #tpu.memory_space<hbm>>) target(%arg9 : memref<128x16xf32, #tpu.memory_space<vmem>>) offsets(%dma_start3A_48 : memref<128xi32, #tpu.memory_space<vmem>>) semaphore(%arg19 : memref<!tpu.dma_semaphore, #tpu.memory_space<semaphore_mem>>)
    %dma_start3A_52 = arith.constant 2 : i32
    %dma_start3A_53 = arith.constant 0 : i32
    %dma_start3A_54 = tpu.memref_slice %arg6[%dma_start3A_52, %dma_start3A_53] : memref<80x128xi32, #tpu.memory_space<vmem>> -> memref<1x128xi32, #tpu.memory_space<vmem>>
    %dma_start3A_55 = tpu.memref_squeeze %dma_start3A_54 : memref<1x128xi32, #tpu.memory_space<vmem>> -> memref<128xi32, #tpu.memory_space<vmem>>
    %dma_start3A_56 = arith.constant 0 : i32
    %dma_start3A_57 = arith.constant 0 : i32
    %dma_start3A_58 = tpu.memref_slice %arg4[%dma_start3A_56, %dma_start3A_57] : memref<10000x16xf32, #tpu.memory_space<hbm>> -> memref<10000x16xf32, #tpu.memory_space<hbm>>
    tpu.enqueue_indirect_dma source(%dma_start3A_58 : memref<10000x16xf32, #tpu.memory_space<hbm>>) target(%arg10 : memref<128x16xf32, #tpu.memory_space<vmem>>) offsets(%dma_start3A_55 : memref<128xi32, #tpu.memory_space<vmem>>) semaphore(%arg20 : memref<!tpu.dma_semaphore, #tpu.memory_space<semaphore_mem>>)
    %dma_start3A_59 = arith.constant 3 : i32
    %dma_start3A_60 = arith.constant 0 : i32
    %dma_start3A_61 = tpu.memref_slice %arg6[%dma_start3A_59, %dma_start3A_60] : memref<80x128xi32, #tpu.memory_space<vmem>> -> memref<1x128xi32, #tpu.memory_space<vmem>>
    %dma_start3A_62 = tpu.memref_squeeze %dma_start3A_61 : memref<1x128xi32, #tpu.memory_space<vmem>> -> memref<128xi32, #tpu.memory_space<vmem>>
    %dma_start3A_63 = arith.constant 0 : i32
    %dma_start3A_64 = arith.constant 0 : i32
    %dma_start3A_65 = tpu.memref_slice %arg4[%dma_start3A_63, %dma_start3A_64] : memref<10000x16xf32, #tpu.memory_space<hbm>> -> memref<10000x16xf32, #tpu.memory_space<hbm>>
    tpu.enqueue_indirect_dma source(%dma_start3A_65 : memref<10000x16xf32, #tpu.memory_space<hbm>>) target(%arg11 : memref<128x16xf32, #tpu.memory_space<vmem>>) offsets(%dma_start3A_62 : memref<128xi32, #tpu.memory_space<vmem>>) semaphore(%arg21 : memref<!tpu.dma_semaphore, #tpu.memory_space<semaphore_mem>>)
    %dma_wait3A_66 = arith.constant 0 : i32
    %dma_wait3A_67 = arith.constant 0 : i32
    %dma_wait3A_68 = tpu.memref_slice %arg6[%dma_wait3A_66, %dma_wait3A_67] : memref<80x128xi32, #tpu.memory_space<vmem>> -> memref<1x128xi32, #tpu.memory_space<vmem>>
    %dma_wait3A_69 = tpu.memref_squeeze %dma_wait3A_68 : memref<1x128xi32, #tpu.memory_space<vmem>> -> memref<128xi32, #tpu.memory_space<vmem>>
    %dma_wait3A_70 = arith.constant 0 : i32
    %dma_wait3A_71 = arith.constant 0 : i32
    %dma_wait3A_72 = tpu.memref_slice %arg4[%dma_wait3A_70, %dma_wait3A_71] : memref<10000x16xf32, #tpu.memory_space<hbm>> -> memref<10000x16xf32, #tpu.memory_space<hbm>>
    tpu.wait_indirect_dma semaphore(%arg18 : memref<!tpu.dma_semaphore, #tpu.memory_space<semaphore_mem>>) src(%dma_wait3A_72 : memref<10000x16xf32, #tpu.memory_space<hbm>>) dst(%arg8 : memref<128x16xf32, #tpu.memory_space<vmem>>)
    %dma_start3A_73 = arith.constant 0 : i32
    %dma_start3A_74 = arith.constant 0 : i32
    %dma_start3A_75 = tpu.memref_slice %arg7[%dma_start3A_73, %dma_start3A_74] : memref<80x128xi32, #tpu.memory_space<vmem>> -> memref<1x128xi32, #tpu.memory_space<vmem>>
    %dma_start3A_76 = tpu.memref_squeeze %dma_start3A_75 : memref<1x128xi32, #tpu.memory_space<vmem>> -> memref<128xi32, #tpu.memory_space<vmem>>
    %dma_start3A_77 = arith.constant 0 : i32
    %dma_start3A_78 = arith.constant 0 : i32
    %dma_start3A_79 = tpu.memref_slice %arg17[%dma_start3A_77, %dma_start3A_78] : memref<10016x16xf32, #tpu.memory_space<vmem_shared>> -> memref<10016x16xf32, #tpu.memory_space<vmem_shared>>
    tpu.enqueue_indirect_dma source(%arg8 : memref<128x16xf32, #tpu.memory_space<vmem>>) target(%dma_start3A_79 : memref<10016x16xf32, #tpu.memory_space<vmem_shared>>) offsets(%dma_start3A_76 : memref<128xi32, #tpu.memory_space<vmem>>) semaphore(%arg26 : memref<!tpu.dma_semaphore, #tpu.memory_space<semaphore_mem>>) {add = true}
    %min3A = arith.constant 4 : i32
    %min3A_80 = arith.constant 79 : i32
    %min3A_81 = arith.minsi %min3A, %min3A_80 : i32
    %dma_start3A_82 = arith.constant 0 : i32
    %dma_start3A_83 = tpu.memref_slice %arg6[%min3A_81, %dma_start3A_82] : memref<80x128xi32, #tpu.memory_space<vmem>> -> memref<1x128xi32, #tpu.memory_space<vmem>>
    %dma_start3A_84 = tpu.memref_squeeze %dma_start3A_83 : memref<1x128xi32, #tpu.memory_space<vmem>> -> memref<128xi32, #tpu.memory_space<vmem>>
    %dma_start3A_85 = arith.constant 0 : i32
    %dma_start3A_86 = arith.constant 0 : i32
    %dma_start3A_87 = tpu.memref_slice %arg4[%dma_start3A_85, %dma_start3A_86] : memref<10000x16xf32, #tpu.memory_space<hbm>> -> memref<10000x16xf32, #tpu.memory_space<hbm>>
    tpu.enqueue_indirect_dma source(%dma_start3A_87 : memref<10000x16xf32, #tpu.memory_space<hbm>>) target(%arg12 : memref<128x16xf32, #tpu.memory_space<vmem>>) offsets(%dma_start3A_84 : memref<128xi32, #tpu.memory_space<vmem>>) semaphore(%arg22 : memref<!tpu.dma_semaphore, #tpu.memory_space<semaphore_mem>>)
    %dma_wait3A_88 = arith.constant 1 : i32
    %dma_wait3A_89 = arith.constant 0 : i32
    %dma_wait3A_90 = tpu.memref_slice %arg6[%dma_wait3A_88, %dma_wait3A_89] : memref<80x128xi32, #tpu.memory_space<vmem>> -> memref<1x128xi32, #tpu.memory_space<vmem>>
    %dma_wait3A_91 = tpu.memref_squeeze %dma_wait3A_90 : memref<1x128xi32, #tpu.memory_space<vmem>> -> memref<128xi32, #tpu.memory_space<vmem>>
    %dma_wait3A_92 = arith.constant 0 : i32
    %dma_wait3A_93 = arith.constant 0 : i32
    %dma_wait3A_94 = tpu.memref_slice %arg4[%dma_wait3A_92, %dma_wait3A_93] : memref<10000x16xf32, #tpu.memory_space<hbm>> -> memref<10000x16xf32, #tpu.memory_space<hbm>>
    tpu.wait_indirect_dma semaphore(%arg19 : memref<!tpu.dma_semaphore, #tpu.memory_space<semaphore_mem>>) src(%dma_wait3A_94 : memref<10000x16xf32, #tpu.memory_space<hbm>>) dst(%arg9 : memref<128x16xf32, #tpu.memory_space<vmem>>)
    %dma_start3A_95 = arith.constant 1 : i32
    %dma_start3A_96 = arith.constant 0 : i32
    %dma_start3A_97 = tpu.memref_slice %arg7[%dma_start3A_95, %dma_start3A_96] : memref<80x128xi32, #tpu.memory_space<vmem>> -> memref<1x128xi32, #tpu.memory_space<vmem>>
    %dma_start3A_98 = tpu.memref_squeeze %dma_start3A_97 : memref<1x128xi32, #tpu.memory_space<vmem>> -> memref<128xi32, #tpu.memory_space<vmem>>
    %dma_start3A_99 = arith.constant 0 : i32
    %dma_start3A_100 = arith.constant 0 : i32
    %dma_start3A_101 = tpu.memref_slice %arg17[%dma_start3A_99, %dma_start3A_100] : memref<10016x16xf32, #tpu.memory_space<vmem_shared>> -> memref<10016x16xf32, #tpu.memory_space<vmem_shared>>
    tpu.enqueue_indirect_dma source(%arg9 : memref<128x16xf32, #tpu.memory_space<vmem>>) target(%dma_start3A_101 : memref<10016x16xf32, #tpu.memory_space<vmem_shared>>) offsets(%dma_start3A_98 : memref<128xi32, #tpu.memory_space<vmem>>) semaphore(%arg27 : memref<!tpu.dma_semaphore, #tpu.memory_space<semaphore_mem>>) {add = true}
    %min3A_102 = arith.constant 5 : i32
    %min3A_103 = arith.constant 79 : i32
    %min3A_104 = arith.minsi %min3A_102, %min3A_103 : i32
    %dma_start3A_105 = arith.constant 0 : i32
    %dma_start3A_106 = tpu.memref_slice %arg6[%min3A_104, %dma_start3A_105] : memref<80x128xi32, #tpu.memory_space<vmem>> -> memref<1x128xi32, #tpu.memory_space<vmem>>
    %dma_start3A_107 = tpu.memref_squeeze %dma_start3A_106 : memref<1x128xi32, #tpu.memory_space<vmem>> -> memref<128xi32, #tpu.memory_space<vmem>>
    %dma_start3A_108 = arith.constant 0 : i32
    %dma_start3A_109 = arith.constant 0 : i32
    %dma_start3A_110 = tpu.memref_slice %arg4[%dma_start3A_108, %dma_start3A_109] : memref<10000x16xf32, #tpu.memory_space<hbm>> -> memref<10000x16xf32, #tpu.memory_space<hbm>>
    tpu.enqueue_indirect_dma source(%dma_start3A_110 : memref<10000x16xf32, #tpu.memory_space<hbm>>) target(%arg13 : memref<128x16xf32, #tpu.memory_space<vmem>>) offsets(%dma_start3A_107 : memref<128xi32, #tpu.memory_space<vmem>>) semaphore(%arg23 : memref<!tpu.dma_semaphore, #tpu.memory_space<semaphore_mem>>)
    %dma_wait3A_111 = arith.constant 2 : i32
    %dma_wait3A_112 = arith.constant 0 : i32
    %dma_wait3A_113 = tpu.memref_slice %arg6[%dma_wait3A_111, %dma_wait3A_112] : memref<80x128xi32, #tpu.memory_space<vmem>> -> memref<1x128xi32, #tpu.memory_space<vmem>>
    %dma_wait3A_114 = tpu.memref_squeeze %dma_wait3A_113 : memref<1x128xi32, #tpu.memory_space<vmem>> -> memref<128xi32, #tpu.memory_space<vmem>>
    %dma_wait3A_115 = arith.constant 0 : i32
    %dma_wait3A_116 = arith.constant 0 : i32
    %dma_wait3A_117 = tpu.memref_slice %arg4[%dma_wait3A_115, %dma_wait3A_116] : memref<10000x16xf32, #tpu.memory_space<hbm>> -> memref<10000x16xf32, #tpu.memory_space<hbm>>
    tpu.wait_indirect_dma semaphore(%arg20 : memref<!tpu.dma_semaphore, #tpu.memory_space<semaphore_mem>>) src(%dma_wait3A_117 : memref<10000x16xf32, #tpu.memory_space<hbm>>) dst(%arg10 : memref<128x16xf32, #tpu.memory_space<vmem>>)
    %dma_start3A_118 = arith.constant 2 : i32
    %dma_start3A_119 = arith.constant 0 : i32
    %dma_start3A_120 = tpu.memref_slice %arg7[%dma_start3A_118, %dma_start3A_119] : memref<80x128xi32, #tpu.memory_space<vmem>> -> memref<1x128xi32, #tpu.memory_space<vmem>>
    %dma_start3A_121 = tpu.memref_squeeze %dma_start3A_120 : memref<1x128xi32, #tpu.memory_space<vmem>> -> memref<128xi32, #tpu.memory_space<vmem>>
    %dma_start3A_122 = arith.constant 0 : i32
    %dma_start3A_123 = arith.constant 0 : i32
    %dma_start3A_124 = tpu.memref_slice %arg17[%dma_start3A_122, %dma_start3A_123] : memref<10016x16xf32, #tpu.memory_space<vmem_shared>> -> memref<10016x16xf32, #tpu.memory_space<vmem_shared>>
    tpu.enqueue_indirect_dma source(%arg10 : memref<128x16xf32, #tpu.memory_space<vmem>>) target(%dma_start3A_124 : memref<10016x16xf32, #tpu.memory_space<vmem_shared>>) offsets(%dma_start3A_121 : memref<128xi32, #tpu.memory_space<vmem>>) semaphore(%arg28 : memref<!tpu.dma_semaphore, #tpu.memory_space<semaphore_mem>>) {add = true}
    %min3A_125 = arith.constant 6 : i32
    %min3A_126 = arith.constant 79 : i32
    %min3A_127 = arith.minsi %min3A_125, %min3A_126 : i32
    %dma_start3A_128 = arith.constant 0 : i32
    %dma_start3A_129 = tpu.memref_slice %arg6[%min3A_127, %dma_start3A_128] : memref<80x128xi32, #tpu.memory_space<vmem>> -> memref<1x128xi32, #tpu.memory_space<vmem>>
    %dma_start3A_130 = tpu.memref_squeeze %dma_start3A_129 : memref<1x128xi32, #tpu.memory_space<vmem>> -> memref<128xi32, #tpu.memory_space<vmem>>
    %dma_start3A_131 = arith.constant 0 : i32
    %dma_start3A_132 = arith.constant 0 : i32
    %dma_start3A_133 = tpu.memref_slice %arg4[%dma_start3A_131, %dma_start3A_132] : memref<10000x16xf32, #tpu.memory_space<hbm>> -> memref<10000x16xf32, #tpu.memory_space<hbm>>
    tpu.enqueue_indirect_dma source(%dma_start3A_133 : memref<10000x16xf32, #tpu.memory_space<hbm>>) target(%arg14 : memref<128x16xf32, #tpu.memory_space<vmem>>) offsets(%dma_start3A_130 : memref<128xi32, #tpu.memory_space<vmem>>) semaphore(%arg24 : memref<!tpu.dma_semaphore, #tpu.memory_space<semaphore_mem>>)
    %dma_wait3A_134 = arith.constant 3 : i32
    %dma_wait3A_135 = arith.constant 0 : i32
    %dma_wait3A_136 = tpu.memref_slice %arg6[%dma_wait3A_134, %dma_wait3A_135] : memref<80x128xi32, #tpu.memory_space<vmem>> -> memref<1x128xi32, #tpu.memory_space<vmem>>
    %dma_wait3A_137 = tpu.memref_squeeze %dma_wait3A_136 : memref<1x128xi32, #tpu.memory_space<vmem>> -> memref<128xi32, #tpu.memory_space<vmem>>
    %dma_wait3A_138 = arith.constant 0 : i32
    %dma_wait3A_139 = arith.constant 0 : i32
    %dma_wait3A_140 = tpu.memref_slice %arg4[%dma_wait3A_138, %dma_wait3A_139] : memref<10000x16xf32, #tpu.memory_space<hbm>> -> memref<10000x16xf32, #tpu.memory_space<hbm>>
    tpu.wait_indirect_dma semaphore(%arg21 : memref<!tpu.dma_semaphore, #tpu.memory_space<semaphore_mem>>) src(%dma_wait3A_140 : memref<10000x16xf32, #tpu.memory_space<hbm>>) dst(%arg11 : memref<128x16xf32, #tpu.memory_space<vmem>>)
    %dma_start3A_141 = arith.constant 3 : i32
    %dma_start3A_142 = arith.constant 0 : i32
    %dma_start3A_143 = tpu.memref_slice %arg7[%dma_start3A_141, %dma_start3A_142] : memref<80x128xi32, #tpu.memory_space<vmem>> -> memref<1x128xi32, #tpu.memory_space<vmem>>
    %dma_start3A_144 = tpu.memref_squeeze %dma_start3A_143 : memref<1x128xi32, #tpu.memory_space<vmem>> -> memref<128xi32, #tpu.memory_space<vmem>>
    %dma_start3A_145 = arith.constant 0 : i32
    %dma_start3A_146 = arith.constant 0 : i32
    %dma_start3A_147 = tpu.memref_slice %arg17[%dma_start3A_145, %dma_start3A_146] : memref<10016x16xf32, #tpu.memory_space<vmem_shared>> -> memref<10016x16xf32, #tpu.memory_space<vmem_shared>>
    tpu.enqueue_indirect_dma source(%arg11 : memref<128x16xf32, #tpu.memory_space<vmem>>) target(%dma_start3A_147 : memref<10016x16xf32, #tpu.memory_space<vmem_shared>>) offsets(%dma_start3A_144 : memref<128xi32, #tpu.memory_space<vmem>>) semaphore(%arg29 : memref<!tpu.dma_semaphore, #tpu.memory_space<semaphore_mem>>) {add = true}
    %min3A_148 = arith.constant 7 : i32
    %min3A_149 = arith.constant 79 : i32
    %min3A_150 = arith.minsi %min3A_148, %min3A_149 : i32
    %dma_start3A_151 = arith.constant 0 : i32
    %dma_start3A_152 = tpu.memref_slice %arg6[%min3A_150, %dma_start3A_151] : memref<80x128xi32, #tpu.memory_space<vmem>> -> memref<1x128xi32, #tpu.memory_space<vmem>>
    %dma_start3A_153 = tpu.memref_squeeze %dma_start3A_152 : memref<1x128xi32, #tpu.memory_space<vmem>> -> memref<128xi32, #tpu.memory_space<vmem>>
    %dma_start3A_154 = arith.constant 0 : i32
    %dma_start3A_155 = arith.constant 0 : i32
    %dma_start3A_156 = tpu.memref_slice %arg4[%dma_start3A_154, %dma_start3A_155] : memref<10000x16xf32, #tpu.memory_space<hbm>> -> memref<10000x16xf32, #tpu.memory_space<hbm>>
    tpu.enqueue_indirect_dma source(%dma_start3A_156 : memref<10000x16xf32, #tpu.memory_space<hbm>>) target(%arg15 : memref<128x16xf32, #tpu.memory_space<vmem>>) offsets(%dma_start3A_153 : memref<128xi32, #tpu.memory_space<vmem>>) semaphore(%arg25 : memref<!tpu.dma_semaphore, #tpu.memory_space<semaphore_mem>>)
    %scan3A_157 = arith.constant 0 : i32
    %scan3A_158 = arith.constant 0 : i32
    %scan3A_159 = arith.constant 9 : i32
    %scan3A_160 = arith.addi %scan3A_158, %scan3A_159 : i32
    %scan3A_161 = arith.constant 1 : i32
    scf.for %scan3A_344 = %scan3A_158 to %scan3A_160 step %scan3A_161  : i32 {
      %mul3A_345 = arith.constant 8 : i32
      %mul3A_346 = arith.muli %mul3A_345, %scan3A_344 : i32
      %add3A_347 = arith.constant 4 : i32
      %add3A_348 = arith.addi %add3A_347, %mul3A_346 : i32
      %add3A_349 = arith.constant 0 : i32
      %add3A_350 = arith.addi %add3A_348, %add3A_349 : i32
      %dma_wait3A_351 = arith.constant 0 : i32
      %dma_wait3A_352 = tpu.memref_slice %arg6[%add3A_350, %dma_wait3A_351] : memref<80x128xi32, #tpu.memory_space<vmem>> -> memref<1x128xi32, #tpu.memory_space<vmem>>
      %dma_wait3A_353 = tpu.memref_squeeze %dma_wait3A_352 : memref<1x128xi32, #tpu.memory_space<vmem>> -> memref<128xi32, #tpu.memory_space<vmem>>
      %dma_wait3A_354 = arith.constant 0 : i32
      %dma_wait3A_355 = arith.constant 0 : i32
      %dma_wait3A_356 = tpu.memref_slice %arg4[%dma_wait3A_354, %dma_wait3A_355] : memref<10000x16xf32, #tpu.memory_space<hbm>> -> memref<10000x16xf32, #tpu.memory_space<hbm>>
      tpu.wait_indirect_dma semaphore(%arg22 : memref<!tpu.dma_semaphore, #tpu.memory_space<semaphore_mem>>) src(%dma_wait3A_356 : memref<10000x16xf32, #tpu.memory_space<hbm>>) dst(%arg12 : memref<128x16xf32, #tpu.memory_space<vmem>>)
      %dma_start3A_357 = arith.constant 0 : i32
      %dma_start3A_358 = tpu.memref_slice %arg7[%add3A_350, %dma_start3A_357] : memref<80x128xi32, #tpu.memory_space<vmem>> -> memref<1x128xi32, #tpu.memory_space<vmem>>
      %dma_start3A_359 = tpu.memref_squeeze %dma_start3A_358 : memref<1x128xi32, #tpu.memory_space<vmem>> -> memref<128xi32, #tpu.memory_space<vmem>>
      %dma_start3A_360 = arith.constant 0 : i32
      %dma_start3A_361 = arith.constant 0 : i32
      %dma_start3A_362 = tpu.memref_slice %arg17[%dma_start3A_360, %dma_start3A_361] : memref<10016x16xf32, #tpu.memory_space<vmem_shared>> -> memref<10016x16xf32, #tpu.memory_space<vmem_shared>>
      tpu.enqueue_indirect_dma source(%arg12 : memref<128x16xf32, #tpu.memory_space<vmem>>) target(%dma_start3A_362 : memref<10016x16xf32, #tpu.memory_space<vmem_shared>>) offsets(%dma_start3A_359 : memref<128xi32, #tpu.memory_space<vmem>>) semaphore(%arg30 : memref<!tpu.dma_semaphore, #tpu.memory_space<semaphore_mem>>) {add = true}
      %dma_wait3A_363 = arith.constant 0 : i32
      %dma_wait3A_364 = tpu.memref_slice %arg7[%add3A_350, %dma_wait3A_363] : memref<80x128xi32, #tpu.memory_space<vmem>> -> memref<1x128xi32, #tpu.memory_space<vmem>>
      %dma_wait3A_365 = tpu.memref_squeeze %dma_wait3A_364 : memref<1x128xi32, #tpu.memory_space<vmem>> -> memref<128xi32, #tpu.memory_space<vmem>>
      %dma_wait3A_366 = arith.constant 0 : i32
      %dma_wait3A_367 = arith.constant 0 : i32
      %dma_wait3A_368 = tpu.memref_slice %arg17[%dma_wait3A_366, %dma_wait3A_367] : memref<10016x16xf32, #tpu.memory_space<vmem_shared>> -> memref<10016x16xf32, #tpu.memory_space<vmem_shared>>
      tpu.wait_indirect_dma semaphore(%arg26 : memref<!tpu.dma_semaphore, #tpu.memory_space<semaphore_mem>>) src(%arg8 : memref<128x16xf32, #tpu.memory_space<vmem>>) dst(%dma_wait3A_368 : memref<10016x16xf32, #tpu.memory_space<vmem_shared>>)
      %add3A_369 = arith.constant 4 : i32
      %add3A_370 = arith.addi %add3A_350, %add3A_369 : i32
      %min3A_371 = arith.constant 79 : i32
      %min3A_372 = arith.minsi %add3A_370, %min3A_371 : i32
      %dma_start3A_373 = arith.constant 0 : i32
      %dma_start3A_374 = tpu.memref_slice %arg6[%min3A_372, %dma_start3A_373] : memref<80x128xi32, #tpu.memory_space<vmem>> -> memref<1x128xi32, #tpu.memory_space<vmem>>
      %dma_start3A_375 = tpu.memref_squeeze %dma_start3A_374 : memref<1x128xi32, #tpu.memory_space<vmem>> -> memref<128xi32, #tpu.memory_space<vmem>>
      %dma_start3A_376 = arith.constant 0 : i32
      %dma_start3A_377 = arith.constant 0 : i32
      %dma_start3A_378 = tpu.memref_slice %arg4[%dma_start3A_376, %dma_start3A_377] : memref<10000x16xf32, #tpu.memory_space<hbm>> -> memref<10000x16xf32, #tpu.memory_space<hbm>>
      tpu.enqueue_indirect_dma source(%dma_start3A_378 : memref<10000x16xf32, #tpu.memory_space<hbm>>) target(%arg8 : memref<128x16xf32, #tpu.memory_space<vmem>>) offsets(%dma_start3A_375 : memref<128xi32, #tpu.memory_space<vmem>>) semaphore(%arg18 : memref<!tpu.dma_semaphore, #tpu.memory_space<semaphore_mem>>)
      %add3A_379 = arith.constant 1 : i32
      %add3A_380 = arith.addi %add3A_348, %add3A_379 : i32
      %dma_wait3A_381 = arith.constant 0 : i32
      %dma_wait3A_382 = tpu.memref_slice %arg6[%add3A_380, %dma_wait3A_381] : memref<80x128xi32, #tpu.memory_space<vmem>> -> memref<1x128xi32, #tpu.memory_space<vmem>>
      %dma_wait3A_383 = tpu.memref_squeeze %dma_wait3A_382 : memref<1x128xi32, #tpu.memory_space<vmem>> -> memref<128xi32, #tpu.memory_space<vmem>>
      %dma_wait3A_384 = arith.constant 0 : i32
      %dma_wait3A_385 = arith.constant 0 : i32
      %dma_wait3A_386 = tpu.memref_slice %arg4[%dma_wait3A_384, %dma_wait3A_385] : memref<10000x16xf32, #tpu.memory_space<hbm>> -> memref<10000x16xf32, #tpu.memory_space<hbm>>
      tpu.wait_indirect_dma semaphore(%arg23 : memref<!tpu.dma_semaphore, #tpu.memory_space<semaphore_mem>>) src(%dma_wait3A_386 : memref<10000x16xf32, #tpu.memory_space<hbm>>) dst(%arg13 : memref<128x16xf32, #tpu.memory_space<vmem>>)
      %dma_start3A_387 = arith.constant 0 : i32
      %dma_start3A_388 = tpu.memref_slice %arg7[%add3A_380, %dma_start3A_387] : memref<80x128xi32, #tpu.memory_space<vmem>> -> memref<1x128xi32, #tpu.memory_space<vmem>>
      %dma_start3A_389 = tpu.memref_squeeze %dma_start3A_388 : memref<1x128xi32, #tpu.memory_space<vmem>> -> memref<128xi32, #tpu.memory_space<vmem>>
      %dma_start3A_390 = arith.constant 0 : i32
      %dma_start3A_391 = arith.constant 0 : i32
      %dma_start3A_392 = tpu.memref_slice %arg17[%dma_start3A_390, %dma_start3A_391] : memref<10016x16xf32, #tpu.memory_space<vmem_shared>> -> memref<10016x16xf32, #tpu.memory_space<vmem_shared>>
      tpu.enqueue_indirect_dma source(%arg13 : memref<128x16xf32, #tpu.memory_space<vmem>>) target(%dma_start3A_392 : memref<10016x16xf32, #tpu.memory_space<vmem_shared>>) offsets(%dma_start3A_389 : memref<128xi32, #tpu.memory_space<vmem>>) semaphore(%arg31 : memref<!tpu.dma_semaphore, #tpu.memory_space<semaphore_mem>>) {add = true}
      %dma_wait3A_393 = arith.constant 0 : i32
      %dma_wait3A_394 = tpu.memref_slice %arg7[%add3A_380, %dma_wait3A_393] : memref<80x128xi32, #tpu.memory_space<vmem>> -> memref<1x128xi32, #tpu.memory_space<vmem>>
      %dma_wait3A_395 = tpu.memref_squeeze %dma_wait3A_394 : memref<1x128xi32, #tpu.memory_space<vmem>> -> memref<128xi32, #tpu.memory_space<vmem>>
      %dma_wait3A_396 = arith.constant 0 : i32
      %dma_wait3A_397 = arith.constant 0 : i32
      %dma_wait3A_398 = tpu.memref_slice %arg17[%dma_wait3A_396, %dma_wait3A_397] : memref<10016x16xf32, #tpu.memory_space<vmem_shared>> -> memref<10016x16xf32, #tpu.memory_space<vmem_shared>>
      tpu.wait_indirect_dma semaphore(%arg27 : memref<!tpu.dma_semaphore, #tpu.memory_space<semaphore_mem>>) src(%arg9 : memref<128x16xf32, #tpu.memory_space<vmem>>) dst(%dma_wait3A_398 : memref<10016x16xf32, #tpu.memory_space<vmem_shared>>)
      %add3A_399 = arith.constant 4 : i32
      %add3A_400 = arith.addi %add3A_380, %add3A_399 : i32
      %min3A_401 = arith.constant 79 : i32
      %min3A_402 = arith.minsi %add3A_400, %min3A_401 : i32
      %dma_start3A_403 = arith.constant 0 : i32
      %dma_start3A_404 = tpu.memref_slice %arg6[%min3A_402, %dma_start3A_403] : memref<80x128xi32, #tpu.memory_space<vmem>> -> memref<1x128xi32, #tpu.memory_space<vmem>>
      %dma_start3A_405 = tpu.memref_squeeze %dma_start3A_404 : memref<1x128xi32, #tpu.memory_space<vmem>> -> memref<128xi32, #tpu.memory_space<vmem>>
      %dma_start3A_406 = arith.constant 0 : i32
      %dma_start3A_407 = arith.constant 0 : i32
      %dma_start3A_408 = tpu.memref_slice %arg4[%dma_start3A_406, %dma_start3A_407] : memref<10000x16xf32, #tpu.memory_space<hbm>> -> memref<10000x16xf32, #tpu.memory_space<hbm>>
      tpu.enqueue_indirect_dma source(%dma_start3A_408 : memref<10000x16xf32, #tpu.memory_space<hbm>>) target(%arg9 : memref<128x16xf32, #tpu.memory_space<vmem>>) offsets(%dma_start3A_405 : memref<128xi32, #tpu.memory_space<vmem>>) semaphore(%arg19 : memref<!tpu.dma_semaphore, #tpu.memory_space<semaphore_mem>>)
      %add3A_409 = arith.constant 2 : i32
      %add3A_410 = arith.addi %add3A_348, %add3A_409 : i32
      %dma_wait3A_411 = arith.constant 0 : i32
      %dma_wait3A_412 = tpu.memref_slice %arg6[%add3A_410, %dma_wait3A_411] : memref<80x128xi32, #tpu.memory_space<vmem>> -> memref<1x128xi32, #tpu.memory_space<vmem>>
      %dma_wait3A_413 = tpu.memref_squeeze %dma_wait3A_412 : memref<1x128xi32, #tpu.memory_space<vmem>> -> memref<128xi32, #tpu.memory_space<vmem>>
      %dma_wait3A_414 = arith.constant 0 : i32
      %dma_wait3A_415 = arith.constant 0 : i32
      %dma_wait3A_416 = tpu.memref_slice %arg4[%dma_wait3A_414, %dma_wait3A_415] : memref<10000x16xf32, #tpu.memory_space<hbm>> -> memref<10000x16xf32, #tpu.memory_space<hbm>>
      tpu.wait_indirect_dma semaphore(%arg24 : memref<!tpu.dma_semaphore, #tpu.memory_space<semaphore_mem>>) src(%dma_wait3A_416 : memref<10000x16xf32, #tpu.memory_space<hbm>>) dst(%arg14 : memref<128x16xf32, #tpu.memory_space<vmem>>)
      %dma_start3A_417 = arith.constant 0 : i32
      %dma_start3A_418 = tpu.memref_slice %arg7[%add3A_410, %dma_start3A_417] : memref<80x128xi32, #tpu.memory_space<vmem>> -> memref<1x128xi32, #tpu.memory_space<vmem>>
      %dma_start3A_419 = tpu.memref_squeeze %dma_start3A_418 : memref<1x128xi32, #tpu.memory_space<vmem>> -> memref<128xi32, #tpu.memory_space<vmem>>
      %dma_start3A_420 = arith.constant 0 : i32
      %dma_start3A_421 = arith.constant 0 : i32
      %dma_start3A_422 = tpu.memref_slice %arg17[%dma_start3A_420, %dma_start3A_421] : memref<10016x16xf32, #tpu.memory_space<vmem_shared>> -> memref<10016x16xf32, #tpu.memory_space<vmem_shared>>
      tpu.enqueue_indirect_dma source(%arg14 : memref<128x16xf32, #tpu.memory_space<vmem>>) target(%dma_start3A_422 : memref<10016x16xf32, #tpu.memory_space<vmem_shared>>) offsets(%dma_start3A_419 : memref<128xi32, #tpu.memory_space<vmem>>) semaphore(%arg32 : memref<!tpu.dma_semaphore, #tpu.memory_space<semaphore_mem>>) {add = true}
      %dma_wait3A_423 = arith.constant 0 : i32
      %dma_wait3A_424 = tpu.memref_slice %arg7[%add3A_410, %dma_wait3A_423] : memref<80x128xi32, #tpu.memory_space<vmem>> -> memref<1x128xi32, #tpu.memory_space<vmem>>
      %dma_wait3A_425 = tpu.memref_squeeze %dma_wait3A_424 : memref<1x128xi32, #tpu.memory_space<vmem>> -> memref<128xi32, #tpu.memory_space<vmem>>
      %dma_wait3A_426 = arith.constant 0 : i32
      %dma_wait3A_427 = arith.constant 0 : i32
      %dma_wait3A_428 = tpu.memref_slice %arg17[%dma_wait3A_426, %dma_wait3A_427] : memref<10016x16xf32, #tpu.memory_space<vmem_shared>> -> memref<10016x16xf32, #tpu.memory_space<vmem_shared>>
      tpu.wait_indirect_dma semaphore(%arg28 : memref<!tpu.dma_semaphore, #tpu.memory_space<semaphore_mem>>) src(%arg10 : memref<128x16xf32, #tpu.memory_space<vmem>>) dst(%dma_wait3A_428 : memref<10016x16xf32, #tpu.memory_space<vmem_shared>>)
      %add3A_429 = arith.constant 4 : i32
      %add3A_430 = arith.addi %add3A_410, %add3A_429 : i32
      %min3A_431 = arith.constant 79 : i32
      %min3A_432 = arith.minsi %add3A_430, %min3A_431 : i32
      %dma_start3A_433 = arith.constant 0 : i32
      %dma_start3A_434 = tpu.memref_slice %arg6[%min3A_432, %dma_start3A_433] : memref<80x128xi32, #tpu.memory_space<vmem>> -> memref<1x128xi32, #tpu.memory_space<vmem>>
      %dma_start3A_435 = tpu.memref_squeeze %dma_start3A_434 : memref<1x128xi32, #tpu.memory_space<vmem>> -> memref<128xi32, #tpu.memory_space<vmem>>
      %dma_start3A_436 = arith.constant 0 : i32
      %dma_start3A_437 = arith.constant 0 : i32
      %dma_start3A_438 = tpu.memref_slice %arg4[%dma_start3A_436, %dma_start3A_437] : memref<10000x16xf32, #tpu.memory_space<hbm>> -> memref<10000x16xf32, #tpu.memory_space<hbm>>
      tpu.enqueue_indirect_dma source(%dma_start3A_438 : memref<10000x16xf32, #tpu.memory_space<hbm>>) target(%arg10 : memref<128x16xf32, #tpu.memory_space<vmem>>) offsets(%dma_start3A_435 : memref<128xi32, #tpu.memory_space<vmem>>) semaphore(%arg20 : memref<!tpu.dma_semaphore, #tpu.memory_space<semaphore_mem>>)
      %add3A_439 = arith.constant 3 : i32
      %add3A_440 = arith.addi %add3A_348, %add3A_439 : i32
      %dma_wait3A_441 = arith.constant 0 : i32
      %dma_wait3A_442 = tpu.memref_slice %arg6[%add3A_440, %dma_wait3A_441] : memref<80x128xi32, #tpu.memory_space<vmem>> -> memref<1x128xi32, #tpu.memory_space<vmem>>
      %dma_wait3A_443 = tpu.memref_squeeze %dma_wait3A_442 : memref<1x128xi32, #tpu.memory_space<vmem>> -> memref<128xi32, #tpu.memory_space<vmem>>
      %dma_wait3A_444 = arith.constant 0 : i32
      %dma_wait3A_445 = arith.constant 0 : i32
      %dma_wait3A_446 = tpu.memref_slice %arg4[%dma_wait3A_444, %dma_wait3A_445] : memref<10000x16xf32, #tpu.memory_space<hbm>> -> memref<10000x16xf32, #tpu.memory_space<hbm>>
      tpu.wait_indirect_dma semaphore(%arg25 : memref<!tpu.dma_semaphore, #tpu.memory_space<semaphore_mem>>) src(%dma_wait3A_446 : memref<10000x16xf32, #tpu.memory_space<hbm>>) dst(%arg15 : memref<128x16xf32, #tpu.memory_space<vmem>>)
      %dma_start3A_447 = arith.constant 0 : i32
      %dma_start3A_448 = tpu.memref_slice %arg7[%add3A_440, %dma_start3A_447] : memref<80x128xi32, #tpu.memory_space<vmem>> -> memref<1x128xi32, #tpu.memory_space<vmem>>
      %dma_start3A_449 = tpu.memref_squeeze %dma_start3A_448 : memref<1x128xi32, #tpu.memory_space<vmem>> -> memref<128xi32, #tpu.memory_space<vmem>>
      %dma_start3A_450 = arith.constant 0 : i32
      %dma_start3A_451 = arith.constant 0 : i32
      %dma_start3A_452 = tpu.memref_slice %arg17[%dma_start3A_450, %dma_start3A_451] : memref<10016x16xf32, #tpu.memory_space<vmem_shared>> -> memref<10016x16xf32, #tpu.memory_space<vmem_shared>>
      tpu.enqueue_indirect_dma source(%arg15 : memref<128x16xf32, #tpu.memory_space<vmem>>) target(%dma_start3A_452 : memref<10016x16xf32, #tpu.memory_space<vmem_shared>>) offsets(%dma_start3A_449 : memref<128xi32, #tpu.memory_space<vmem>>) semaphore(%arg33 : memref<!tpu.dma_semaphore, #tpu.memory_space<semaphore_mem>>) {add = true}
      %dma_wait3A_453 = arith.constant 0 : i32
      %dma_wait3A_454 = tpu.memref_slice %arg7[%add3A_440, %dma_wait3A_453] : memref<80x128xi32, #tpu.memory_space<vmem>> -> memref<1x128xi32, #tpu.memory_space<vmem>>
      %dma_wait3A_455 = tpu.memref_squeeze %dma_wait3A_454 : memref<1x128xi32, #tpu.memory_space<vmem>> -> memref<128xi32, #tpu.memory_space<vmem>>
      %dma_wait3A_456 = arith.constant 0 : i32
      %dma_wait3A_457 = arith.constant 0 : i32
      %dma_wait3A_458 = tpu.memref_slice %arg17[%dma_wait3A_456, %dma_wait3A_457] : memref<10016x16xf32, #tpu.memory_space<vmem_shared>> -> memref<10016x16xf32, #tpu.memory_space<vmem_shared>>
      tpu.wait_indirect_dma semaphore(%arg29 : memref<!tpu.dma_semaphore, #tpu.memory_space<semaphore_mem>>) src(%arg11 : memref<128x16xf32, #tpu.memory_space<vmem>>) dst(%dma_wait3A_458 : memref<10016x16xf32, #tpu.memory_space<vmem_shared>>)
      %add3A_459 = arith.constant 4 : i32
      %add3A_460 = arith.addi %add3A_440, %add3A_459 : i32
      %min3A_461 = arith.constant 79 : i32
      %min3A_462 = arith.minsi %add3A_460, %min3A_461 : i32
      %dma_start3A_463 = arith.constant 0 : i32
      %dma_start3A_464 = tpu.memref_slice %arg6[%min3A_462, %dma_start3A_463] : memref<80x128xi32, #tpu.memory_space<vmem>> -> memref<1x128xi32, #tpu.memory_space<vmem>>
      %dma_start3A_465 = tpu.memref_squeeze %dma_start3A_464 : memref<1x128xi32, #tpu.memory_space<vmem>> -> memref<128xi32, #tpu.memory_space<vmem>>
      %dma_start3A_466 = arith.constant 0 : i32
      %dma_start3A_467 = arith.constant 0 : i32
      %dma_start3A_468 = tpu.memref_slice %arg4[%dma_start3A_466, %dma_start3A_467] : memref<10000x16xf32, #tpu.memory_space<hbm>> -> memref<10000x16xf32, #tpu.memory_space<hbm>>
      tpu.enqueue_indirect_dma source(%dma_start3A_468 : memref<10000x16xf32, #tpu.memory_space<hbm>>) target(%arg11 : memref<128x16xf32, #tpu.memory_space<vmem>>) offsets(%dma_start3A_465 : memref<128xi32, #tpu.memory_space<vmem>>) semaphore(%arg21 : memref<!tpu.dma_semaphore, #tpu.memory_space<semaphore_mem>>)
      %add3A_469 = arith.constant 4 : i32
      %add3A_470 = arith.addi %add3A_348, %add3A_469 : i32
      %dma_wait3A_471 = arith.constant 0 : i32
      %dma_wait3A_472 = tpu.memref_slice %arg6[%add3A_470, %dma_wait3A_471] : memref<80x128xi32, #tpu.memory_space<vmem>> -> memref<1x128xi32, #tpu.memory_space<vmem>>
      %dma_wait3A_473 = tpu.memref_squeeze %dma_wait3A_472 : memref<1x128xi32, #tpu.memory_space<vmem>> -> memref<128xi32, #tpu.memory_space<vmem>>
      %dma_wait3A_474 = arith.constant 0 : i32
      %dma_wait3A_475 = arith.constant 0 : i32
      %dma_wait3A_476 = tpu.memref_slice %arg4[%dma_wait3A_474, %dma_wait3A_475] : memref<10000x16xf32, #tpu.memory_space<hbm>> -> memref<10000x16xf32, #tpu.memory_space<hbm>>
      tpu.wait_indirect_dma semaphore(%arg18 : memref<!tpu.dma_semaphore, #tpu.memory_space<semaphore_mem>>) src(%dma_wait3A_476 : memref<10000x16xf32, #tpu.memory_space<hbm>>) dst(%arg8 : memref<128x16xf32, #tpu.memory_space<vmem>>)
      %dma_start3A_477 = arith.constant 0 : i32
      %dma_start3A_478 = tpu.memref_slice %arg7[%add3A_470, %dma_start3A_477] : memref<80x128xi32, #tpu.memory_space<vmem>> -> memref<1x128xi32, #tpu.memory_space<vmem>>
      %dma_start3A_479 = tpu.memref_squeeze %dma_start3A_478 : memref<1x128xi32, #tpu.memory_space<vmem>> -> memref<128xi32, #tpu.memory_space<vmem>>
      %dma_start3A_480 = arith.constant 0 : i32
      %dma_start3A_481 = arith.constant 0 : i32
      %dma_start3A_482 = tpu.memref_slice %arg17[%dma_start3A_480, %dma_start3A_481] : memref<10016x16xf32, #tpu.memory_space<vmem_shared>> -> memref<10016x16xf32, #tpu.memory_space<vmem_shared>>
      tpu.enqueue_indirect_dma source(%arg8 : memref<128x16xf32, #tpu.memory_space<vmem>>) target(%dma_start3A_482 : memref<10016x16xf32, #tpu.memory_space<vmem_shared>>) offsets(%dma_start3A_479 : memref<128xi32, #tpu.memory_space<vmem>>) semaphore(%arg26 : memref<!tpu.dma_semaphore, #tpu.memory_space<semaphore_mem>>) {add = true}
      %dma_wait3A_483 = arith.constant 0 : i32
      %dma_wait3A_484 = tpu.memref_slice %arg7[%add3A_470, %dma_wait3A_483] : memref<80x128xi32, #tpu.memory_space<vmem>> -> memref<1x128xi32, #tpu.memory_space<vmem>>
      %dma_wait3A_485 = tpu.memref_squeeze %dma_wait3A_484 : memref<1x128xi32, #tpu.memory_space<vmem>> -> memref<128xi32, #tpu.memory_space<vmem>>
      %dma_wait3A_486 = arith.constant 0 : i32
      %dma_wait3A_487 = arith.constant 0 : i32
      %dma_wait3A_488 = tpu.memref_slice %arg17[%dma_wait3A_486, %dma_wait3A_487] : memref<10016x16xf32, #tpu.memory_space<vmem_shared>> -> memref<10016x16xf32, #tpu.memory_space<vmem_shared>>
      tpu.wait_indirect_dma semaphore(%arg30 : memref<!tpu.dma_semaphore, #tpu.memory_space<semaphore_mem>>) src(%arg12 : memref<128x16xf32, #tpu.memory_space<vmem>>) dst(%dma_wait3A_488 : memref<10016x16xf32, #tpu.memory_space<vmem_shared>>)
      %add3A_489 = arith.constant 4 : i32
      %add3A_490 = arith.addi %add3A_470, %add3A_489 : i32
      %min3A_491 = arith.constant 79 : i32
      %min3A_492 = arith.minsi %add3A_490, %min3A_491 : i32
      %dma_start3A_493 = arith.constant 0 : i32
      %dma_start3A_494 = tpu.memref_slice %arg6[%min3A_492, %dma_start3A_493] : memref<80x128xi32, #tpu.memory_space<vmem>> -> memref<1x128xi32, #tpu.memory_space<vmem>>
      %dma_start3A_495 = tpu.memref_squeeze %dma_start3A_494 : memref<1x128xi32, #tpu.memory_space<vmem>> -> memref<128xi32, #tpu.memory_space<vmem>>
      %dma_start3A_496 = arith.constant 0 : i32
      %dma_start3A_497 = arith.constant 0 : i32
      %dma_start3A_498 = tpu.memref_slice %arg4[%dma_start3A_496, %dma_start3A_497] : memref<10000x16xf32, #tpu.memory_space<hbm>> -> memref<10000x16xf32, #tpu.memory_space<hbm>>
      tpu.enqueue_indirect_dma source(%dma_start3A_498 : memref<10000x16xf32, #tpu.memory_space<hbm>>) target(%arg12 : memref<128x16xf32, #tpu.memory_space<vmem>>) offsets(%dma_start3A_495 : memref<128xi32, #tpu.memory_space<vmem>>) semaphore(%arg22 : memref<!tpu.dma_semaphore, #tpu.memory_space<semaphore_mem>>)
      %add3A_499 = arith.constant 5 : i32
      %add3A_500 = arith.addi %add3A_348, %add3A_499 : i32
      %dma_wait3A_501 = arith.constant 0 : i32
      %dma_wait3A_502 = tpu.memref_slice %arg6[%add3A_500, %dma_wait3A_501] : memref<80x128xi32, #tpu.memory_space<vmem>> -> memref<1x128xi32, #tpu.memory_space<vmem>>
      %dma_wait3A_503 = tpu.memref_squeeze %dma_wait3A_502 : memref<1x128xi32, #tpu.memory_space<vmem>> -> memref<128xi32, #tpu.memory_space<vmem>>
      %dma_wait3A_504 = arith.constant 0 : i32
      %dma_wait3A_505 = arith.constant 0 : i32
      %dma_wait3A_506 = tpu.memref_slice %arg4[%dma_wait3A_504, %dma_wait3A_505] : memref<10000x16xf32, #tpu.memory_space<hbm>> -> memref<10000x16xf32, #tpu.memory_space<hbm>>
      tpu.wait_indirect_dma semaphore(%arg19 : memref<!tpu.dma_semaphore, #tpu.memory_space<semaphore_mem>>) src(%dma_wait3A_506 : memref<10000x16xf32, #tpu.memory_space<hbm>>) dst(%arg9 : memref<128x16xf32, #tpu.memory_space<vmem>>)
      %dma_start3A_507 = arith.constant 0 : i32
      %dma_start3A_508 = tpu.memref_slice %arg7[%add3A_500, %dma_start3A_507] : memref<80x128xi32, #tpu.memory_space<vmem>> -> memref<1x128xi32, #tpu.memory_space<vmem>>
      %dma_start3A_509 = tpu.memref_squeeze %dma_start3A_508 : memref<1x128xi32, #tpu.memory_space<vmem>> -> memref<128xi32, #tpu.memory_space<vmem>>
      %dma_start3A_510 = arith.constant 0 : i32
      %dma_start3A_511 = arith.constant 0 : i32
      %dma_start3A_512 = tpu.memref_slice %arg17[%dma_start3A_510, %dma_start3A_511] : memref<10016x16xf32, #tpu.memory_space<vmem_shared>> -> memref<10016x16xf32, #tpu.memory_space<vmem_shared>>
      tpu.enqueue_indirect_dma source(%arg9 : memref<128x16xf32, #tpu.memory_space<vmem>>) target(%dma_start3A_512 : memref<10016x16xf32, #tpu.memory_space<vmem_shared>>) offsets(%dma_start3A_509 : memref<128xi32, #tpu.memory_space<vmem>>) semaphore(%arg27 : memref<!tpu.dma_semaphore, #tpu.memory_space<semaphore_mem>>) {add = true}
      %dma_wait3A_513 = arith.constant 0 : i32
      %dma_wait3A_514 = tpu.memref_slice %arg7[%add3A_500, %dma_wait3A_513] : memref<80x128xi32, #tpu.memory_space<vmem>> -> memref<1x128xi32, #tpu.memory_space<vmem>>
      %dma_wait3A_515 = tpu.memref_squeeze %dma_wait3A_514 : memref<1x128xi32, #tpu.memory_space<vmem>> -> memref<128xi32, #tpu.memory_space<vmem>>
      %dma_wait3A_516 = arith.constant 0 : i32
      %dma_wait3A_517 = arith.constant 0 : i32
      %dma_wait3A_518 = tpu.memref_slice %arg17[%dma_wait3A_516, %dma_wait3A_517] : memref<10016x16xf32, #tpu.memory_space<vmem_shared>> -> memref<10016x16xf32, #tpu.memory_space<vmem_shared>>
      tpu.wait_indirect_dma semaphore(%arg31 : memref<!tpu.dma_semaphore, #tpu.memory_space<semaphore_mem>>) src(%arg13 : memref<128x16xf32, #tpu.memory_space<vmem>>) dst(%dma_wait3A_518 : memref<10016x16xf32, #tpu.memory_space<vmem_shared>>)
      %add3A_519 = arith.constant 4 : i32
      %add3A_520 = arith.addi %add3A_500, %add3A_519 : i32
      %min3A_521 = arith.constant 79 : i32
      %min3A_522 = arith.minsi %add3A_520, %min3A_521 : i32
      %dma_start3A_523 = arith.constant 0 : i32
      %dma_start3A_524 = tpu.memref_slice %arg6[%min3A_522, %dma_start3A_523] : memref<80x128xi32, #tpu.memory_space<vmem>> -> memref<1x128xi32, #tpu.memory_space<vmem>>
      %dma_start3A_525 = tpu.memref_squeeze %dma_start3A_524 : memref<1x128xi32, #tpu.memory_space<vmem>> -> memref<128xi32, #tpu.memory_space<vmem>>
      %dma_start3A_526 = arith.constant 0 : i32
      %dma_start3A_527 = arith.constant 0 : i32
      %dma_start3A_528 = tpu.memref_slice %arg4[%dma_start3A_526, %dma_start3A_527] : memref<10000x16xf32, #tpu.memory_space<hbm>> -> memref<10000x16xf32, #tpu.memory_space<hbm>>
      tpu.enqueue_indirect_dma source(%dma_start3A_528 : memref<10000x16xf32, #tpu.memory_space<hbm>>) target(%arg13 : memref<128x16xf32, #tpu.memory_space<vmem>>) offsets(%dma_start3A_525 : memref<128xi32, #tpu.memory_space<vmem>>) semaphore(%arg23 : memref<!tpu.dma_semaphore, #tpu.memory_space<semaphore_mem>>)
      %add3A_529 = arith.constant 6 : i32
      %add3A_530 = arith.addi %add3A_348, %add3A_529 : i32
      %dma_wait3A_531 = arith.constant 0 : i32
      %dma_wait3A_532 = tpu.memref_slice %arg6[%add3A_530, %dma_wait3A_531] : memref<80x128xi32, #tpu.memory_space<vmem>> -> memref<1x128xi32, #tpu.memory_space<vmem>>
      %dma_wait3A_533 = tpu.memref_squeeze %dma_wait3A_532 : memref<1x128xi32, #tpu.memory_space<vmem>> -> memref<128xi32, #tpu.memory_space<vmem>>
      %dma_wait3A_534 = arith.constant 0 : i32
      %dma_wait3A_535 = arith.constant 0 : i32
      %dma_wait3A_536 = tpu.memref_slice %arg4[%dma_wait3A_534, %dma_wait3A_535] : memref<10000x16xf32, #tpu.memory_space<hbm>> -> memref<10000x16xf32, #tpu.memory_space<hbm>>
      tpu.wait_indirect_dma semaphore(%arg20 : memref<!tpu.dma_semaphore, #tpu.memory_space<semaphore_mem>>) src(%dma_wait3A_536 : memref<10000x16xf32, #tpu.memory_space<hbm>>) dst(%arg10 : memref<128x16xf32, #tpu.memory_space<vmem>>)
      %dma_start3A_537 = arith.constant 0 : i32
      %dma_start3A_538 = tpu.memref_slice %arg7[%add3A_530, %dma_start3A_537] : memref<80x128xi32, #tpu.memory_space<vmem>> -> memref<1x128xi32, #tpu.memory_space<vmem>>
      %dma_start3A_539 = tpu.memref_squeeze %dma_start3A_538 : memref<1x128xi32, #tpu.memory_space<vmem>> -> memref<128xi32, #tpu.memory_space<vmem>>
      %dma_start3A_540 = arith.constant 0 : i32
      %dma_start3A_541 = arith.constant 0 : i32
      %dma_start3A_542 = tpu.memref_slice %arg17[%dma_start3A_540, %dma_start3A_541] : memref<10016x16xf32, #tpu.memory_space<vmem_shared>> -> memref<10016x16xf32, #tpu.memory_space<vmem_shared>>
      tpu.enqueue_indirect_dma source(%arg10 : memref<128x16xf32, #tpu.memory_space<vmem>>) target(%dma_start3A_542 : memref<10016x16xf32, #tpu.memory_space<vmem_shared>>) offsets(%dma_start3A_539 : memref<128xi32, #tpu.memory_space<vmem>>) semaphore(%arg28 : memref<!tpu.dma_semaphore, #tpu.memory_space<semaphore_mem>>) {add = true}
      %dma_wait3A_543 = arith.constant 0 : i32
      %dma_wait3A_544 = tpu.memref_slice %arg7[%add3A_530, %dma_wait3A_543] : memref<80x128xi32, #tpu.memory_space<vmem>> -> memref<1x128xi32, #tpu.memory_space<vmem>>
      %dma_wait3A_545 = tpu.memref_squeeze %dma_wait3A_544 : memref<1x128xi32, #tpu.memory_space<vmem>> -> memref<128xi32, #tpu.memory_space<vmem>>
      %dma_wait3A_546 = arith.constant 0 : i32
      %dma_wait3A_547 = arith.constant 0 : i32
      %dma_wait3A_548 = tpu.memref_slice %arg17[%dma_wait3A_546, %dma_wait3A_547] : memref<10016x16xf32, #tpu.memory_space<vmem_shared>> -> memref<10016x16xf32, #tpu.memory_space<vmem_shared>>
      tpu.wait_indirect_dma semaphore(%arg32 : memref<!tpu.dma_semaphore, #tpu.memory_space<semaphore_mem>>) src(%arg14 : memref<128x16xf32, #tpu.memory_space<vmem>>) dst(%dma_wait3A_548 : memref<10016x16xf32, #tpu.memory_space<vmem_shared>>)
      %add3A_549 = arith.constant 4 : i32
      %add3A_550 = arith.addi %add3A_530, %add3A_549 : i32
      %min3A_551 = arith.constant 79 : i32
      %min3A_552 = arith.minsi %add3A_550, %min3A_551 : i32
      %dma_start3A_553 = arith.constant 0 : i32
      %dma_start3A_554 = tpu.memref_slice %arg6[%min3A_552, %dma_start3A_553] : memref<80x128xi32, #tpu.memory_space<vmem>> -> memref<1x128xi32, #tpu.memory_space<vmem>>
      %dma_start3A_555 = tpu.memref_squeeze %dma_start3A_554 : memref<1x128xi32, #tpu.memory_space<vmem>> -> memref<128xi32, #tpu.memory_space<vmem>>
      %dma_start3A_556 = arith.constant 0 : i32
      %dma_start3A_557 = arith.constant 0 : i32
      %dma_start3A_558 = tpu.memref_slice %arg4[%dma_start3A_556, %dma_start3A_557] : memref<10000x16xf32, #tpu.memory_space<hbm>> -> memref<10000x16xf32, #tpu.memory_space<hbm>>
      tpu.enqueue_indirect_dma source(%dma_start3A_558 : memref<10000x16xf32, #tpu.memory_space<hbm>>) target(%arg14 : memref<128x16xf32, #tpu.memory_space<vmem>>) offsets(%dma_start3A_555 : memref<128xi32, #tpu.memory_space<vmem>>) semaphore(%arg24 : memref<!tpu.dma_semaphore, #tpu.memory_space<semaphore_mem>>)
      %add3A_559 = arith.constant 7 : i32
      %add3A_560 = arith.addi %add3A_348, %add3A_559 : i32
      %dma_wait3A_561 = arith.constant 0 : i32
      %dma_wait3A_562 = tpu.memref_slice %arg6[%add3A_560, %dma_wait3A_561] : memref<80x128xi32, #tpu.memory_space<vmem>> -> memref<1x128xi32, #tpu.memory_space<vmem>>
      %dma_wait3A_563 = tpu.memref_squeeze %dma_wait3A_562 : memref<1x128xi32, #tpu.memory_space<vmem>> -> memref<128xi32, #tpu.memory_space<vmem>>
      %dma_wait3A_564 = arith.constant 0 : i32
      %dma_wait3A_565 = arith.constant 0 : i32
      %dma_wait3A_566 = tpu.memref_slice %arg4[%dma_wait3A_564, %dma_wait3A_565] : memref<10000x16xf32, #tpu.memory_space<hbm>> -> memref<10000x16xf32, #tpu.memory_space<hbm>>
      tpu.wait_indirect_dma semaphore(%arg21 : memref<!tpu.dma_semaphore, #tpu.memory_space<semaphore_mem>>) src(%dma_wait3A_566 : memref<10000x16xf32, #tpu.memory_space<hbm>>) dst(%arg11 : memref<128x16xf32, #tpu.memory_space<vmem>>)
      %dma_start3A_567 = arith.constant 0 : i32
      %dma_start3A_568 = tpu.memref_slice %arg7[%add3A_560, %dma_start3A_567] : memref<80x128xi32, #tpu.memory_space<vmem>> -> memref<1x128xi32, #tpu.memory_space<vmem>>
      %dma_start3A_569 = tpu.memref_squeeze %dma_start3A_568 : memref<1x128xi32, #tpu.memory_space<vmem>> -> memref<128xi32, #tpu.memory_space<vmem>>
      %dma_start3A_570 = arith.constant 0 : i32
      %dma_start3A_571 = arith.constant 0 : i32
      %dma_start3A_572 = tpu.memref_slice %arg17[%dma_start3A_570, %dma_start3A_571] : memref<10016x16xf32, #tpu.memory_space<vmem_shared>> -> memref<10016x16xf32, #tpu.memory_space<vmem_shared>>
      tpu.enqueue_indirect_dma source(%arg11 : memref<128x16xf32, #tpu.memory_space<vmem>>) target(%dma_start3A_572 : memref<10016x16xf32, #tpu.memory_space<vmem_shared>>) offsets(%dma_start3A_569 : memref<128xi32, #tpu.memory_space<vmem>>) semaphore(%arg29 : memref<!tpu.dma_semaphore, #tpu.memory_space<semaphore_mem>>) {add = true}
      %dma_wait3A_573 = arith.constant 0 : i32
      %dma_wait3A_574 = tpu.memref_slice %arg7[%add3A_560, %dma_wait3A_573] : memref<80x128xi32, #tpu.memory_space<vmem>> -> memref<1x128xi32, #tpu.memory_space<vmem>>
      %dma_wait3A_575 = tpu.memref_squeeze %dma_wait3A_574 : memref<1x128xi32, #tpu.memory_space<vmem>> -> memref<128xi32, #tpu.memory_space<vmem>>
      %dma_wait3A_576 = arith.constant 0 : i32
      %dma_wait3A_577 = arith.constant 0 : i32
      %dma_wait3A_578 = tpu.memref_slice %arg17[%dma_wait3A_576, %dma_wait3A_577] : memref<10016x16xf32, #tpu.memory_space<vmem_shared>> -> memref<10016x16xf32, #tpu.memory_space<vmem_shared>>
      tpu.wait_indirect_dma semaphore(%arg33 : memref<!tpu.dma_semaphore, #tpu.memory_space<semaphore_mem>>) src(%arg15 : memref<128x16xf32, #tpu.memory_space<vmem>>) dst(%dma_wait3A_578 : memref<10016x16xf32, #tpu.memory_space<vmem_shared>>)
      %add3A_579 = arith.constant 4 : i32
      %add3A_580 = arith.addi %add3A_560, %add3A_579 : i32
      %min3A_581 = arith.constant 79 : i32
      %min3A_582 = arith.minsi %add3A_580, %min3A_581 : i32
      %dma_start3A_583 = arith.constant 0 : i32
      %dma_start3A_584 = tpu.memref_slice %arg6[%min3A_582, %dma_start3A_583] : memref<80x128xi32, #tpu.memory_space<vmem>> -> memref<1x128xi32, #tpu.memory_space<vmem>>
      %dma_start3A_585 = tpu.memref_squeeze %dma_start3A_584 : memref<1x128xi32, #tpu.memory_space<vmem>> -> memref<128xi32, #tpu.memory_space<vmem>>
      %dma_start3A_586 = arith.constant 0 : i32
      %dma_start3A_587 = arith.constant 0 : i32
      %dma_start3A_588 = tpu.memref_slice %arg4[%dma_start3A_586, %dma_start3A_587] : memref<10000x16xf32, #tpu.memory_space<hbm>> -> memref<10000x16xf32, #tpu.memory_space<hbm>>
      tpu.enqueue_indirect_dma source(%dma_start3A_588 : memref<10000x16xf32, #tpu.memory_space<hbm>>) target(%arg15 : memref<128x16xf32, #tpu.memory_space<vmem>>) offsets(%dma_start3A_585 : memref<128xi32, #tpu.memory_space<vmem>>) semaphore(%arg25 : memref<!tpu.dma_semaphore, #tpu.memory_space<semaphore_mem>>)
    }
    %scan3A_162 = arith.constant 9 : i32
    %dma_wait3A_163 = arith.constant 76 : i32
    %dma_wait3A_164 = arith.constant 0 : i32
    %dma_wait3A_165 = tpu.memref_slice %arg6[%dma_wait3A_163, %dma_wait3A_164] : memref<80x128xi32, #tpu.memory_space<vmem>> -> memref<1x128xi32, #tpu.memory_space<vmem>>
    %dma_wait3A_166 = tpu.memref_squeeze %dma_wait3A_165 : memref<1x128xi32, #tpu.memory_space<vmem>> -> memref<128xi32, #tpu.memory_space<vmem>>
    %dma_wait3A_167 = arith.constant 0 : i32
    %dma_wait3A_168 = arith.constant 0 : i32
    %dma_wait3A_169 = tpu.memref_slice %arg4[%dma_wait3A_167, %dma_wait3A_168] : memref<10000x16xf32, #tpu.memory_space<hbm>> -> memref<10000x16xf32, #tpu.memory_space<hbm>>
    tpu.wait_indirect_dma semaphore(%arg22 : memref<!tpu.dma_semaphore, #tpu.memory_space<semaphore_mem>>) src(%dma_wait3A_169 : memref<10000x16xf32, #tpu.memory_space<hbm>>) dst(%arg12 : memref<128x16xf32, #tpu.memory_space<vmem>>)
    %dma_start3A_170 = arith.constant 76 : i32
    %dma_start3A_171 = arith.constant 0 : i32
    %dma_start3A_172 = tpu.memref_slice %arg7[%dma_start3A_170, %dma_start3A_171] : memref<80x128xi32, #tpu.memory_space<vmem>> -> memref<1x128xi32, #tpu.memory_space<vmem>>
    %dma_start3A_173 = tpu.memref_squeeze %dma_start3A_172 : memref<1x128xi32, #tpu.memory_space<vmem>> -> memref<128xi32, #tpu.memory_space<vmem>>
    %dma_start3A_174 = arith.constant 0 : i32
    %dma_start3A_175 = arith.constant 0 : i32
    %dma_start3A_176 = tpu.memref_slice %arg17[%dma_start3A_174, %dma_start3A_175] : memref<10016x16xf32, #tpu.memory_space<vmem_shared>> -> memref<10016x16xf32, #tpu.memory_space<vmem_shared>>
    tpu.enqueue_indirect_dma source(%arg12 : memref<128x16xf32, #tpu.memory_space<vmem>>) target(%dma_start3A_176 : memref<10016x16xf32, #tpu.memory_space<vmem_shared>>) offsets(%dma_start3A_173 : memref<128xi32, #tpu.memory_space<vmem>>) semaphore(%arg30 : memref<!tpu.dma_semaphore, #tpu.memory_space<semaphore_mem>>) {add = true}
    %dma_wait3A_177 = arith.constant 76 : i32
    %dma_wait3A_178 = arith.constant 0 : i32
    %dma_wait3A_179 = tpu.memref_slice %arg7[%dma_wait3A_177, %dma_wait3A_178] : memref<80x128xi32, #tpu.memory_space<vmem>> -> memref<1x128xi32, #tpu.memory_space<vmem>>
    %dma_wait3A_180 = tpu.memref_squeeze %dma_wait3A_179 : memref<1x128xi32, #tpu.memory_space<vmem>> -> memref<128xi32, #tpu.memory_space<vmem>>
    %dma_wait3A_181 = arith.constant 0 : i32
    %dma_wait3A_182 = arith.constant 0 : i32
    %dma_wait3A_183 = tpu.memref_slice %arg17[%dma_wait3A_181, %dma_wait3A_182] : memref<10016x16xf32, #tpu.memory_space<vmem_shared>> -> memref<10016x16xf32, #tpu.memory_space<vmem_shared>>
    tpu.wait_indirect_dma semaphore(%arg26 : memref<!tpu.dma_semaphore, #tpu.memory_space<semaphore_mem>>) src(%arg8 : memref<128x16xf32, #tpu.memory_space<vmem>>) dst(%dma_wait3A_183 : memref<10016x16xf32, #tpu.memory_space<vmem_shared>>)
    %min3A_184 = arith.constant 80 : i32
    %min3A_185 = arith.constant 79 : i32
    %min3A_186 = arith.minsi %min3A_184, %min3A_185 : i32
    %dma_start3A_187 = arith.constant 0 : i32
    %dma_start3A_188 = tpu.memref_slice %arg6[%min3A_186, %dma_start3A_187] : memref<80x128xi32, #tpu.memory_space<vmem>> -> memref<1x128xi32, #tpu.memory_space<vmem>>
    %dma_start3A_189 = tpu.memref_squeeze %dma_start3A_188 : memref<1x128xi32, #tpu.memory_space<vmem>> -> memref<128xi32, #tpu.memory_space<vmem>>
    %dma_start3A_190 = arith.constant 0 : i32
    %dma_start3A_191 = arith.constant 0 : i32
    %dma_start3A_192 = tpu.memref_slice %arg4[%dma_start3A_190, %dma_start3A_191] : memref<10000x16xf32, #tpu.memory_space<hbm>> -> memref<10000x16xf32, #tpu.memory_space<hbm>>
    tpu.enqueue_indirect_dma source(%dma_start3A_192 : memref<10000x16xf32, #tpu.memory_space<hbm>>) target(%arg8 : memref<128x16xf32, #tpu.memory_space<vmem>>) offsets(%dma_start3A_189 : memref<128xi32, #tpu.memory_space<vmem>>) semaphore(%arg18 : memref<!tpu.dma_semaphore, #tpu.memory_space<semaphore_mem>>)
    %dma_wait3A_193 = arith.constant 77 : i32
    %dma_wait3A_194 = arith.constant 0 : i32
    %dma_wait3A_195 = tpu.memref_slice %arg6[%dma_wait3A_193, %dma_wait3A_194] : memref<80x128xi32, #tpu.memory_space<vmem>> -> memref<1x128xi32, #tpu.memory_space<vmem>>
    %dma_wait3A_196 = tpu.memref_squeeze %dma_wait3A_195 : memref<1x128xi32, #tpu.memory_space<vmem>> -> memref<128xi32, #tpu.memory_space<vmem>>
    %dma_wait3A_197 = arith.constant 0 : i32
    %dma_wait3A_198 = arith.constant 0 : i32
    %dma_wait3A_199 = tpu.memref_slice %arg4[%dma_wait3A_197, %dma_wait3A_198] : memref<10000x16xf32, #tpu.memory_space<hbm>> -> memref<10000x16xf32, #tpu.memory_space<hbm>>
    tpu.wait_indirect_dma semaphore(%arg23 : memref<!tpu.dma_semaphore, #tpu.memory_space<semaphore_mem>>) src(%dma_wait3A_199 : memref<10000x16xf32, #tpu.memory_space<hbm>>) dst(%arg13 : memref<128x16xf32, #tpu.memory_space<vmem>>)
    %dma_start3A_200 = arith.constant 77 : i32
    %dma_start3A_201 = arith.constant 0 : i32
    %dma_start3A_202 = tpu.memref_slice %arg7[%dma_start3A_200, %dma_start3A_201] : memref<80x128xi32, #tpu.memory_space<vmem>> -> memref<1x128xi32, #tpu.memory_space<vmem>>
    %dma_start3A_203 = tpu.memref_squeeze %dma_start3A_202 : memref<1x128xi32, #tpu.memory_space<vmem>> -> memref<128xi32, #tpu.memory_space<vmem>>
    %dma_start3A_204 = arith.constant 0 : i32
    %dma_start3A_205 = arith.constant 0 : i32
    %dma_start3A_206 = tpu.memref_slice %arg17[%dma_start3A_204, %dma_start3A_205] : memref<10016x16xf32, #tpu.memory_space<vmem_shared>> -> memref<10016x16xf32, #tpu.memory_space<vmem_shared>>
    tpu.enqueue_indirect_dma source(%arg13 : memref<128x16xf32, #tpu.memory_space<vmem>>) target(%dma_start3A_206 : memref<10016x16xf32, #tpu.memory_space<vmem_shared>>) offsets(%dma_start3A_203 : memref<128xi32, #tpu.memory_space<vmem>>) semaphore(%arg31 : memref<!tpu.dma_semaphore, #tpu.memory_space<semaphore_mem>>) {add = true}
    %dma_wait3A_207 = arith.constant 77 : i32
    %dma_wait3A_208 = arith.constant 0 : i32
    %dma_wait3A_209 = tpu.memref_slice %arg7[%dma_wait3A_207, %dma_wait3A_208] : memref<80x128xi32, #tpu.memory_space<vmem>> -> memref<1x128xi32, #tpu.memory_space<vmem>>
    %dma_wait3A_210 = tpu.memref_squeeze %dma_wait3A_209 : memref<1x128xi32, #tpu.memory_space<vmem>> -> memref<128xi32, #tpu.memory_space<vmem>>
    %dma_wait3A_211 = arith.constant 0 : i32
    %dma_wait3A_212 = arith.constant 0 : i32
    %dma_wait3A_213 = tpu.memref_slice %arg17[%dma_wait3A_211, %dma_wait3A_212] : memref<10016x16xf32, #tpu.memory_space<vmem_shared>> -> memref<10016x16xf32, #tpu.memory_space<vmem_shared>>
    tpu.wait_indirect_dma semaphore(%arg27 : memref<!tpu.dma_semaphore, #tpu.memory_space<semaphore_mem>>) src(%arg9 : memref<128x16xf32, #tpu.memory_space<vmem>>) dst(%dma_wait3A_213 : memref<10016x16xf32, #tpu.memory_space<vmem_shared>>)
    %min3A_214 = arith.constant 81 : i32
    %min3A_215 = arith.constant 79 : i32
    %min3A_216 = arith.minsi %min3A_214, %min3A_215 : i32
    %dma_start3A_217 = arith.constant 0 : i32
    %dma_start3A_218 = tpu.memref_slice %arg6[%min3A_216, %dma_start3A_217] : memref<80x128xi32, #tpu.memory_space<vmem>> -> memref<1x128xi32, #tpu.memory_space<vmem>>
    %dma_start3A_219 = tpu.memref_squeeze %dma_start3A_218 : memref<1x128xi32, #tpu.memory_space<vmem>> -> memref<128xi32, #tpu.memory_space<vmem>>
    %dma_start3A_220 = arith.constant 0 : i32
    %dma_start3A_221 = arith.constant 0 : i32
    %dma_start3A_222 = tpu.memref_slice %arg4[%dma_start3A_220, %dma_start3A_221] : memref<10000x16xf32, #tpu.memory_space<hbm>> -> memref<10000x16xf32, #tpu.memory_space<hbm>>
    tpu.enqueue_indirect_dma source(%dma_start3A_222 : memref<10000x16xf32, #tpu.memory_space<hbm>>) target(%arg9 : memref<128x16xf32, #tpu.memory_space<vmem>>) offsets(%dma_start3A_219 : memref<128xi32, #tpu.memory_space<vmem>>) semaphore(%arg19 : memref<!tpu.dma_semaphore, #tpu.memory_space<semaphore_mem>>)
    %dma_wait3A_223 = arith.constant 78 : i32
    %dma_wait3A_224 = arith.constant 0 : i32
    %dma_wait3A_225 = tpu.memref_slice %arg6[%dma_wait3A_223, %dma_wait3A_224] : memref<80x128xi32, #tpu.memory_space<vmem>> -> memref<1x128xi32, #tpu.memory_space<vmem>>
    %dma_wait3A_226 = tpu.memref_squeeze %dma_wait3A_225 : memref<1x128xi32, #tpu.memory_space<vmem>> -> memref<128xi32, #tpu.memory_space<vmem>>
    %dma_wait3A_227 = arith.constant 0 : i32
    %dma_wait3A_228 = arith.constant 0 : i32
    %dma_wait3A_229 = tpu.memref_slice %arg4[%dma_wait3A_227, %dma_wait3A_228] : memref<10000x16xf32, #tpu.memory_space<hbm>> -> memref<10000x16xf32, #tpu.memory_space<hbm>>
    tpu.wait_indirect_dma semaphore(%arg24 : memref<!tpu.dma_semaphore, #tpu.memory_space<semaphore_mem>>) src(%dma_wait3A_229 : memref<10000x16xf32, #tpu.memory_space<hbm>>) dst(%arg14 : memref<128x16xf32, #tpu.memory_space<vmem>>)
    %dma_start3A_230 = arith.constant 78 : i32
    %dma_start3A_231 = arith.constant 0 : i32
    %dma_start3A_232 = tpu.memref_slice %arg7[%dma_start3A_230, %dma_start3A_231] : memref<80x128xi32, #tpu.memory_space<vmem>> -> memref<1x128xi32, #tpu.memory_space<vmem>>
    %dma_start3A_233 = tpu.memref_squeeze %dma_start3A_232 : memref<1x128xi32, #tpu.memory_space<vmem>> -> memref<128xi32, #tpu.memory_space<vmem>>
    %dma_start3A_234 = arith.constant 0 : i32
    %dma_start3A_235 = arith.constant 0 : i32
    %dma_start3A_236 = tpu.memref_slice %arg17[%dma_start3A_234, %dma_start3A_235] : memref<10016x16xf32, #tpu.memory_space<vmem_shared>> -> memref<10016x16xf32, #tpu.memory_space<vmem_shared>>
    tpu.enqueue_indirect_dma source(%arg14 : memref<128x16xf32, #tpu.memory_space<vmem>>) target(%dma_start3A_236 : memref<10016x16xf32, #tpu.memory_space<vmem_shared>>) offsets(%dma_start3A_233 : memref<128xi32, #tpu.memory_space<vmem>>) semaphore(%arg32 : memref<!tpu.dma_semaphore, #tpu.memory_space<semaphore_mem>>) {add = true}
    %dma_wait3A_237 = arith.constant 78 : i32
    %dma_wait3A_238 = arith.constant 0 : i32
    %dma_wait3A_239 = tpu.memref_slice %arg7[%dma_wait3A_237, %dma_wait3A_238] : memref<80x128xi32, #tpu.memory_space<vmem>> -> memref<1x128xi32, #tpu.memory_space<vmem>>
    %dma_wait3A_240 = tpu.memref_squeeze %dma_wait3A_239 : memref<1x128xi32, #tpu.memory_space<vmem>> -> memref<128xi32, #tpu.memory_space<vmem>>
    %dma_wait3A_241 = arith.constant 0 : i32
    %dma_wait3A_242 = arith.constant 0 : i32
    %dma_wait3A_243 = tpu.memref_slice %arg17[%dma_wait3A_241, %dma_wait3A_242] : memref<10016x16xf32, #tpu.memory_space<vmem_shared>> -> memref<10016x16xf32, #tpu.memory_space<vmem_shared>>
    tpu.wait_indirect_dma semaphore(%arg28 : memref<!tpu.dma_semaphore, #tpu.memory_space<semaphore_mem>>) src(%arg10 : memref<128x16xf32, #tpu.memory_space<vmem>>) dst(%dma_wait3A_243 : memref<10016x16xf32, #tpu.memory_space<vmem_shared>>)
    %min3A_244 = arith.constant 82 : i32
    %min3A_245 = arith.constant 79 : i32
    %min3A_246 = arith.minsi %min3A_244, %min3A_245 : i32
    %dma_start3A_247 = arith.constant 0 : i32
    %dma_start3A_248 = tpu.memref_slice %arg6[%min3A_246, %dma_start3A_247] : memref<80x128xi32, #tpu.memory_space<vmem>> -> memref<1x128xi32, #tpu.memory_space<vmem>>
    %dma_start3A_249 = tpu.memref_squeeze %dma_start3A_248 : memref<1x128xi32, #tpu.memory_space<vmem>> -> memref<128xi32, #tpu.memory_space<vmem>>
    %dma_start3A_250 = arith.constant 0 : i32
    %dma_start3A_251 = arith.constant 0 : i32
    %dma_start3A_252 = tpu.memref_slice %arg4[%dma_start3A_250, %dma_start3A_251] : memref<10000x16xf32, #tpu.memory_space<hbm>> -> memref<10000x16xf32, #tpu.memory_space<hbm>>
    tpu.enqueue_indirect_dma source(%dma_start3A_252 : memref<10000x16xf32, #tpu.memory_space<hbm>>) target(%arg10 : memref<128x16xf32, #tpu.memory_space<vmem>>) offsets(%dma_start3A_249 : memref<128xi32, #tpu.memory_space<vmem>>) semaphore(%arg20 : memref<!tpu.dma_semaphore, #tpu.memory_space<semaphore_mem>>)
    %dma_wait3A_253 = arith.constant 79 : i32
    %dma_wait3A_254 = arith.constant 0 : i32
    %dma_wait3A_255 = tpu.memref_slice %arg6[%dma_wait3A_253, %dma_wait3A_254] : memref<80x128xi32, #tpu.memory_space<vmem>> -> memref<1x128xi32, #tpu.memory_space<vmem>>
    %dma_wait3A_256 = tpu.memref_squeeze %dma_wait3A_255 : memref<1x128xi32, #tpu.memory_space<vmem>> -> memref<128xi32, #tpu.memory_space<vmem>>
    %dma_wait3A_257 = arith.constant 0 : i32
    %dma_wait3A_258 = arith.constant 0 : i32
    %dma_wait3A_259 = tpu.memref_slice %arg4[%dma_wait3A_257, %dma_wait3A_258] : memref<10000x16xf32, #tpu.memory_space<hbm>> -> memref<10000x16xf32, #tpu.memory_space<hbm>>
    tpu.wait_indirect_dma semaphore(%arg25 : memref<!tpu.dma_semaphore, #tpu.memory_space<semaphore_mem>>) src(%dma_wait3A_259 : memref<10000x16xf32, #tpu.memory_space<hbm>>) dst(%arg15 : memref<128x16xf32, #tpu.memory_space<vmem>>)
    %dma_start3A_260 = arith.constant 79 : i32
    %dma_start3A_261 = arith.constant 0 : i32
    %dma_start3A_262 = tpu.memref_slice %arg7[%dma_start3A_260, %dma_start3A_261] : memref<80x128xi32, #tpu.memory_space<vmem>> -> memref<1x128xi32, #tpu.memory_space<vmem>>
    %dma_start3A_263 = tpu.memref_squeeze %dma_start3A_262 : memref<1x128xi32, #tpu.memory_space<vmem>> -> memref<128xi32, #tpu.memory_space<vmem>>
    %dma_start3A_264 = arith.constant 0 : i32
    %dma_start3A_265 = arith.constant 0 : i32
    %dma_start3A_266 = tpu.memref_slice %arg17[%dma_start3A_264, %dma_start3A_265] : memref<10016x16xf32, #tpu.memory_space<vmem_shared>> -> memref<10016x16xf32, #tpu.memory_space<vmem_shared>>
    tpu.enqueue_indirect_dma source(%arg15 : memref<128x16xf32, #tpu.memory_space<vmem>>) target(%dma_start3A_266 : memref<10016x16xf32, #tpu.memory_space<vmem_shared>>) offsets(%dma_start3A_263 : memref<128xi32, #tpu.memory_space<vmem>>) semaphore(%arg33 : memref<!tpu.dma_semaphore, #tpu.memory_space<semaphore_mem>>) {add = true}
    %dma_wait3A_267 = arith.constant 79 : i32
    %dma_wait3A_268 = arith.constant 0 : i32
    %dma_wait3A_269 = tpu.memref_slice %arg7[%dma_wait3A_267, %dma_wait3A_268] : memref<80x128xi32, #tpu.memory_space<vmem>> -> memref<1x128xi32, #tpu.memory_space<vmem>>
    %dma_wait3A_270 = tpu.memref_squeeze %dma_wait3A_269 : memref<1x128xi32, #tpu.memory_space<vmem>> -> memref<128xi32, #tpu.memory_space<vmem>>
    %dma_wait3A_271 = arith.constant 0 : i32
    %dma_wait3A_272 = arith.constant 0 : i32
    %dma_wait3A_273 = tpu.memref_slice %arg17[%dma_wait3A_271, %dma_wait3A_272] : memref<10016x16xf32, #tpu.memory_space<vmem_shared>> -> memref<10016x16xf32, #tpu.memory_space<vmem_shared>>
    tpu.wait_indirect_dma semaphore(%arg29 : memref<!tpu.dma_semaphore, #tpu.memory_space<semaphore_mem>>) src(%arg11 : memref<128x16xf32, #tpu.memory_space<vmem>>) dst(%dma_wait3A_273 : memref<10016x16xf32, #tpu.memory_space<vmem_shared>>)
    %min3A_274 = arith.constant 83 : i32
    %min3A_275 = arith.constant 79 : i32
    %min3A_276 = arith.minsi %min3A_274, %min3A_275 : i32
    %dma_start3A_277 = arith.constant 0 : i32
    %dma_start3A_278 = tpu.memref_slice %arg6[%min3A_276, %dma_start3A_277] : memref<80x128xi32, #tpu.memory_space<vmem>> -> memref<1x128xi32, #tpu.memory_space<vmem>>
    %dma_start3A_279 = tpu.memref_squeeze %dma_start3A_278 : memref<1x128xi32, #tpu.memory_space<vmem>> -> memref<128xi32, #tpu.memory_space<vmem>>
    %dma_start3A_280 = arith.constant 0 : i32
    %dma_start3A_281 = arith.constant 0 : i32
    %dma_start3A_282 = tpu.memref_slice %arg4[%dma_start3A_280, %dma_start3A_281] : memref<10000x16xf32, #tpu.memory_space<hbm>> -> memref<10000x16xf32, #tpu.memory_space<hbm>>
    tpu.enqueue_indirect_dma source(%dma_start3A_282 : memref<10000x16xf32, #tpu.memory_space<hbm>>) target(%arg11 : memref<128x16xf32, #tpu.memory_space<vmem>>) offsets(%dma_start3A_279 : memref<128xi32, #tpu.memory_space<vmem>>) semaphore(%arg21 : memref<!tpu.dma_semaphore, #tpu.memory_space<semaphore_mem>>)
    %dma_wait3A_283 = arith.constant 0 : i32
    %dma_wait3A_284 = arith.constant 0 : i32
    %dma_wait3A_285 = tpu.memref_slice %arg6[%dma_wait3A_283, %dma_wait3A_284] : memref<80x128xi32, #tpu.memory_space<vmem>> -> memref<1x128xi32, #tpu.memory_space<vmem>>
    %dma_wait3A_286 = tpu.memref_squeeze %dma_wait3A_285 : memref<1x128xi32, #tpu.memory_space<vmem>> -> memref<128xi32, #tpu.memory_space<vmem>>
    %dma_wait3A_287 = arith.constant 0 : i32
    %dma_wait3A_288 = arith.constant 0 : i32
    %dma_wait3A_289 = tpu.memref_slice %arg4[%dma_wait3A_287, %dma_wait3A_288] : memref<10000x16xf32, #tpu.memory_space<hbm>> -> memref<10000x16xf32, #tpu.memory_space<hbm>>
    tpu.wait_indirect_dma semaphore(%arg18 : memref<!tpu.dma_semaphore, #tpu.memory_space<semaphore_mem>>) src(%dma_wait3A_289 : memref<10000x16xf32, #tpu.memory_space<hbm>>) dst(%arg8 : memref<128x16xf32, #tpu.memory_space<vmem>>)
    %dma_wait3A_290 = arith.constant 0 : i32
    %dma_wait3A_291 = arith.constant 0 : i32
    %dma_wait3A_292 = tpu.memref_slice %arg6[%dma_wait3A_290, %dma_wait3A_291] : memref<80x128xi32, #tpu.memory_space<vmem>> -> memref<1x128xi32, #tpu.memory_space<vmem>>
    %dma_wait3A_293 = tpu.memref_squeeze %dma_wait3A_292 : memref<1x128xi32, #tpu.memory_space<vmem>> -> memref<128xi32, #tpu.memory_space<vmem>>
    %dma_wait3A_294 = arith.constant 0 : i32
    %dma_wait3A_295 = arith.constant 0 : i32
    %dma_wait3A_296 = tpu.memref_slice %arg4[%dma_wait3A_294, %dma_wait3A_295] : memref<10000x16xf32, #tpu.memory_space<hbm>> -> memref<10000x16xf32, #tpu.memory_space<hbm>>
    tpu.wait_indirect_dma semaphore(%arg19 : memref<!tpu.dma_semaphore, #tpu.memory_space<semaphore_mem>>) src(%dma_wait3A_296 : memref<10000x16xf32, #tpu.memory_space<hbm>>) dst(%arg9 : memref<128x16xf32, #tpu.memory_space<vmem>>)
    %dma_wait3A_297 = arith.constant 0 : i32
    %dma_wait3A_298 = arith.constant 0 : i32
    %dma_wait3A_299 = tpu.memref_slice %arg6[%dma_wait3A_297, %dma_wait3A_298] : memref<80x128xi32, #tpu.memory_space<vmem>> -> memref<1x128xi32, #tpu.memory_space<vmem>>
    %dma_wait3A_300 = tpu.memref_squeeze %dma_wait3A_299 : memref<1x128xi32, #tpu.memory_space<vmem>> -> memref<128xi32, #tpu.memory_space<vmem>>
    %dma_wait3A_301 = arith.constant 0 : i32
    %dma_wait3A_302 = arith.constant 0 : i32
    %dma_wait3A_303 = tpu.memref_slice %arg4[%dma_wait3A_301, %dma_wait3A_302] : memref<10000x16xf32, #tpu.memory_space<hbm>> -> memref<10000x16xf32, #tpu.memory_space<hbm>>
    tpu.wait_indirect_dma semaphore(%arg20 : memref<!tpu.dma_semaphore, #tpu.memory_space<semaphore_mem>>) src(%dma_wait3A_303 : memref<10000x16xf32, #tpu.memory_space<hbm>>) dst(%arg10 : memref<128x16xf32, #tpu.memory_space<vmem>>)
    %dma_wait3A_304 = arith.constant 0 : i32
    %dma_wait3A_305 = arith.constant 0 : i32
    %dma_wait3A_306 = tpu.memref_slice %arg6[%dma_wait3A_304, %dma_wait3A_305] : memref<80x128xi32, #tpu.memory_space<vmem>> -> memref<1x128xi32, #tpu.memory_space<vmem>>
    %dma_wait3A_307 = tpu.memref_squeeze %dma_wait3A_306 : memref<1x128xi32, #tpu.memory_space<vmem>> -> memref<128xi32, #tpu.memory_space<vmem>>
    %dma_wait3A_308 = arith.constant 0 : i32
    %dma_wait3A_309 = arith.constant 0 : i32
    %dma_wait3A_310 = tpu.memref_slice %arg4[%dma_wait3A_308, %dma_wait3A_309] : memref<10000x16xf32, #tpu.memory_space<hbm>> -> memref<10000x16xf32, #tpu.memory_space<hbm>>
    tpu.wait_indirect_dma semaphore(%arg21 : memref<!tpu.dma_semaphore, #tpu.memory_space<semaphore_mem>>) src(%dma_wait3A_310 : memref<10000x16xf32, #tpu.memory_space<hbm>>) dst(%arg11 : memref<128x16xf32, #tpu.memory_space<vmem>>)
    %dma_wait3A_311 = arith.constant 0 : i32
    %dma_wait3A_312 = arith.constant 0 : i32
    %dma_wait3A_313 = tpu.memref_slice %arg7[%dma_wait3A_311, %dma_wait3A_312] : memref<80x128xi32, #tpu.memory_space<vmem>> -> memref<1x128xi32, #tpu.memory_space<vmem>>
    %dma_wait3A_314 = tpu.memref_squeeze %dma_wait3A_313 : memref<1x128xi32, #tpu.memory_space<vmem>> -> memref<128xi32, #tpu.memory_space<vmem>>
    %dma_wait3A_315 = arith.constant 0 : i32
    %dma_wait3A_316 = arith.constant 0 : i32
    %dma_wait3A_317 = tpu.memref_slice %arg17[%dma_wait3A_315, %dma_wait3A_316] : memref<10016x16xf32, #tpu.memory_space<vmem_shared>> -> memref<10016x16xf32, #tpu.memory_space<vmem_shared>>
    tpu.wait_indirect_dma semaphore(%arg30 : memref<!tpu.dma_semaphore, #tpu.memory_space<semaphore_mem>>) src(%arg12 : memref<128x16xf32, #tpu.memory_space<vmem>>) dst(%dma_wait3A_317 : memref<10016x16xf32, #tpu.memory_space<vmem_shared>>)
    %dma_wait3A_318 = arith.constant 0 : i32
    %dma_wait3A_319 = arith.constant 0 : i32
    %dma_wait3A_320 = tpu.memref_slice %arg7[%dma_wait3A_318, %dma_wait3A_319] : memref<80x128xi32, #tpu.memory_space<vmem>> -> memref<1x128xi32, #tpu.memory_space<vmem>>
    %dma_wait3A_321 = tpu.memref_squeeze %dma_wait3A_320 : memref<1x128xi32, #tpu.memory_space<vmem>> -> memref<128xi32, #tpu.memory_space<vmem>>
    %dma_wait3A_322 = arith.constant 0 : i32
    %dma_wait3A_323 = arith.constant 0 : i32
    %dma_wait3A_324 = tpu.memref_slice %arg17[%dma_wait3A_322, %dma_wait3A_323] : memref<10016x16xf32, #tpu.memory_space<vmem_shared>> -> memref<10016x16xf32, #tpu.memory_space<vmem_shared>>
    tpu.wait_indirect_dma semaphore(%arg31 : memref<!tpu.dma_semaphore, #tpu.memory_space<semaphore_mem>>) src(%arg13 : memref<128x16xf32, #tpu.memory_space<vmem>>) dst(%dma_wait3A_324 : memref<10016x16xf32, #tpu.memory_space<vmem_shared>>)
    %dma_wait3A_325 = arith.constant 0 : i32
    %dma_wait3A_326 = arith.constant 0 : i32
    %dma_wait3A_327 = tpu.memref_slice %arg7[%dma_wait3A_325, %dma_wait3A_326] : memref<80x128xi32, #tpu.memory_space<vmem>> -> memref<1x128xi32, #tpu.memory_space<vmem>>
    %dma_wait3A_328 = tpu.memref_squeeze %dma_wait3A_327 : memref<1x128xi32, #tpu.memory_space<vmem>> -> memref<128xi32, #tpu.memory_space<vmem>>
    %dma_wait3A_329 = arith.constant 0 : i32
    %dma_wait3A_330 = arith.constant 0 : i32
    %dma_wait3A_331 = tpu.memref_slice %arg17[%dma_wait3A_329, %dma_wait3A_330] : memref<10016x16xf32, #tpu.memory_space<vmem_shared>> -> memref<10016x16xf32, #tpu.memory_space<vmem_shared>>
    tpu.wait_indirect_dma semaphore(%arg32 : memref<!tpu.dma_semaphore, #tpu.memory_space<semaphore_mem>>) src(%arg14 : memref<128x16xf32, #tpu.memory_space<vmem>>) dst(%dma_wait3A_331 : memref<10016x16xf32, #tpu.memory_space<vmem_shared>>)
    %dma_wait3A_332 = arith.constant 0 : i32
    %dma_wait3A_333 = arith.constant 0 : i32
    %dma_wait3A_334 = tpu.memref_slice %arg7[%dma_wait3A_332, %dma_wait3A_333] : memref<80x128xi32, #tpu.memory_space<vmem>> -> memref<1x128xi32, #tpu.memory_space<vmem>>
    %dma_wait3A_335 = tpu.memref_squeeze %dma_wait3A_334 : memref<1x128xi32, #tpu.memory_space<vmem>> -> memref<128xi32, #tpu.memory_space<vmem>>
    %dma_wait3A_336 = arith.constant 0 : i32
    %dma_wait3A_337 = arith.constant 0 : i32
    %dma_wait3A_338 = tpu.memref_slice %arg17[%dma_wait3A_336, %dma_wait3A_337] : memref<10016x16xf32, #tpu.memory_space<vmem_shared>> -> memref<10016x16xf32, #tpu.memory_space<vmem_shared>>
    tpu.wait_indirect_dma semaphore(%arg33 : memref<!tpu.dma_semaphore, #tpu.memory_space<semaphore_mem>>) src(%arg15 : memref<128x16xf32, #tpu.memory_space<vmem>>) dst(%dma_wait3A_338 : memref<10016x16xf32, #tpu.memory_space<vmem_shared>>)
    %barrier3A_339 = arith.constant 0 : index
    tpu.barrier barrier_id(%barrier3A_339)
    %mul3A_340 = arith.constant 625 : i32
    %mul3A_341 = arith.muli %arg1, %mul3A_340 : i32
    %mul3A_342 = arith.constant 625 : i32
    %mul3A_343 = arith.muli %arg1, %mul3A_342 : i32
    "tpu.region"() ({
      %run_scoped3A = tpu.sem_alloc : memref<!tpu.dma_semaphore, #tpu.memory_space<semaphore_mem>>
      %dma_start3A_344 = arith.constant 0 : i32
      %dma_start3A_345 = tpu.memref_slice %arg5[%arg0, %mul3A_343, %dma_start3A_344] : memref<2x10000x16xf32, #tpu.memory_space<hbm>> -> memref<1x625x16xf32, #tpu.memory_space<hbm>>
      %dma_start3A_346 = tpu.memref_squeeze %dma_start3A_345 : memref<1x625x16xf32, #tpu.memory_space<hbm>> -> memref<625x16xf32, #tpu.memory_space<hbm>>
      %dma_start3A_347 = arith.constant 0 : i32
      %dma_start3A_348 = tpu.memref_slice %arg17[%mul3A_341, %dma_start3A_347] : memref<10016x16xf32, #tpu.memory_space<vmem_shared>> -> memref<625x16xf32, #tpu.memory_space<vmem_shared>>
      tpu.enqueue_dma source(%dma_start3A_348 : memref<625x16xf32, #tpu.memory_space<vmem_shared>>) target(%dma_start3A_346 : memref<625x16xf32, #tpu.memory_space<hbm>>) target_semaphore(%run_scoped3A : memref<!tpu.dma_semaphore, #tpu.memory_space<semaphore_mem>>)
      %dma_wait3A_349 = arith.constant 0 : i32
      %dma_wait3A_350 = tpu.memref_slice %arg5[%arg0, %mul3A_343, %dma_wait3A_349] : memref<2x10000x16xf32, #tpu.memory_space<hbm>> -> memref<1x625x16xf32, #tpu.memory_space<hbm>>
      %dma_wait3A_351 = tpu.memref_squeeze %dma_wait3A_350 : memref<1x625x16xf32, #tpu.memory_space<hbm>> -> memref<625x16xf32, #tpu.memory_space<hbm>>
      %dma_wait3A_352 = arith.constant 0 : i32
      %dma_wait3A_353 = tpu.memref_slice %arg17[%mul3A_341, %dma_wait3A_352] : memref<10016x16xf32, #tpu.memory_space<vmem_shared>> -> memref<625x16xf32, #tpu.memory_space<vmem_shared>>
      tpu.wait_dma2 semaphore(%run_scoped3A : memref<!tpu.dma_semaphore, #tpu.memory_space<semaphore_mem>>) src(%dma_wait3A_353 : memref<625x16xf32, #tpu.memory_space<vmem_shared>>) dst(%dma_wait3A_351 : memref<625x16xf32, #tpu.memory_space<hbm>>)
      tpu.yield
    }) : () -> ()
    return
  }
}

module attributes {stable_mosaic.version = 14 : i64} {
  func.func @_t1_body(%arg0: memref<10000x128xf32, #tpu.memory_space<vmem>>, %arg1: memref<128x16xf32, #tpu.memory_space<vmem>>, %arg2: memref<10000x1xf32, #tpu.memory_space<vmem>>, %arg3: memref<10000x16xf32, #tpu.memory_space<vmem>>) attributes {dimension_semantics = [], scalar_prefetch = 0 : i64, scratch_operands = 0 : i64, tpu.core_type = #tpu.core_type<tc>} {
    %get3A = arith.constant 0 : index
    %get3A_0 = arith.constant 0 : index
    %get3A_1 = vector.load %arg0[%get3A, %get3A_0] : memref<10000x128xf32, #tpu.memory_space<vmem>>, vector<10000x128xf32>
    %get3A_2 = arith.constant 0 : index
    %get3A_3 = arith.constant 0 : index
    %get3A_4 = vector.load %arg1[%get3A_2, %get3A_3] : memref<128x16xf32, #tpu.memory_space<vmem>>, vector<128x16xf32>
    %dot_general3A = arith.constant dense<0.000000e+00> : vector<10000x16xf32>
    %dot_general3A_5 = tpu.matmul %get3A_1, %get3A_4, %dot_general3A {dimension_numbers = #tpu.dot_dimension_numbers<[1], [0], [0], [1], [0, 0, 1, 1], [], []>, transpose_lhs_hint = false} : vector<10000x128xf32>, vector<128x16xf32>, vector<10000x16xf32> -> vector<10000x16xf32>
    %get3A_6 = arith.constant 0 : index
    %get3A_7 = arith.constant 0 : index
    %get3A_8 = vector.load %arg2[%get3A_6, %get3A_7] : memref<10000x1xf32, #tpu.memory_space<vmem>>, vector<10000x1xf32>
    %mul3A = vector.broadcast %get3A_8 : vector<10000x1xf32> to vector<10000x16xf32>
    %mul3A_9 = arith.mulf %dot_general3A_5, %mul3A : vector<10000x16xf32>
    %swap3A = arith.constant 0 : index
    %swap3A_10 = arith.constant 0 : index
    %swap3A_11 = vector.load %arg3[%swap3A, %swap3A_10] : memref<10000x16xf32, #tpu.memory_space<vmem>>, vector<10000x16xf32>
    tpu.vector_store %arg3[%swap3A, %swap3A_10], %mul3A_9 {strides = array<i32>} : memref<10000x16xf32, #tpu.memory_space<vmem>>, vector<10000x16xf32>,
    return
  }
}

module attributes {stable_mosaic.version = 14 : i64} {
  func.func @_mid_body(%arg0: memref<10000x16xf32, #tpu.memory_space<vmem>>, %arg1: memref<2x10000x16xf32, #tpu.memory_space<vmem>>, %arg2: memref<10000x1xf32, #tpu.memory_space<vmem>>, %arg3: memref<1x16xf32, #tpu.memory_space<vmem>>, %arg4: memref<16x16xf32, #tpu.memory_space<vmem>>, %arg5: memref<10000x16xf32, #tpu.memory_space<vmem>>) attributes {dimension_semantics = [], scalar_prefetch = 0 : i64, scratch_operands = 0 : i64, tpu.core_type = #tpu.core_type<tc>} {
    %get3A = arith.constant 0 : index
    %get3A_0 = arith.constant 0 : index
    %get3A_1 = vector.load %arg0[%get3A, %get3A_0] : memref<10000x16xf32, #tpu.memory_space<vmem>>, vector<10000x16xf32>
    %get3A_2 = arith.constant 0 : index
    %get3A_3 = arith.constant 0 : index
    %get3A_4 = arith.constant 0 : index
    %get3A_5 = vector.load %arg1[%get3A_2, %get3A_3, %get3A_4] : memref<2x10000x16xf32, #tpu.memory_space<vmem>>, vector<1x10000x16xf32>
    %get3A_6 = vector.shape_cast %get3A_5 : vector<1x10000x16xf32> to vector<10000x16xf32>
    %add3A = arith.addf %get3A_1, %get3A_6 : vector<10000x16xf32>
    %get3A_7 = arith.constant 1 : index
    %get3A_8 = arith.constant 0 : index
    %get3A_9 = arith.constant 0 : index
    %get3A_10 = vector.load %arg1[%get3A_7, %get3A_8, %get3A_9] : memref<2x10000x16xf32, #tpu.memory_space<vmem>>, vector<1x10000x16xf32>
    %get3A_11 = vector.shape_cast %get3A_10 : vector<1x10000x16xf32> to vector<10000x16xf32>
    %add3A_12 = arith.addf %add3A, %get3A_11 : vector<10000x16xf32>
    %get3A_13 = arith.constant 0 : index
    %get3A_14 = arith.constant 0 : index
    %get3A_15 = vector.load %arg2[%get3A_13, %get3A_14] : memref<10000x1xf32, #tpu.memory_space<vmem>>, vector<10000x1xf32>
    %mul3A = vector.broadcast %get3A_15 : vector<10000x1xf32> to vector<10000x16xf32>
    %mul3A_16 = arith.mulf %add3A_12, %mul3A : vector<10000x16xf32>
    %get3A_17 = arith.constant 0 : index
    %get3A_18 = arith.constant 0 : index
    %get3A_19 = vector.load %arg3[%get3A_17, %get3A_18] : memref<1x16xf32, #tpu.memory_space<vmem>>, vector<1x16xf32>
    %add3A_20 = vector.broadcast %get3A_19 : vector<1x16xf32> to vector<10000x16xf32>
    %add3A_21 = arith.addf %mul3A_16, %add3A_20 : vector<10000x16xf32>
    %max3A = arith.constant 0.000000e+00 : f32
    %max3A_22 = vector.broadcast %max3A : f32 to vector<10000x16xf32>
    %max3A_23 = arith.maximumf %add3A_21, %max3A_22 : vector<10000x16xf32>
    %get3A_24 = arith.constant 0 : index
    %get3A_25 = arith.constant 0 : index
    %get3A_26 = vector.load %arg4[%get3A_24, %get3A_25] : memref<16x16xf32, #tpu.memory_space<vmem>>, vector<16x16xf32>
    %dot_general3A = arith.constant dense<0.000000e+00> : vector<10000x16xf32>
    %dot_general3A_27 = tpu.matmul %max3A_23, %get3A_26, %dot_general3A {dimension_numbers = #tpu.dot_dimension_numbers<[1], [0], [0], [1], [0, 0, 1, 1], [], []>, transpose_lhs_hint = false} : vector<10000x16xf32>, vector<16x16xf32>, vector<10000x16xf32> -> vector<10000x16xf32>
    %get3A_28 = arith.constant 0 : index
    %get3A_29 = arith.constant 0 : index
    %get3A_30 = vector.load %arg2[%get3A_28, %get3A_29] : memref<10000x1xf32, #tpu.memory_space<vmem>>, vector<10000x1xf32>
    %mul3A_31 = vector.broadcast %get3A_30 : vector<10000x1xf32> to vector<10000x16xf32>
    %mul3A_32 = arith.mulf %dot_general3A_27, %mul3A_31 : vector<10000x16xf32>
    %swap3A = arith.constant 0 : index
    %swap3A_33 = arith.constant 0 : index
    %swap3A_34 = vector.load %arg5[%swap3A, %swap3A_33] : memref<10000x16xf32, #tpu.memory_space<vmem>>, vector<10000x16xf32>
    tpu.vector_store %arg5[%swap3A, %swap3A_33], %mul3A_32 {strides = array<i32>} : memref<10000x16xf32, #tpu.memory_space<vmem>>, vector<10000x16xf32>,
    return
  }
}

module attributes {stable_mosaic.version = 14 : i64} {
  func.func @_out_body(%arg0: memref<10000x16xf32, #tpu.memory_space<vmem>>, %arg1: memref<2x10000x16xf32, #tpu.memory_space<vmem>>, %arg2: memref<10000x1xf32, #tpu.memory_space<vmem>>, %arg3: memref<1x16xf32, #tpu.memory_space<vmem>>, %arg4: memref<10000x16xf32, #tpu.memory_space<vmem>>) attributes {dimension_semantics = [], scalar_prefetch = 0 : i64, scratch_operands = 0 : i64, tpu.core_type = #tpu.core_type<tc>} {
    %get3A = arith.constant 0 : index
    %get3A_0 = arith.constant 0 : index
    %get3A_1 = vector.load %arg0[%get3A, %get3A_0] : memref<10000x16xf32, #tpu.memory_space<vmem>>, vector<10000x16xf32>
    %get3A_2 = arith.constant 0 : index
    %get3A_3 = arith.constant 0 : index
    %get3A_4 = arith.constant 0 : index
    %get3A_5 = vector.load %arg1[%get3A_2, %get3A_3, %get3A_4] : memref<2x10000x16xf32, #tpu.memory_space<vmem>>, vector<1x10000x16xf32>
    %get3A_6 = vector.shape_cast %get3A_5 : vector<1x10000x16xf32> to vector<10000x16xf32>
    %add3A = arith.addf %get3A_1, %get3A_6 : vector<10000x16xf32>
    %get3A_7 = arith.constant 1 : index
    %get3A_8 = arith.constant 0 : index
    %get3A_9 = arith.constant 0 : index
    %get3A_10 = vector.load %arg1[%get3A_7, %get3A_8, %get3A_9] : memref<2x10000x16xf32, #tpu.memory_space<vmem>>, vector<1x10000x16xf32>
    %get3A_11 = vector.shape_cast %get3A_10 : vector<1x10000x16xf32> to vector<10000x16xf32>
    %add3A_12 = arith.addf %add3A, %get3A_11 : vector<10000x16xf32>
    %get3A_13 = arith.constant 0 : index
    %get3A_14 = arith.constant 0 : index
    %get3A_15 = vector.load %arg2[%get3A_13, %get3A_14] : memref<10000x1xf32, #tpu.memory_space<vmem>>, vector<10000x1xf32>
    %mul3A = vector.broadcast %get3A_15 : vector<10000x1xf32> to vector<10000x16xf32>
    %mul3A_16 = arith.mulf %add3A_12, %mul3A : vector<10000x16xf32>
    %get3A_17 = arith.constant 0 : index
    %get3A_18 = arith.constant 0 : index
    %get3A_19 = vector.load %arg3[%get3A_17, %get3A_18] : memref<1x16xf32, #tpu.memory_space<vmem>>, vector<1x16xf32>
    %add3A_20 = vector.broadcast %get3A_19 : vector<1x16xf32> to vector<10000x16xf32>
    %add3A_21 = arith.addf %mul3A_16, %add3A_20 : vector<10000x16xf32>
    %swap3A = arith.constant 0 : index
    %swap3A_22 = arith.constant 0 : index
    %swap3A_23 = vector.load %arg4[%swap3A, %swap3A_22] : memref<10000x16xf32, #tpu.memory_space<vmem>>, vector<10000x16xf32>
    tpu.vector_store %arg4[%swap3A, %swap3A_22], %add3A_21 {strides = array<i32>} : memref<10000x16xf32, #tpu.memory_space<vmem>>, vector<10000x16xf32>,
    return
  }
}

</mosaic_0001>

<sc_bundles>
// kernel: kernel.11.cloned.1.call-start
scs
__scs_entry_jumppad:
0x0: {  	(pc) =	sbr.rel $0x88, $3  }
0x1: {  	(tag) =	ssettag $0x0;
	lr =	simm.s32 $0x1  }
0x2: {  	[smem:$0x3F9B] =	sst lr;
	_ =	strace $0xD0000000  }
0x3: {  	_ = 	snop  }
0x4: {  	_ = 	snop  }
0x5: {  	_ = 	snop  }
0x6: {  	_ = 	snop  }
0x7: {  	_ = 	snop  }
__scs_overlays_trampoline_lowered:
0x8: {  	[smem:$0x3FAA] =	sst s0  }
0x9: {  	[smem:$0x3FAB] =	sst s1  }
0xa: {  	[smem:$0x3FAC] =	sst s2  }
0xb: {  	[smem:$0x3FAD] =	sst s3  }
0xc: {  	[smem:$0x3FAE] =	sst s4  }
0xd: {  	[smem:$0x3FAF] =	sst s5  }
0xe: {  	[smem:$0x3FB0] =	sst s6  }
0xf: {  	[smem:$0x3FB1] =	sst s7  }
0x10: {  	[smem:$0x3FB2] =	sst s8  }
0x11: {  	[smem:$0x3FB3] =	sst s9;
	s0 =	simm.s32 @!p0 $0x0  }
0x12: {  	s1 =	sld [smem:$0x3F99];
	s0 =	simm.s32 @p0 $0x1  }
0x13: {  	[smem:$0x3FB4] =	sst s0;
	s0 =	simm.s32 @!p1 $0x0  }
0x14: {  	s2 =	sld [smem:$0x3F98];
	s0 =	simm.s32 @p1 $0x1  }
0x15: {  	[smem:$0x3FB5] =	sst s0;
	s0 =	simm.s32 @!p2 $0x0  }
0x16: {  	s3 =	sld [smem:$0x3FDB];
	s0 =	simm.s32 @p2 $0x1  }
0x17: {  	s4 =	simm.s32 $0x1BF5;
	[smem:$0x3FB7] =	sst s0  }
0x18: {  	s0 =	sld [smem:$0x3F9A];
	_ =	swait.ge [sflag:s4], $0x0  }
0x19: {  	s7 =	sld [smem:$0x3F9B]  }
0x1a: {  	s8 =	sadd.s32 $0xFFFFE003, lr  }
0x1b: {  	s9 =	sadd.s32 $0xFFFFFEF7, lr;
	s5 =	simm.s32 $0xFFFFFFFF;
	p2 =	slt.u32 s8, $0xFFFFF086  }
0x1c: {  	p1 =	slt.u32 s9, $0xF7A;
	s5 =	simm.s32 @!p2 $0x0  }
0x1d: {  	s5 =	simm.s32 @p1 $0x1;
	p0 =	seq.s32 s7, s2  }
0x1e: {  	s7 =	smul.u32 @!p0 $0xF7A, s2;
	p2 =	seq.s32 @!p0 s5, $0x0  }
0x1f: {  	s9 =	smul.u32 $0xF7A, s1;
	s8 =	simm.s32 @!p0 $0x1BF5;
	p2 =	por !p2, p0  }
0x20: {  	[sflag:s8] =	ssyncset.s32 @!p0 $0xFFFFF086;
	s6 =	sadd.s32 @!p0 s3, s7;
	s7 =	simm.s32 @!p0 $0x108  }
0x21: {  	s3 =	sadd.s32 s3, s9;
	s6 =	sadd.s32 @!p0 $0x88, s6;
	s7 =	simm.s32 @p2 $0x1082  }
0x22: {  	[simem:s7], [sflag:s8] =	dma.local @!p0 [hbm:s6], $0xF7A  }
0x23: {  	s9 =	sor.u32 $0xD0000000, s2;
	s6 =	simm.s32 $0x108;
	_ =	swait.ge @!p0 [sflag:s8], $0x0  }
0x24: {  	s3 =	sadd.s32 $0x88, s3;
	s6 =	simm.s32 @!p1 $0x1082;
	[sflag:s4] =	ssyncset.s32 $0xFFFFF086  }
0x25: {  	[simem:s6], [sflag:s4] =	dma.local [hbm:s3], $0xF7A  }
0x26: {  	[smem:$0x3F9B] =	sst s1;
	(tag) =	ssettag s2;
	_ =	strace s9  }
0x27: {  	s1 =	sld [smem:$0x3FAB]  }
0x28: {  	s2 =	sld [smem:$0x3FAC]  }
0x29: {  	s4 =	sld [smem:$0x3FAE]  }
0x2a: {  	p0 =	seq.s32 s5, $0x0;
	s5 =	sld [smem:$0x3FAF]  }
0x2b: {  	s6 =	sld [smem:$0x3FB0]  }
0x2c: {  	s7 =	sld [smem:$0x3FB1]  }
0x2d: {  	s3 =	simm.s32 $0x108;
	s8 =	sld [smem:$0x3FB2]  }
0x2e: {  	s3 =	simm.s32 @!p0 $0x1082;
	s9 =	sld [smem:$0x3FB3]  }
0x2f: {  	lr =	sadd.s32 s0, s3;
	s0 =	sld [smem:$0x3FAA]  }
0x30: {  	s3 =	sld [smem:$0x3FAD]  }
0x31: {  	[smem:$0x3FB6] =	sst s10  }
0x32: {  	s10 =	sld [smem:$0x3FB4];
	_ =	sdelay $0x3  }
0x33: {  	p0 =	seq.s32 s10, $0x1;
	s10 =	sld [smem:$0x3FB6];
	_ =	sdelay $0x3  }
0x34: {  	[smem:$0x3FB6] =	sst s10  }
0x35: {  	s10 =	sld [smem:$0x3FB5];
	_ =	sdelay $0x3  }
0x36: {  	p1 =	seq.s32 s10, $0x1;
	s10 =	sld [smem:$0x3FB6];
	_ =	sdelay $0x3  }
0x37: {  	[smem:$0x3FB6] =	sst s10  }
0x38: {  	s10 =	sld [smem:$0x3FB7]  }
0x39: {  	_ = 	snop;
	(pc) =	sbr.ind lr, $3  }
0x3a: {  	_ = 	snop  }
0x3b: {  	_ = 	snop  }
0x3c: {  	p2 =	seq.s32 s10, $0x1;
	s10 =	sld [smem:$0x3FB6]  }
0x3d: {  	_ =	shalt  }
0x3e: {  	_ =	shalt  }
0x3f: {  	_ =	shalt  }
0x40: {  	_ =	shalt  }
0x41: {  	_ =	shalt  }
0x42: {  	_ =	shalt  }
0x43: {  	_ =	shalt  }
0x44: {  	_ =	shalt  }
0x45: {  	_ =	shalt  }
0x46: {  	_ =	shalt  }
0x47: {  	_ =	shalt  }
0x48: {  	_ =	shalt  }
0x49: {  	_ =	shalt  }
0x4a: {  	_ =	shalt  }
0x4b: {  	_ =	shalt  }
0x4c: {  	_ =	shalt  }
0x4d: {  	_ =	shalt  }
0x4e: {  	_ =	shalt  }
0x4f: {  	_ =	shalt  }
0x50: {  	_ =	shalt  }
0x51: {  	_ =	shalt  }
0x52: {  	_ =	shalt  }
0x53: {  	_ =	shalt  }
0x54: {  	_ =	shalt  }
0x55: {  	_ =	shalt  }
0x56: {  	_ =	shalt  }
0x57: {  	_ =	shalt  }
0x58: {  	_ =	shalt  }
0x59: {  	_ =	shalt  }
0x5a: {  	_ =	shalt  }
0x5b: {  	_ =	shalt  }
0x5c: {  	_ =	shalt  }
0x5d: {  	_ =	shalt  }
0x5e: {  	_ =	shalt  }
0x5f: {  	_ =	shalt  }
0x60: {  	_ =	shalt  }
0x61: {  	_ =	shalt  }
0x62: {  	_ =	shalt  }
0x63: {  	_ =	shalt  }
0x64: {  	_ =	shalt  }
0x65: {  	_ =	shalt  }
0x66: {  	_ =	shalt  }
0x67: {  	_ =	shalt  }
0x68: {  	_ =	shalt  }
0x69: {  	_ =	shalt  }
0x6a: {  	_ =	shalt  }
0x6b: {  	_ =	shalt  }
0x6c: {  	_ =	shalt  }
0x6d: {  	_ =	shalt  }
0x6e: {  	_ =	shalt  }
0x6f: {  	_ =	shalt  }
0x70: {  	_ =	shalt  }
0x71: {  	_ =	shalt  }
0x72: {  	_ =	shalt  }
0x73: {  	_ =	shalt  }
0x74: {  	_ =	shalt  }
0x75: {  	_ =	shalt  }
0x76: {  	_ =	shalt  }
0x77: {  	_ =	shalt  }
0x78: {  	_ =	shalt  }
0x79: {  	_ =	shalt  }
0x7a: {  	_ =	shalt  }
0x7b: {  	_ =	shalt  }
0x7c: {  	_ =	shalt  }
0x7d: {  	_ =	shalt  }
0x7e: {  	_ =	shalt  }
0x7f: {  	_ =	shalt  }
0x80: {  	_ =	shalt  }
0x81: {  	_ =	shalt  }
0x82: {  	_ =	shalt  }
0x83: {  	_ =	shalt  }
0x84: {  	_ =	shalt  }
0x85: {  	_ =	shalt  }
0x86: {  	_ =	shalt  }
0x87: {  	_ =	shalt  }
.Lfunc_end0:
.L_simem_size_0:
called_computation.1_lowered:
.L_overlay_start_0:
0x88: {  	s2 =	sld [smem:$0x3FD9]  }
0x89: {  	s3 =	sld [smem:$0x3FFE];
	_ =	sdelay $0x1  }
0x8a: {  	s1 =	srdreg.scid  }
0x8b: {  	s0 =	sand.u32 $0x1, s1  }
0x8c: {  	s17 =	sshll.u32 s0, $0xA;
	s2 =	sadd.s32 s3, s2  }
0x8d: {  	s2 =	sadd.s32 s2, s17  }
0x8e: {  	[smem:$0x3FC2] =	sst s2  }
0x8f: {  	_ = 	snop  }
0x90: {  	s2 =	sld [smem:$0x3FD0];
	(tm) =	ssettm $0x1  }
0x91: {  	s18 =	sld [smem:$0x3FFB];
	_ =	sdelay $0x3  }
0x92: {  	_ =	strace s18  }
0x93: {  	s3 =	sld [smem:$0x3FFC];
	_ =	sdelay $0x3  }
0x94: {  	_ =	strace s3  }
0x95: {  	s3 =	sld [smem:$0x3FFD];
	_ =	sdelay $0x3  }
0x96: {  	_ =	strace s3  }
0x97: {  	_ =	strace $0x8FFFFFFF  }
0x98: {  	s19 =	sld [smem:$0x3FDB];
	_ =	sdelay $0x1  }
0x99: {  	s4 =	simm.s32 $_scs_section_size  }
0x9a: {  	s5 =	simm.s32 $_size__tile_overlayer_lowered;
	s6 =	simm.s32 $_tile_overlayer_lowered  }
0x9b: {  	s22 =	simm.s32 $0x1BFF;
	s21 =	sshll.u32 s6, $0x1;
	s3 =	sadd.s32 s4, s19  }
0x9c: {  	s7 =	simm.s32 $0x0;
	s20 =	sshll.u32 s5, $0x1;
	s5 =	sadd.s32 s21, s3  }
0x9d: {  	[timem:s7], [sflag:s22] =	dma.local [hbm:s5], s20  }
0x9e: {  	_ =	swait.ge [sflag:s22], s20  }
0x9f: {  	s4 =	ssub.s32 $0x0, s20;
	[sflag:s22] =	ssyncset.done $0x0  }
0xa0: {  	[sflag:s22] =	ssyncadd.s32 s4;
	_ =	sdelay $0x1  }
0xa1: {  	s23 =	simm.s32 $0x1B8B  }
0xa2: {  	_ =	swait.ge [sflag:s23], $0x1  }
0xa3: {  	[sflag:s23] =	ssyncset.done $0x0  }
0xa4: {  	s25 =	simm.s32 $0x1B8E;
	s24 =	sld [smem:$0x3FFE];
	[sflag:s23] =	ssyncadd.s32 $0xFFFFFFFF  }
0xa5: {  	s26 =	simm.s32 $execute0_lowered;
	[smem:$0x3FD2] =	sst s25  }
0xa6: {  	s5 =	sshll.u32 s26, $0x1;
	_ =	strace $0x80000049;
	[dreg:$0x1] =	wrdreg $0xFFFFFFFF  }
0xa7: {  	s28 =	simm.s32 $_size_execute0_lowered;
	s3 =	sadd.s32 s3, s5;
	[dreg:$0x0] =	wrdreg $0x0  }
0xa8: {  	s5 =	sshll.u32 s28, $0x1;
	[dreg:$0x2] =	wrdreg s3  }
0xa9: {  	[dreg:$0x3] =	wrdreg s5  }
0xaa: {  	[dreg:$0x4] =	wrdreg $0xC0  }
0xab: {  	_ =	task [dreg:s7], $0x5FFFF  }
0xac: {  	[dreg:$0x1] =	wrdreg $0xFFFFFFFF  }
0xad: {  	[dreg:$0x0] =	wrdreg $0x60  }
0xae: {  	[dreg:$0x2] =	wrdreg s24  }
0xaf: {  	[dreg:$0x3] =	wrdreg s2  }
0xb0: {  	[dreg:$0x4] =	wrdreg $0xB7200  }
0xb1: {  	[dreg:$0x5] =	wrdreg $0x9  }
0xb2: {  	_ =	task.clear_ibuf [dreg:s7], $0x6FFFF;
	_ =	strace $0x90000049  }
0xb3: {  	s29 =	simm.s32 $0x9;
	_ =	strace $0x8000004B  }
0xb4: {  	_ =	swait.ge [sflag:s29], $0x1  }
0xb5: {  	[sflag:s29] =	ssyncadd.s32 $0xFFFFFFFF  }
0xb6: {  	_ =	strace $0x9000004B  }
0xb7: {  	_ =	sfence  }
0xb8: {  	s30 =	sld [smem:$0x0];
	_ =	sdelay $0x2  }
0xb9: {  	s31 =	sshll.u32 s1, $0xD;
	s1 =	sshrl.u32 s1, $0x2  }
0xba: {  	s3 =	sand.u32 $0x4000, s31;
	s1 =	sadd.s32 s1, s30  }
0xbb: {  	s0 =	sor.u32 s3, s0;
	s1 =	sshll.u32 s1, $0x11  }
0xbc: {  	s0 =	sor.u32 s1, s0  }
0xbd: {  	s0 =	sadd.s32 $0x8F2B, s0  }
0xbe: {  	[sflag:s0] =	ssyncadd.remote.s32 $0x1  }
0xbf: {  	_ =	sfence.sel $0xFFFF  }
0xc0: {  	[dreg:$0x0] =	wrdreg $0xFFFFFFFF;
	(pc) =	sbr.abs _section_cstart, $3  }
0xc1: {  	[dreg:$0x1] =	wrdreg $0xFFFFFFFF  }
0xc2: {  	_ =	task.clear_ibuf [dreg:s7], $0x2FFFF;
	_ =	strace $0x9FFFFFFF  }
0xc3: {  	(tm) =	ssettm $0x7FFFFFFF  }
tec
execute0_lowered:
.L_overlay_start_1:
0x0: {  	(tag) =	ssettag $0x1  }
0x1: {  	s0 =	rddreg [dreg:$0x0]  }
0x2: {  	s1 =	rddreg [dreg:$0x1]  }
0x3: {  	s3 =	rddreg [dreg:$0x2]  }
0x4: {  	s2 =	srdreg.scid;
	s7 =	stileid.u32  }
0x5: {  	s8 =	simm.s32 $0x0;
	s15 =	simm.s32 $0x80;
	s16 =	simm.s32 $0x5000  }
0x6: {  	s17 =	simm.s32 $0x5800;
	s19 =	simm.s32 $0x6000;
	s21 =	simm.s32 $0x6800  }
0x7: {  	s22 =	simm.s32 $0x1;
	s30 =	simm.s32 $0x7800;
	s31 =	simm.s32 $0x3  }
0x8: {  	s18 =	simm.s32 $0x8000;
	s20 =	simm.s32 $0x4;
	s29 =	simm.s32 $0x8800  }
0x9: {  	s11 =	simm.s32 $0x6;
	s28 =	simm.s32 $0x7;
	s10 =	simm.s32 $0xC  }
0xa: {  	s9 =	simm.s32 $0x10;
	s13 =	simm.s32 $0x0;
	s2 =	sand.u32 $0x1, s2  }
0xb: {  	s6 =	smul.u32 $0x2710, s7;
	[smem:$0x7FF] =	sst s8;
	s8 =	simm.s32 $0xF  }
0xc: {  	s4 =	smul.u32 $0x27100, s2;
	s5 =	sshll.u32 s2, $0x4;
	_ =	strace $0x8000004A  }
0xd: {  	s2 =	ssub.s32 $0x2, s2;
	s5 =	sor.u32 s7, s5;
	s7 =	smul.u32 $0x9C80, s7  }
0xe: {  	s23 =	sshrl.u32 s2, $0x1;
	s5 =	smul.u32 $0x500, s5;
	s4 =	sadd.s32 s6, s4  }
0xf: {  	s26 =	sadd.s32 s6, s3;
	s2 =	ssub.s32 s2, s23;
	s4 =	sshrl.u32 s4, $0x3  }
0x10: {  	s25 =	sshrl.u32 s7, $0x2;
	s2 =	smax.u32 s2, $0x1;
	s5 =	sadd.s32 s5, s0  }
0x11: {  	s0 =	sadd.s32 s4, s0;
	s4 =	sadd.s32 s25, s3;
	[dreg:$0x8] =	wrdreg s2  }
0x12: {  	s23 =	simm.s32 $0xA;
	s24 =	sadd.s32 $0xB600, s5;
	[dreg:$0x6] =	wrdreg s4  }
0x13: {  	s6 =	simm.s32 $0xD;
	s5 =	sadd.s32 $0x1600, s5;
	[dreg:$0x4] =	wrdreg s24  }
0x14: {  	s7 =	simm.s32 $0xE;
	s0 =	sadd.s32 $0x15600, s0;
	[dreg:$0x5] =	wrdreg s5  }
0x15: {  	s2 =	simm.s32 $0x9;
	s4 =	simm.s32 $0xB;
	[dreg:$0x7] =	wrdreg s0  }
0x16: {  	s24 =	simm.s32 $0x7000;
	s0 =	sshrl.u32 s26, $0x3;
	s26 =	simm.s32 $0x2  }
0x17: {  	v0 =	vimm.f32 $0.0e+00;
	s5 =	simm.s32 $0x8;
	[dreg:$0x9] =	wrdreg s0;
	s0 =	simm.s32 $0x5  }
.LBB2_1:
0x18: {  	s12 =	simm.s32 $0x0;
	s14 =	rddreg [dreg:$0x4]  }
0x19: {  	[tilespmem:s12], [sflag:$0x11] =	stream.linear.gather [hbm4b:s14+s12], $0x2800, $0x38;
	[tilespmem:$0xDE40] =	vst v63  }
0x1a: {  	s25 =	simm.s32 $0x2800;
	s14 =	rddreg [dreg:$0x5]  }
0x1b: {  	[tilespmem:s25], [sflag:$0x12] =	stream.linear.gather [hbm4b:s14+s12], $0x2800, $0x38;
	[tilespmem:$0xDE40] =	vst v63  }
0x1c: {  	s14 =	simm.s32 $0x40;
	s25 =	simm.s32 $0x0  }
.LBB2_2:
0x1d: {  	p0 =	sne.s32 s14, $0x9C40;
	[tilespmem:s25+$0x9000] =	vst v0;
	s25 =	smov.u32 s14;
	s14 =	sadd.s32 $0x40, s14  }
.Ltmp0:
0x1e: {  	(pc) =	sbr.rel @p0 .LBB2_2-.Ltmp0, $2  }
0x1f: {  	_ =	sdelay $0x2  }
0x20: {  	s25 =	sshra.s32 s25, $0x2  }
0x21: {  	[tilespmem:s25+$0x9000] =	vst v0;
	s12 =	rddreg [dreg:$0x6];
	s14 =	simm.s32 $0x9000;
	s25 =	simm.s32 $0x13  }
0x22: {  	[spmem:s12] =	stream.linear.scatter [tilespmem:s14], [sflag:$0x13], $0x2720, $0x38;
	[tilespmem:$0xDE40] =	vst v63  }
0x23: {  	_ =	swait.ge [sflag:s25], $0x2720  }
0x24: {  	[sflag:s25] =	ssyncset.done $0x0  }
0x25: {  	s14 =	simm.s32 $0x11;
	[sflag:s25] =	ssyncadd.s32 $0xFFFFD8E0  }
0x26: {  	_ =	swait.ge [sflag:s14], $0x2800  }
0x27: {  	[sflag:s14] =	ssyncset.done $0x0  }
0x28: {  	s25 =	simm.s32 $0x12;
	[sflag:s14] =	ssyncadd.s32 $0xFFFFD800  }
0x29: {  	_ =	swait.ge [sflag:s25], $0x2800  }
0x2a: {  	[sflag:s25] =	ssyncset.done $0x0  }
0x2b: {  	[sflag:s25] =	ssyncadd.s32 $0xFFFFD800  }
0x2c: {  	s12 =	simm.s32 $0x0;
	[bflag:$0x0] =	sbarrier.arrive $0xFFFF  }
0x2d: {  	[tilespmem:s16], [sflag:$0x1] =	stream.indirect.gather [hbm4b:s1+s15], $0x10, s12, s15, $0xb8;
	[tilespmem:$0xDE40] =	vst v63  }
0x2e: {  	_ = 	snop  }
0x2f: {  	[tilespmem:s17], [sflag:$0x2] =	stream.indirect.gather [hbm4b:s1+s15], $0x10, s15, s15, $0xb8;
	[tilespmem:$0xDE40] =	vst v63  }
0x30: {  	s25 =	simm.s32 $0x100  }
0x31: {  	[tilespmem:s19], [sflag:$0x3] =	stream.indirect.gather [hbm4b:s1+s15], $0x10, s25, s15, $0xb8;
	[tilespmem:$0xDE40] =	vst v63  }
0x32: {  	s14 =	simm.s32 $0x180  }
0x33: {  	[tilespmem:s21], [sflag:$0x4] =	stream.indirect.gather [hbm4b:s1+s15], $0x10, s14, s15, $0xb8;
	[tilespmem:$0xDE40] =	vst v63  }
0x34: {  	_ =	swait.ge [sflag:s22], $0x800  }
0x35: {  	[sflag:s22] =	ssyncset.done $0x0  }
0x36: {  	s25 =	simm.s32 $0x2800;
	[sflag:s22] =	ssyncadd.s32 $0xFFFFF800  }
0x37: {  	[spmem:s3] =	stream.indirect.scatter.add.f32 [tilespmem:s16], [sflag:$0x9], $0x10, s25, s15, $0xb8;
	[tilespmem:$0xDE40] =	vst v63  }
0x38: {  	s14 =	simm.s32 $0x200  }
0x39: {  	[tilespmem:s24], [sflag:$0x5] =	stream.indirect.gather [hbm4b:s1+s15], $0x10, s14, s15, $0xb8;
	[tilespmem:$0xDE40] =	vst v63  }
0x3a: {  	_ =	swait.ge [sflag:s26], $0x800  }
0x3b: {  	[sflag:s26] =	ssyncset.done $0x0  }
0x3c: {  	s25 =	simm.s32 $0x2880;
	[sflag:s26] =	ssyncadd.s32 $0xFFFFF800  }
0x3d: {  	[spmem:s3] =	stream.indirect.scatter.add.f32 [tilespmem:s17], [sflag:$0xA], $0x10, s25, s15, $0xb8;
	[tilespmem:$0xDE40] =	vst v63  }
0x3e: {  	s14 =	simm.s32 $0x280  }
0x3f: {  	[tilespmem:s30], [sflag:$0x6] =	stream.indirect.gather [hbm4b:s1+s15], $0x10, s14, s15, $0xb8;
	[tilespmem:$0xDE40] =	vst v63  }
0x40: {  	_ =	swait.ge [sflag:s31], $0x800  }
0x41: {  	[sflag:s31] =	ssyncset.done $0x0  }
0x42: {  	s25 =	simm.s32 $0x2900;
	[sflag:s31] =	ssyncadd.s32 $0xFFFFF800  }
0x43: {  	[spmem:s3] =	stream.indirect.scatter.add.f32 [tilespmem:s19], [sflag:$0xB], $0x10, s25, s15, $0xb8;
	[tilespmem:$0xDE40] =	vst v63  }
0x44: {  	s14 =	simm.s32 $0x300  }
0x45: {  	[tilespmem:s18], [sflag:$0x7] =	stream.indirect.gather [hbm4b:s1+s15], $0x10, s14, s15, $0xb8;
	[tilespmem:$0xDE40] =	vst v63  }
0x46: {  	_ =	swait.ge [sflag:s20], $0x800  }
0x47: {  	[sflag:s20] =	ssyncset.done $0x0  }
0x48: {  	s25 =	simm.s32 $0x2980;
	[sflag:s20] =	ssyncadd.s32 $0xFFFFF800  }
0x49: {  	[spmem:s3] =	stream.indirect.scatter.add.f32 [tilespmem:s21], [sflag:$0xC], $0x10, s25, s15, $0xb8;
	[tilespmem:$0xDE40] =	vst v63  }
0x4a: {  	s14 =	simm.s32 $0x380  }
0x4b: {  	[tilespmem:s29], [sflag:$0x8] =	stream.indirect.gather [hbm4b:s1+s15], $0x10, s14, s15, $0xb8;
	[tilespmem:$0xDE40] =	vst v63  }
0x4c: {  	_ =	swait.ge [sflag:s0], $0x800  }
0x4d: {  	[sflag:s0] =	ssyncset.done $0x0  }
0x4e: {  	s25 =	simm.s32 $0x2A00;
	[sflag:s0] =	ssyncadd.s32 $0xFFFFF800  }
0x4f: {  	[spmem:s3] =	stream.indirect.scatter.add.f32 [tilespmem:s24], [sflag:$0xD], $0x10, s25, s15, $0xb8;
	[tilespmem:$0xDE40] =	vst v63  }
0x50: {  	_ =	swait.ge [sflag:s2], $0x800  }
0x51: {  	[sflag:s2] =	ssyncset.done $0x0  }
0x52: {  	s12 =	simm.s32 $0x400;
	[sflag:s2] =	ssyncadd.s32 $0xFFFFF800  }
0x53: {  	[tilespmem:s16], [sflag:$0x1] =	stream.indirect.gather [hbm4b:s1+s15], $0x10, s12, s15, $0xb8;
	[tilespmem:$0xDE40] =	vst v63  }
0x54: {  	_ =	swait.ge [sflag:s11], $0x800  }
0x55: {  	[sflag:s11] =	ssyncset.done $0x0  }
0x56: {  	s25 =	simm.s32 $0x2A80;
	[sflag:s11] =	ssyncadd.s32 $0xFFFFF800  }
0x57: {  	[spmem:s3] =	stream.indirect.scatter.add.f32 [tilespmem:s30], [sflag:$0xE], $0x10, s25, s15, $0xb8;
	[tilespmem:$0xDE40] =	vst v63  }
0x58: {  	_ =	swait.ge [sflag:s23], $0x800  }
0x59: {  	[sflag:s23] =	ssyncset.done $0x0  }
0x5a: {  	s12 =	simm.s32 $0x480;
	[sflag:s23] =	ssyncadd.s32 $0xFFFFF800  }
0x5b: {  	[tilespmem:s17], [sflag:$0x2] =	stream.indirect.gather [hbm4b:s1+s15], $0x10, s12, s15, $0xb8;
	[tilespmem:$0xDE40] =	vst v63  }
0x5c: {  	_ =	swait.ge [sflag:s28], $0x800  }
0x5d: {  	[sflag:s28] =	ssyncset.done $0x0  }
0x5e: {  	s25 =	simm.s32 $0x2B00;
	[sflag:s28] =	ssyncadd.s32 $0xFFFFF800  }
0x5f: {  	[spmem:s3] =	stream.indirect.scatter.add.f32 [tilespmem:s18], [sflag:$0xF], $0x10, s25, s15, $0xb8;
	[tilespmem:$0xDE40] =	vst v63  }
0x60: {  	_ =	swait.ge [sflag:s4], $0x800  }
0x61: {  	[sflag:s4] =	ssyncset.done $0x0  }
0x62: {  	s12 =	simm.s32 $0x500;
	[sflag:s4] =	ssyncadd.s32 $0xFFFFF800  }
0x63: {  	[tilespmem:s19], [sflag:$0x3] =	stream.indirect.gather [hbm4b:s1+s15], $0x10, s12, s15, $0xb8;
	[tilespmem:$0xDE40] =	vst v63  }
0x64: {  	_ =	swait.ge [sflag:s5], $0x800  }
0x65: {  	[sflag:s5] =	ssyncset.done $0x0  }
0x66: {  	s25 =	simm.s32 $0x2B80;
	[sflag:s5] =	ssyncadd.s32 $0xFFFFF800  }
0x67: {  	[spmem:s3] =	stream.indirect.scatter.add.f32 [tilespmem:s29], [sflag:$0x10], $0x10, s25, s15, $0xb8;
	[tilespmem:$0xDE40] =	vst v63  }
0x68: {  	_ =	swait.ge [sflag:s10], $0x800  }
0x69: {  	[sflag:s10] =	ssyncset.done $0x0  }
0x6a: {  	s12 =	simm.s32 $0x580;
	[sflag:s10] =	ssyncadd.s32 $0xFFFFF800  }
0x6b: {  	[tilespmem:s21], [sflag:$0x4] =	stream.indirect.gather [hbm4b:s1+s15], $0x10, s12, s15, $0xb8;
	[tilespmem:$0xDE40] =	vst v63  }
0x6c: {  	_ =	swait.ge [sflag:s22], $0x800  }
0x6d: {  	[sflag:s22] =	ssyncset.done $0x0  }
0x6e: {  	s25 =	simm.s32 $0x2C00;
	[sflag:s22] =	ssyncadd.s32 $0xFFFFF800  }
0x6f: {  	[spmem:s3] =	stream.indirect.scatter.add.f32 [tilespmem:s16], [sflag:$0x9], $0x10, s25, s15, $0xb8;
	[tilespmem:$0xDE40] =	vst v63  }
0x70: {  	_ =	swait.ge [sflag:s6], $0x800  }
0x71: {  	[sflag:s6] =	ssyncset.done $0x0  }
0x72: {  	s12 =	simm.s32 $0x600;
	[sflag:s6] =	ssyncadd.s32 $0xFFFFF800  }
0x73: {  	[tilespmem:s24], [sflag:$0x5] =	stream.indirect.gather [hbm4b:s1+s15], $0x10, s12, s15, $0xb8;
	[tilespmem:$0xDE40] =	vst v63  }
0x74: {  	_ =	swait.ge [sflag:s26], $0x800  }
0x75: {  	[sflag:s26] =	ssyncset.done $0x0  }
0x76: {  	s25 =	simm.s32 $0x2C80;
	[sflag:s26] =	ssyncadd.s32 $0xFFFFF800  }
0x77: {  	[spmem:s3] =	stream.indirect.scatter.add.f32 [tilespmem:s17], [sflag:$0xA], $0x10, s25, s15, $0xb8;
	[tilespmem:$0xDE40] =	vst v63  }
0x78: {  	_ =	swait.ge [sflag:s7], $0x800  }
0x79: {  	[sflag:s7] =	ssyncset.done $0x0  }
0x7a: {  	s12 =	simm.s32 $0x680;
	[sflag:s7] =	ssyncadd.s32 $0xFFFFF800  }
0x7b: {  	[tilespmem:s30], [sflag:$0x6] =	stream.indirect.gather [hbm4b:s1+s15], $0x10, s12, s15, $0xb8;
	[tilespmem:$0xDE40] =	vst v63  }
0x7c: {  	_ =	swait.ge [sflag:s31], $0x800  }
0x7d: {  	[sflag:s31] =	ssyncset.done $0x0  }
0x7e: {  	s25 =	simm.s32 $0x2D00;
	[sflag:s31] =	ssyncadd.s32 $0xFFFFF800  }
0x7f: {  	[spmem:s3] =	stream.indirect.scatter.add.f32 [tilespmem:s19], [sflag:$0xB], $0x10, s25, s15, $0xb8;
	[tilespmem:$0xDE40] =	vst v63  }
0x80: {  	_ =	swait.ge [sflag:s8], $0x800  }
0x81: {  	[sflag:s8] =	ssyncset.done $0x0  }
0x82: {  	s12 =	simm.s32 $0x700;
	[sflag:s8] =	ssyncadd.s32 $0xFFFFF800  }
0x83: {  	[tilespmem:s18], [sflag:$0x7] =	stream.indirect.gather [hbm4b:s1+s15], $0x10, s12, s15, $0xb8;
	[tilespmem:$0xDE40] =	vst v63  }
0x84: {  	_ =	swait.ge [sflag:s20], $0x800  }
0x85: {  	[sflag:s20] =	ssyncset.done $0x0  }
0x86: {  	s25 =	simm.s32 $0x2D80;
	[sflag:s20] =	ssyncadd.s32 $0xFFFFF800  }
0x87: {  	[spmem:s3] =	stream.indirect.scatter.add.f32 [tilespmem:s21], [sflag:$0xC], $0x10, s25, s15, $0xb8;
	[tilespmem:$0xDE40] =	vst v63  }
0x88: {  	_ =	swait.ge [sflag:s9], $0x800  }
0x89: {  	[sflag:s9] =	ssyncset.done $0x0  }
0x8a: {  	s14 =	simm.s32 $0x1000;
	s25 =	simm.s32 $0x780;
	[sflag:s9] =	ssyncadd.s32 $0xFFFFF800  }
.LBB2_4:
0x8b: {  	[tilespmem:s29], [sflag:$0x8] =	stream.indirect.gather [hbm4b:s1+s15], $0x10, s25, s15, $0xb8;
	[tilespmem:$0xDE40] =	vst v63  }
0x8c: {  	s25 =	smov.u32 s14  }
0x8d: {  	p0 =	sne.s32 s14, $0x8000;
	s14 =	sadd.s32 $0x1000, s14;
	_ =	swait.ge [sflag:s0], $0x800  }
0x8e: {  	s25 =	sshra.s32 s25, $0x2;
	[sflag:s0] =	ssyncset.done $0x0  }
0x8f: {  	s12 =	sadd.s32 $0x2A00, s25;
	[sflag:s0] =	ssyncadd.s32 $0xFFFFF800  }
0x90: {  	[spmem:s3] =	stream.indirect.scatter.add.f32 [tilespmem:s24], [sflag:$0xD], $0x10, s12, s15, $0xb8;
	[tilespmem:$0xDE40] =	vst v63  }
0x91: {  	_ =	swait.ge [sflag:s2], $0x800  }
0x92: {  	[sflag:s2] =	ssyncset.done $0x0  }
0x93: {  	s12 =	sadd.s32 $0x400, s25;
	[sflag:s2] =	ssyncadd.s32 $0xFFFFF800  }
0x94: {  	[tilespmem:s16], [sflag:$0x1] =	stream.indirect.gather [hbm4b:s1+s15], $0x10, s12, s15, $0xb8;
	[tilespmem:$0xDE40] =	vst v63  }
0x95: {  	_ =	swait.ge [sflag:s11], $0x800  }
0x96: {  	[sflag:s11] =	ssyncset.done $0x0  }
0x97: {  	s12 =	sadd.s32 $0x2A80, s25;
	[sflag:s11] =	ssyncadd.s32 $0xFFFFF800  }
0x98: {  	[spmem:s3] =	stream.indirect.scatter.add.f32 [tilespmem:s30], [sflag:$0xE], $0x10, s12, s15, $0xb8;
	[tilespmem:$0xDE40] =	vst v63  }
0x99: {  	_ =	swait.ge [sflag:s23], $0x800  }
0x9a: {  	[sflag:s23] =	ssyncset.done $0x0  }
0x9b: {  	s12 =	sadd.s32 $0x480, s25;
	[sflag:s23] =	ssyncadd.s32 $0xFFFFF800  }
0x9c: {  	[tilespmem:s17], [sflag:$0x2] =	stream.indirect.gather [hbm4b:s1+s15], $0x10, s12, s15, $0xb8;
	[tilespmem:$0xDE40] =	vst v63  }
0x9d: {  	_ =	swait.ge [sflag:s28], $0x800  }
0x9e: {  	[sflag:s28] =	ssyncset.done $0x0  }
0x9f: {  	s12 =	sadd.s32 $0x2B00, s25;
	[sflag:s28] =	ssyncadd.s32 $0xFFFFF800  }
0xa0: {  	[spmem:s3] =	stream.indirect.scatter.add.f32 [tilespmem:s18], [sflag:$0xF], $0x10, s12, s15, $0xb8;
	[tilespmem:$0xDE40] =	vst v63  }
0xa1: {  	_ =	swait.ge [sflag:s4], $0x800  }
0xa2: {  	[sflag:s4] =	ssyncset.done $0x0  }
0xa3: {  	s12 =	sadd.s32 $0x500, s25;
	[sflag:s4] =	ssyncadd.s32 $0xFFFFF800  }
0xa4: {  	[tilespmem:s19], [sflag:$0x3] =	stream.indirect.gather [hbm4b:s1+s15], $0x10, s12, s15, $0xb8;
	[tilespmem:$0xDE40] =	vst v63  }
0xa5: {  	_ =	swait.ge [sflag:s5], $0x800  }
0xa6: {  	[sflag:s5] =	ssyncset.done $0x0  }
0xa7: {  	s12 =	sadd.s32 $0x2B80, s25;
	[sflag:s5] =	ssyncadd.s32 $0xFFFFF800  }
0xa8: {  	[spmem:s3] =	stream.indirect.scatter.add.f32 [tilespmem:s29], [sflag:$0x10], $0x10, s12, s15, $0xb8;
	[tilespmem:$0xDE40] =	vst v63  }
0xa9: {  	_ =	swait.ge [sflag:s10], $0x800  }
0xaa: {  	[sflag:s10] =	ssyncset.done $0x0  }
0xab: {  	s12 =	sadd.s32 $0x580, s25;
	[sflag:s10] =	ssyncadd.s32 $0xFFFFF800  }
0xac: {  	[tilespmem:s21], [sflag:$0x4] =	stream.indirect.gather [hbm4b:s1+s15], $0x10, s12, s15, $0xb8;
	[tilespmem:$0xDE40] =	vst v63  }
0xad: {  	_ =	swait.ge [sflag:s22], $0x800  }
0xae: {  	[sflag:s22] =	ssyncset.done $0x0  }
0xaf: {  	s12 =	sadd.s32 $0x2C00, s25;
	[sflag:s22] =	ssyncadd.s32 $0xFFFFF800  }
0xb0: {  	[spmem:s3] =	stream.indirect.scatter.add.f32 [tilespmem:s16], [sflag:$0x9], $0x10, s12, s15, $0xb8;
	[tilespmem:$0xDE40] =	vst v63  }
0xb1: {  	_ =	swait.ge [sflag:s6], $0x800  }
0xb2: {  	[sflag:s6] =	ssyncset.done $0x0  }
0xb3: {  	s12 =	sadd.s32 $0x600, s25;
	[sflag:s6] =	ssyncadd.s32 $0xFFFFF800  }
0xb4: {  	[tilespmem:s24], [sflag:$0x5] =	stream.indirect.gather [hbm4b:s1+s15], $0x10, s12, s15, $0xb8;
	[tilespmem:$0xDE40] =	vst v63  }
0xb5: {  	_ =	swait.ge [sflag:s26], $0x800  }
0xb6: {  	[sflag:s26] =	ssyncset.done $0x0  }
0xb7: {  	s12 =	sadd.s32 $0x2C80, s25;
	[sflag:s26] =	ssyncadd.s32 $0xFFFFF800  }
0xb8: {  	[spmem:s3] =	stream.indirect.scatter.add.f32 [tilespmem:s17], [sflag:$0xA], $0x10, s12, s15, $0xb8;
	[tilespmem:$0xDE40] =	vst v63  }
0xb9: {  	_ =	swait.ge [sflag:s7], $0x800  }
0xba: {  	[sflag:s7] =	ssyncset.done $0x0  }
0xbb: {  	s12 =	sadd.s32 $0x680, s25;
	[sflag:s7] =	ssyncadd.s32 $0xFFFFF800  }
0xbc: {  	[tilespmem:s30], [sflag:$0x6] =	stream.indirect.gather [hbm4b:s1+s15], $0x10, s12, s15, $0xb8;
	[tilespmem:$0xDE40] =	vst v63  }
0xbd: {  	_ =	swait.ge [sflag:s31], $0x800  }
0xbe: {  	[sflag:s31] =	ssyncset.done $0x0  }
0xbf: {  	s12 =	sadd.s32 $0x2D00, s25;
	[sflag:s31] =	ssyncadd.s32 $0xFFFFF800  }
0xc0: {  	[spmem:s3] =	stream.indirect.scatter.add.f32 [tilespmem:s19], [sflag:$0xB], $0x10, s12, s15, $0xb8;
	[tilespmem:$0xDE40] =	vst v63  }
0xc1: {  	_ =	swait.ge [sflag:s8], $0x800  }
0xc2: {  	[sflag:s8] =	ssyncset.done $0x0  }
0xc3: {  	s12 =	sadd.s32 $0x700, s25;
	[sflag:s8] =	ssyncadd.s32 $0xFFFFF800  }
0xc4: {  	[tilespmem:s18], [sflag:$0x7] =	stream.indirect.gather [hbm4b:s1+s15], $0x10, s12, s15, $0xb8;
	[tilespmem:$0xDE40] =	vst v63  }
0xc5: {  	_ =	swait.ge [sflag:s20], $0x800  }
0xc6: {  	[sflag:s20] =	ssyncset.done $0x0  }
.Ltmp1:
0xc7: {  	s12 =	sadd.s32 $0x2D80, s25;
	[sflag:s20] =	ssyncadd.s32 $0xFFFFF800;
	(pc) =	sbr.rel @p0 .LBB2_4-.Ltmp1, $4  }
0xc8: {  	[spmem:s3] =	stream.indirect.scatter.add.f32 [tilespmem:s21], [sflag:$0xC], $0x10, s12, s15, $0xb8;
	[tilespmem:$0xDE40] =	vst v63  }
0xc9: {  	_ =	swait.ge [sflag:s9], $0x800  }
0xca: {  	[sflag:s9] =	ssyncset.done $0x0  }
0xcb: {  	s25 =	sadd.s32 $0x780, s25;
	[sflag:s9] =	ssyncadd.s32 $0xFFFFF800  }
0xcc: {  	[tilespmem:s29], [sflag:$0x8] =	stream.indirect.gather [hbm4b:s1+s15], $0x10, s25, s15, $0xb8;
	[tilespmem:$0xDE40] =	vst v63  }
0xcd: {  	_ =	swait.ge [sflag:s0], $0x800  }
0xce: {  	[sflag:s0] =	ssyncset.done $0x0  }
0xcf: {  	s12 =	simm.s32 $0x4E00;
	[sflag:s0] =	ssyncadd.s32 $0xFFFFF800  }
0xd0: {  	[spmem:s3] =	stream.indirect.scatter.add.f32 [tilespmem:s24], [sflag:$0xD], $0x10, s12, s15, $0xb8;
	[tilespmem:$0xDE40] =	vst v63  }
0xd1: {  	_ =	swait.ge [sflag:s2], $0x800  }
0xd2: {  	[sflag:s2] =	ssyncset.done $0x0  }
0xd3: {  	s12 =	simm.s32 $0x2780;
	[sflag:s2] =	ssyncadd.s32 $0xFFFFF800  }
0xd4: {  	[tilespmem:s16], [sflag:$0x1] =	stream.indirect.gather [hbm4b:s1+s15], $0x10, s12, s15, $0xb8;
	[tilespmem:$0xDE40] =	vst v63  }
0xd5: {  	_ =	swait.ge [sflag:s11], $0x800  }
0xd6: {  	[sflag:s11] =	ssyncset.done $0x0  }
0xd7: {  	s14 =	simm.s32 $0x4E80;
	[sflag:s11] =	ssyncadd.s32 $0xFFFFF800  }
0xd8: {  	[spmem:s3] =	stream.indirect.scatter.add.f32 [tilespmem:s30], [sflag:$0xE], $0x10, s14, s15, $0xb8;
	[tilespmem:$0xDE40] =	vst v63  }
0xd9: {  	_ =	swait.ge [sflag:s23], $0x800  }
0xda: {  	[sflag:s23] =	ssyncset.done $0x0  }
0xdb: {  	[sflag:s23] =	ssyncadd.s32 $0xFFFFF800  }
0xdc: {  	[tilespmem:s17], [sflag:$0x2] =	stream.indirect.gather [hbm4b:s1+s15], $0x10, s12, s15, $0xb8;
	[tilespmem:$0xDE40] =	vst v63  }
0xdd: {  	_ =	swait.ge [sflag:s28], $0x800  }
0xde: {  	[sflag:s28] =	ssyncset.done $0x0  }
0xdf: {  	s25 =	simm.s32 $0x4F00;
	[sflag:s28] =	ssyncadd.s32 $0xFFFFF800  }
0xe0: {  	[spmem:s3] =	stream.indirect.scatter.add.f32 [tilespmem:s18], [sflag:$0xF], $0x10, s25, s15, $0xb8;
	[tilespmem:$0xDE40] =	vst v63  }
0xe1: {  	_ =	swait.ge [sflag:s4], $0x800  }
0xe2: {  	[sflag:s4] =	ssyncset.done $0x0  }
0xe3: {  	[sflag:s4] =	ssyncadd.s32 $0xFFFFF800  }
0xe4: {  	[tilespmem:s19], [sflag:$0x3] =	stream.indirect.gather [hbm4b:s1+s15], $0x10, s12, s15, $0xb8;
	[tilespmem:$0xDE40] =	vst v63  }
0xe5: {  	_ =	swait.ge [sflag:s5], $0x800  }
0xe6: {  	[sflag:s5] =	ssyncset.done $0x0  }
0xe7: {  	s25 =	simm.s32 $0x4F80;
	[sflag:s5] =	ssyncadd.s32 $0xFFFFF800  }
0xe8: {  	[spmem:s3] =	stream.indirect.scatter.add.f32 [tilespmem:s29], [sflag:$0x10], $0x10, s25, s15, $0xb8;
	[tilespmem:$0xDE40] =	vst v63  }
0xe9: {  	_ =	swait.ge [sflag:s10], $0x800  }
0xea: {  	[sflag:s10] =	ssyncset.done $0x0  }
0xeb: {  	[sflag:s10] =	ssyncadd.s32 $0xFFFFF800  }
0xec: {  	[tilespmem:s21], [sflag:$0x4] =	stream.indirect.gather [hbm4b:s1+s15], $0x10, s12, s15, $0xb8;
	[tilespmem:$0xDE40] =	vst v63  }
0xed: {  	_ =	swait.ge [sflag:s22], $0x800  }
0xee: {  	[sflag:s22] =	ssyncset.done $0x0  }
0xef: {  	[sflag:s22] =	ssyncadd.s32 $0xFFFFF800  }
0xf0: {  	_ =	swait.ge [sflag:s26], $0x800  }
0xf1: {  	[sflag:s26] =	ssyncset.done $0x0  }
0xf2: {  	[sflag:s26] =	ssyncadd.s32 $0xFFFFF800  }
0xf3: {  	_ =	swait.ge [sflag:s31], $0x800  }
0xf4: {  	[sflag:s31] =	ssyncset.done $0x0  }
0xf5: {  	[sflag:s31] =	ssyncadd.s32 $0xFFFFF800  }
0xf6: {  	_ =	swait.ge [sflag:s20], $0x800  }
0xf7: {  	[sflag:s20] =	ssyncset.done $0x0  }
0xf8: {  	[sflag:s20] =	ssyncadd.s32 $0xFFFFF800  }
0xf9: {  	_ =	swait.ge [sflag:s6], $0x800  }
0xfa: {  	[sflag:s6] =	ssyncset.done $0x0  }
0xfb: {  	[sflag:s6] =	ssyncadd.s32 $0xFFFFF800  }
0xfc: {  	_ =	swait.ge [sflag:s7], $0x800  }
0xfd: {  	[sflag:s7] =	ssyncset.done $0x0  }
0xfe: {  	[sflag:s7] =	ssyncadd.s32 $0xFFFFF800  }
0xff: {  	_ =	swait.ge [sflag:s8], $0x800  }
0x100: {  	[sflag:s8] =	ssyncset.done $0x0  }
0x101: {  	[sflag:s8] =	ssyncadd.s32 $0xFFFFF800  }
0x102: {  	_ =	swait.ge [sflag:s9], $0x800  }
0x103: {  	[sflag:s9] =	ssyncset.done $0x0  }
0x104: {  	[sflag:s9] =	ssyncadd.s32 $0xFFFFF800  }
0x105: {  	s14 =	stileid.u32;
	[bflag:$0x0] =	sbarrier.arrive $0xFFFF  }
0x106: {  	s12 =	sshll.u32 s14, $0x6;
	s14 =	rddreg [dreg:$0x7]  }
0x107: {  	s12 =	sor.u32 $0x1C13, s12;
	s25 =	rddreg [dreg:$0x9]  }
0x108: {  	[hbm:s14], [sflag:s12] =	dma.local [spmem:s25], $0x4E2  }
0x109: {  	s14 =	simm.s32 $0x13  }
0x10a: {  	_ =	swait.ge [sflag:s14], $0x4E2  }
0x10b: {  	s13 =	sadd.s32 $0x1, s13;
	s25 =	rddreg [dreg:$0x8]  }
0x10c: {  	p0 =	sne.s32 s13, s25  }
.Ltmp2:
0x10d: {  	_ = 	snop;
	(pc) =	sbr.rel @p0 .LBB2_1-.Ltmp2, $3  }
0x10e: {  	_ =	sdelay $0x1  }
0x10f: {  	[sflag:s14] =	ssyncset.done $0x0  }
0x110: {  	[sflag:s14] =	ssyncadd.s32 $0xFFFFFB1E  }
0x111: {  	_ =	sfence.sel $0x180000  }
0x112: {  	[bflag:$0x0] =	sbarrier.arrive $0xFFFF  }
0x113: {  	_ =	strace $0x9000004A  }
0x114: {  	s0 =	stileid.u32;
	[bflag:$0x2] =	sbarrier.arrive $0xFFFF  }
0x115: {  	p0 =	sne.s32 s0, $0x0;
	s0 =	rddreg [dreg:$0x3]  }
0x116: {  	s0 =	sadd.s32 @!p0 $0x100000, s0  }
0x117: {  	[sflag:s0] =	ssyncadd.tile.s32 @!p0 $0x1;
	_ =	shalt  }
.Lfunc_end2:
_tile_overlayer_lowered:
.L_overlay_start_2:
0x118: {  	(tag) =	ssettag $0x2  }
0x119: {  	s0 =	rddreg [dreg:$0x0];
	s2 =	stileid.u32  }
0x11a: {  	s1 =	rddreg [dreg:$0x1];
	p0 =	sne.s32 s2, $0x0  }
0x11b: {  	s3 =	rddreg [dreg:$0x2];
	[bflag:$0x3] =	sbarrier.arrive $0xFFFF;
	s2 =	simm.s32 @!p0 $0x1C13  }
0x11c: {  	[timem:s3], [sflag:s2] =	dma.local @!p0 [hbm:s0], s1  }
0x11d: {  	s0 =	simm.s32 @!p0 $0x13  }
0x11e: {  	_ =	swait.ge @!p0 [sflag:s0], s1  }
0x11f: {  	s1 =	ssub.s32 @!p0 $0x0, s1;
	[sflag:s0] =	ssyncset.done @!p0 $0x0  }
0x120: {  	[sflag:s0] =	ssyncadd.s32 @!p0 s1  }
0x121: {  	[bflag:$0x3] =	sbarrier.arrive $0xFFFF  }
0x122: {  	_ =	shalt  }

// kernel: kernel.14.cloned.1.call-start
scs
__scs_entry_jumppad:
0x0: {  	(pc) =	sbr.rel $0x88, $3  }
0x1: {  	(tag) =	ssettag $0x0;
	lr =	simm.s32 $0x1  }
0x2: {  	[smem:$0x3F9B] =	sst lr;
	_ =	strace $0xD0000000  }
0x3: {  	_ = 	snop  }
0x4: {  	_ = 	snop  }
0x5: {  	_ = 	snop  }
0x6: {  	_ = 	snop  }
0x7: {  	_ = 	snop  }
__scs_overlays_trampoline_lowered:
0x8: {  	[smem:$0x3FAA] =	sst s0  }
0x9: {  	[smem:$0x3FAB] =	sst s1  }
0xa: {  	[smem:$0x3FAC] =	sst s2  }
0xb: {  	[smem:$0x3FAD] =	sst s3  }
0xc: {  	[smem:$0x3FAE] =	sst s4  }
0xd: {  	[smem:$0x3FAF] =	sst s5  }
0xe: {  	[smem:$0x3FB0] =	sst s6  }
0xf: {  	[smem:$0x3FB1] =	sst s7  }
0x10: {  	[smem:$0x3FB2] =	sst s8  }
0x11: {  	[smem:$0x3FB3] =	sst s9;
	s0 =	simm.s32 @!p0 $0x0  }
0x12: {  	s1 =	sld [smem:$0x3F99];
	s0 =	simm.s32 @p0 $0x1  }
0x13: {  	[smem:$0x3FB4] =	sst s0;
	s0 =	simm.s32 @!p1 $0x0  }
0x14: {  	s2 =	sld [smem:$0x3F98];
	s0 =	simm.s32 @p1 $0x1  }
0x15: {  	[smem:$0x3FB5] =	sst s0;
	s0 =	simm.s32 @!p2 $0x0  }
0x16: {  	s3 =	sld [smem:$0x3FDB];
	s0 =	simm.s32 @p2 $0x1  }
0x17: {  	s4 =	simm.s32 $0x1BF5;
	[smem:$0x3FB7] =	sst s0  }
0x18: {  	s0 =	sld [smem:$0x3F9A];
	_ =	swait.ge [sflag:s4], $0x0  }
0x19: {  	s7 =	sld [smem:$0x3F9B]  }
0x1a: {  	s8 =	sadd.s32 $0xFFFFE003, lr  }
0x1b: {  	s9 =	sadd.s32 $0xFFFFFEF7, lr;
	s5 =	simm.s32 $0xFFFFFFFF;
	p2 =	slt.u32 s8, $0xFFFFF086  }
0x1c: {  	p1 =	slt.u32 s9, $0xF7A;
	s5 =	simm.s32 @!p2 $0x0  }
0x1d: {  	s5 =	simm.s32 @p1 $0x1;
	p0 =	seq.s32 s7, s2  }
0x1e: {  	s7 =	smul.u32 @!p0 $0xF7A, s2;
	p2 =	seq.s32 @!p0 s5, $0x0  }
0x1f: {  	s9 =	smul.u32 $0xF7A, s1;
	s8 =	simm.s32 @!p0 $0x1BF5;
	p2 =	por !p2, p0  }
0x20: {  	[sflag:s8] =	ssyncset.s32 @!p0 $0xFFFFF086;
	s6 =	sadd.s32 @!p0 s3, s7;
	s7 =	simm.s32 @!p0 $0x108  }
0x21: {  	s3 =	sadd.s32 s3, s9;
	s6 =	sadd.s32 @!p0 $0x88, s6;
	s7 =	simm.s32 @p2 $0x1082  }
0x22: {  	[simem:s7], [sflag:s8] =	dma.local @!p0 [hbm:s6], $0xF7A  }
0x23: {  	s9 =	sor.u32 $0xD0000000, s2;
	s6 =	simm.s32 $0x108;
	_ =	swait.ge @!p0 [sflag:s8], $0x0  }
0x24: {  	s3 =	sadd.s32 $0x88, s3;
	s6 =	simm.s32 @!p1 $0x1082;
	[sflag:s4] =	ssyncset.s32 $0xFFFFF086  }
0x25: {  	[simem:s6], [sflag:s4] =	dma.local [hbm:s3], $0xF7A  }
0x26: {  	[smem:$0x3F9B] =	sst s1;
	(tag) =	ssettag s2;
	_ =	strace s9  }
0x27: {  	s1 =	sld [smem:$0x3FAB]  }
0x28: {  	s2 =	sld [smem:$0x3FAC]  }
0x29: {  	s4 =	sld [smem:$0x3FAE]  }
0x2a: {  	p0 =	seq.s32 s5, $0x0;
	s5 =	sld [smem:$0x3FAF]  }
0x2b: {  	s6 =	sld [smem:$0x3FB0]  }
0x2c: {  	s7 =	sld [smem:$0x3FB1]  }
0x2d: {  	s3 =	simm.s32 $0x108;
	s8 =	sld [smem:$0x3FB2]  }
0x2e: {  	s3 =	simm.s32 @!p0 $0x1082;
	s9 =	sld [smem:$0x3FB3]  }
0x2f: {  	lr =	sadd.s32 s0, s3;
	s0 =	sld [smem:$0x3FAA]  }
0x30: {  	s3 =	sld [smem:$0x3FAD]  }
0x31: {  	[smem:$0x3FB6] =	sst s10  }
0x32: {  	s10 =	sld [smem:$0x3FB4];
	_ =	sdelay $0x3  }
0x33: {  	p0 =	seq.s32 s10, $0x1;
	s10 =	sld [smem:$0x3FB6];
	_ =	sdelay $0x3  }
0x34: {  	[smem:$0x3FB6] =	sst s10  }
0x35: {  	s10 =	sld [smem:$0x3FB5];
	_ =	sdelay $0x3  }
0x36: {  	p1 =	seq.s32 s10, $0x1;
	s10 =	sld [smem:$0x3FB6];
	_ =	sdelay $0x3  }
0x37: {  	[smem:$0x3FB6] =	sst s10  }
0x38: {  	s10 =	sld [smem:$0x3FB7]  }
0x39: {  	_ = 	snop;
	(pc) =	sbr.ind lr, $3  }
0x3a: {  	_ = 	snop  }
0x3b: {  	_ = 	snop  }
0x3c: {  	p2 =	seq.s32 s10, $0x1;
	s10 =	sld [smem:$0x3FB6]  }
0x3d: {  	_ =	shalt  }
0x3e: {  	_ =	shalt  }
0x3f: {  	_ =	shalt  }
0x40: {  	_ =	shalt  }
0x41: {  	_ =	shalt  }
0x42: {  	_ =	shalt  }
0x43: {  	_ =	shalt  }
0x44: {  	_ =	shalt  }
0x45: {  	_ =	shalt  }
0x46: {  	_ =	shalt  }
0x47: {  	_ =	shalt  }
0x48: {  	_ =	shalt  }
0x49: {  	_ =	shalt  }
0x4a: {  	_ =	shalt  }
0x4b: {  	_ =	shalt  }
0x4c: {  	_ =	shalt  }
0x4d: {  	_ =	shalt  }
0x4e: {  	_ =	shalt  }
0x4f: {  	_ =	shalt  }
0x50: {  	_ =	shalt  }
0x51: {  	_ =	shalt  }
0x52: {  	_ =	shalt  }
0x53: {  	_ =	shalt  }
0x54: {  	_ =	shalt  }
0x55: {  	_ =	shalt  }
0x56: {  	_ =	shalt  }
0x57: {  	_ =	shalt  }
0x58: {  	_ =	shalt  }
0x59: {  	_ =	shalt  }
0x5a: {  	_ =	shalt  }
0x5b: {  	_ =	shalt  }
0x5c: {  	_ =	shalt  }
0x5d: {  	_ =	shalt  }
0x5e: {  	_ =	shalt  }
0x5f: {  	_ =	shalt  }
0x60: {  	_ =	shalt  }
0x61: {  	_ =	shalt  }
0x62: {  	_ =	shalt  }
0x63: {  	_ =	shalt  }
0x64: {  	_ =	shalt  }
0x65: {  	_ =	shalt  }
0x66: {  	_ =	shalt  }
0x67: {  	_ =	shalt  }
0x68: {  	_ =	shalt  }
0x69: {  	_ =	shalt  }
0x6a: {  	_ =	shalt  }
0x6b: {  	_ =	shalt  }
0x6c: {  	_ =	shalt  }
0x6d: {  	_ =	shalt  }
0x6e: {  	_ =	shalt  }
0x6f: {  	_ =	shalt  }
0x70: {  	_ =	shalt  }
0x71: {  	_ =	shalt  }
0x72: {  	_ =	shalt  }
0x73: {  	_ =	shalt  }
0x74: {  	_ =	shalt  }
0x75: {  	_ =	shalt  }
0x76: {  	_ =	shalt  }
0x77: {  	_ =	shalt  }
0x78: {  	_ =	shalt  }
0x79: {  	_ =	shalt  }
0x7a: {  	_ =	shalt  }
0x7b: {  	_ =	shalt  }
0x7c: {  	_ =	shalt  }
0x7d: {  	_ =	shalt  }
0x7e: {  	_ =	shalt  }
0x7f: {  	_ =	shalt  }
0x80: {  	_ =	shalt  }
0x81: {  	_ =	shalt  }
0x82: {  	_ =	shalt  }
0x83: {  	_ =	shalt  }
0x84: {  	_ =	shalt  }
0x85: {  	_ =	shalt  }
0x86: {  	_ =	shalt  }
0x87: {  	_ =	shalt  }
.Lfunc_end0:
.L_simem_size_0:
called_computation.2_lowered:
.L_overlay_start_0:
0x88: {  	s2 =	sld [smem:$0x3FD9]  }
0x89: {  	s3 =	sld [smem:$0x3FFE];
	_ =	sdelay $0x1  }
0x8a: {  	s1 =	srdreg.scid  }
0x8b: {  	s0 =	sand.u32 $0x1, s1  }
0x8c: {  	s17 =	sshll.u32 s0, $0xA;
	s2 =	sadd.s32 s3, s2  }
0x8d: {  	s2 =	sadd.s32 s2, s17  }
0x8e: {  	[smem:$0x3FC2] =	sst s2  }
0x8f: {  	_ = 	snop  }
0x90: {  	s2 =	sld [smem:$0x3FD0];
	(tm) =	ssettm $0x1  }
0x91: {  	s18 =	sld [smem:$0x3FFB];
	_ =	sdelay $0x3  }
0x92: {  	_ =	strace s18  }
0x93: {  	s3 =	sld [smem:$0x3FFC];
	_ =	sdelay $0x3  }
0x94: {  	_ =	strace s3  }
0x95: {  	s3 =	sld [smem:$0x3FFD];
	_ =	sdelay $0x3  }
0x96: {  	_ =	strace s3  }
0x97: {  	_ =	strace $0x8FFFFFFF  }
0x98: {  	s19 =	sld [smem:$0x3FDB];
	_ =	sdelay $0x1  }
0x99: {  	s4 =	simm.s32 $_scs_section_size  }
0x9a: {  	s5 =	simm.s32 $_size__tile_overlayer_lowered;
	s6 =	simm.s32 $_tile_overlayer_lowered  }
0x9b: {  	s22 =	simm.s32 $0x1BFF;
	s21 =	sshll.u32 s6, $0x1;
	s3 =	sadd.s32 s4, s19  }
0x9c: {  	s7 =	simm.s32 $0x0;
	s20 =	sshll.u32 s5, $0x1;
	s5 =	sadd.s32 s21, s3  }
0x9d: {  	[timem:s7], [sflag:s22] =	dma.local [hbm:s5], s20  }
0x9e: {  	_ =	swait.ge [sflag:s22], s20  }
0x9f: {  	s4 =	ssub.s32 $0x0, s20;
	[sflag:s22] =	ssyncset.done $0x0  }
0xa0: {  	[sflag:s22] =	ssyncadd.s32 s4;
	_ =	sdelay $0x1  }
0xa1: {  	s23 =	simm.s32 $0x1B8B  }
0xa2: {  	_ =	swait.ge [sflag:s23], $0x1  }
0xa3: {  	[sflag:s23] =	ssyncset.done $0x0  }
0xa4: {  	s25 =	simm.s32 $0x1B8E;
	s24 =	sld [smem:$0x3FFE];
	[sflag:s23] =	ssyncadd.s32 $0xFFFFFFFF  }
0xa5: {  	s26 =	simm.s32 $execute0_lowered;
	[smem:$0x3FD2] =	sst s25  }
0xa6: {  	s5 =	sshll.u32 s26, $0x1;
	_ =	strace $0x8000004C;
	[dreg:$0x1] =	wrdreg $0xFFFFFFFF  }
0xa7: {  	s28 =	simm.s32 $_size_execute0_lowered;
	s3 =	sadd.s32 s3, s5;
	[dreg:$0x0] =	wrdreg $0x0  }
0xa8: {  	s5 =	sshll.u32 s28, $0x1;
	[dreg:$0x2] =	wrdreg s3  }
0xa9: {  	[dreg:$0x3] =	wrdreg s5  }
0xaa: {  	[dreg:$0x4] =	wrdreg $0xC0  }
0xab: {  	_ =	task [dreg:s7], $0x5FFFF  }
0xac: {  	[dreg:$0x1] =	wrdreg $0xFFFFFFFF  }
0xad: {  	[dreg:$0x0] =	wrdreg $0x60  }
0xae: {  	[dreg:$0x2] =	wrdreg s24  }
0xaf: {  	[dreg:$0x3] =	wrdreg s2  }
0xb0: {  	[dreg:$0x4] =	wrdreg $0xB7200  }
0xb1: {  	[dreg:$0x5] =	wrdreg $0x9  }
0xb2: {  	_ =	task.clear_ibuf [dreg:s7], $0x6FFFF;
	_ =	strace $0x9000004C  }
0xb3: {  	s29 =	simm.s32 $0x9;
	_ =	strace $0x8000004E  }
0xb4: {  	_ =	swait.ge [sflag:s29], $0x1  }
0xb5: {  	[sflag:s29] =	ssyncadd.s32 $0xFFFFFFFF  }
0xb6: {  	_ =	strace $0x9000004E  }
0xb7: {  	_ =	sfence  }
0xb8: {  	s30 =	sld [smem:$0x0];
	_ =	sdelay $0x2  }
0xb9: {  	s31 =	sshll.u32 s1, $0xD;
	s1 =	sshrl.u32 s1, $0x2  }
0xba: {  	s3 =	sand.u32 $0x4000, s31;
	s1 =	sadd.s32 s1, s30  }
0xbb: {  	s0 =	sor.u32 s3, s0;
	s1 =	sshll.u32 s1, $0x11  }
0xbc: {  	s0 =	sor.u32 s1, s0  }
0xbd: {  	s0 =	sadd.s32 $0x8F2B, s0  }
0xbe: {  	[sflag:s0] =	ssyncadd.remote.s32 $0x1  }
0xbf: {  	_ =	sfence.sel $0xFFFF  }
0xc0: {  	[dreg:$0x0] =	wrdreg $0xFFFFFFFF;
	(pc) =	sbr.abs _section_cstart, $3  }
0xc1: {  	[dreg:$0x1] =	wrdreg $0xFFFFFFFF  }
0xc2: {  	_ =	task.clear_ibuf [dreg:s7], $0x2FFFF;
	_ =	strace $0x9FFFFFFF  }
0xc3: {  	(tm) =	ssettm $0x7FFFFFFF  }
tec
execute0_lowered:
.L_overlay_start_1:
0x0: {  	(tag) =	ssettag $0x1  }
0x1: {  	s0 =	rddreg [dreg:$0x0]  }
0x2: {  	s1 =	rddreg [dreg:$0x1]  }
0x3: {  	s3 =	rddreg [dreg:$0x2]  }
0x4: {  	s2 =	srdreg.scid;
	s7 =	stileid.u32  }
0x5: {  	s8 =	simm.s32 $0x0;
	s15 =	simm.s32 $0x80;
	s16 =	simm.s32 $0x5000  }
0x6: {  	s17 =	simm.s32 $0x5800;
	s19 =	simm.s32 $0x6000;
	s21 =	simm.s32 $0x6800  }
0x7: {  	s22 =	simm.s32 $0x1;
	s30 =	simm.s32 $0x7800;
	s31 =	simm.s32 $0x3  }
0x8: {  	s18 =	simm.s32 $0x8000;
	s20 =	simm.s32 $0x4;
	s29 =	simm.s32 $0x8800  }
0x9: {  	s11 =	simm.s32 $0x6;
	s28 =	simm.s32 $0x7;
	s10 =	simm.s32 $0xC  }
0xa: {  	s9 =	simm.s32 $0x10;
	s13 =	simm.s32 $0x0;
	s2 =	sand.u32 $0x1, s2  }
0xb: {  	s6 =	smul.u32 $0x2710, s7;
	[smem:$0x7FF] =	sst s8;
	s8 =	simm.s32 $0xF  }
0xc: {  	s4 =	smul.u32 $0x27100, s2;
	s5 =	sshll.u32 s2, $0x4;
	_ =	strace $0x8000004D  }
0xd: {  	s2 =	ssub.s32 $0x2, s2;
	s5 =	sor.u32 s7, s5;
	s7 =	smul.u32 $0x9C80, s7  }
0xe: {  	s23 =	sshrl.u32 s2, $0x1;
	s5 =	smul.u32 $0x500, s5;
	s4 =	sadd.s32 s6, s4  }
0xf: {  	s26 =	sadd.s32 s6, s3;
	s2 =	ssub.s32 s2, s23;
	s4 =	sshrl.u32 s4, $0x3  }
0x10: {  	s25 =	sshrl.u32 s7, $0x2;
	s2 =	smax.u32 s2, $0x1;
	s5 =	sadd.s32 s5, s0  }
0x11: {  	s0 =	sadd.s32 s4, s0;
	s4 =	sadd.s32 s25, s3;
	[dreg:$0x8] =	wrdreg s2  }
0x12: {  	s23 =	simm.s32 $0xA;
	s24 =	sadd.s32 $0xB600, s5;
	[dreg:$0x6] =	wrdreg s4  }
0x13: {  	s6 =	simm.s32 $0xD;
	s5 =	sadd.s32 $0x1600, s5;
	[dreg:$0x4] =	wrdreg s24  }
0x14: {  	s7 =	simm.s32 $0xE;
	s0 =	sadd.s32 $0x15600, s0;
	[dreg:$0x5] =	wrdreg s5  }
0x15: {  	s2 =	simm.s32 $0x9;
	s4 =	simm.s32 $0xB;
	[dreg:$0x7] =	wrdreg s0  }
0x16: {  	s24 =	simm.s32 $0x7000;
	s0 =	sshrl.u32 s26, $0x3;
	s26 =	simm.s32 $0x2  }
0x17: {  	v0 =	vimm.f32 $0.0e+00;
	s5 =	simm.s32 $0x8;
	[dreg:$0x9] =	wrdreg s0;
	s0 =	simm.s32 $0x5  }
.LBB2_1:
0x18: {  	s12 =	simm.s32 $0x0;
	s14 =	rddreg [dreg:$0x4]  }
0x19: {  	[tilespmem:s12], [sflag:$0x11] =	stream.linear.gather [hbm4b:s14+s12], $0x2800, $0x38;
	[tilespmem:$0xDE40] =	vst v63  }
0x1a: {  	s25 =	simm.s32 $0x2800;
	s14 =	rddreg [dreg:$0x5]  }
0x1b: {  	[tilespmem:s25], [sflag:$0x12] =	stream.linear.gather [hbm4b:s14+s12], $0x2800, $0x38;
	[tilespmem:$0xDE40] =	vst v63  }
0x1c: {  	s14 =	simm.s32 $0x40;
	s25 =	simm.s32 $0x0  }
.LBB2_2:
0x1d: {  	p0 =	sne.s32 s14, $0x9C40;
	[tilespmem:s25+$0x9000] =	vst v0;
	s25 =	smov.u32 s14;
	s14 =	sadd.s32 $0x40, s14  }
.Ltmp0:
0x1e: {  	(pc) =	sbr.rel @p0 .LBB2_2-.Ltmp0, $2  }
0x1f: {  	_ =	sdelay $0x2  }
0x20: {  	s25 =	sshra.s32 s25, $0x2  }
0x21: {  	[tilespmem:s25+$0x9000] =	vst v0;
	s12 =	rddreg [dreg:$0x6];
	s14 =	simm.s32 $0x9000;
	s25 =	simm.s32 $0x13  }
0x22: {  	[spmem:s12] =	stream.linear.scatter [tilespmem:s14], [sflag:$0x13], $0x2720, $0x38;
	[tilespmem:$0xDE40] =	vst v63  }
0x23: {  	_ =	swait.ge [sflag:s25], $0x2720  }
0x24: {  	[sflag:s25] =	ssyncset.done $0x0  }
0x25: {  	s14 =	simm.s32 $0x11;
	[sflag:s25] =	ssyncadd.s32 $0xFFFFD8E0  }
0x26: {  	_ =	swait.ge [sflag:s14], $0x2800  }
0x27: {  	[sflag:s14] =	ssyncset.done $0x0  }
0x28: {  	s25 =	simm.s32 $0x12;
	[sflag:s14] =	ssyncadd.s32 $0xFFFFD800  }
0x29: {  	_ =	swait.ge [sflag:s25], $0x2800  }
0x2a: {  	[sflag:s25] =	ssyncset.done $0x0  }
0x2b: {  	[sflag:s25] =	ssyncadd.s32 $0xFFFFD800  }
0x2c: {  	s12 =	simm.s32 $0x0;
	[bflag:$0x0] =	sbarrier.arrive $0xFFFF  }
0x2d: {  	[tilespmem:s16], [sflag:$0x1] =	stream.indirect.gather [hbm4b:s1+s15], $0x10, s12, s15, $0xb8;
	[tilespmem:$0xDE40] =	vst v63  }
0x2e: {  	_ = 	snop  }
0x2f: {  	[tilespmem:s17], [sflag:$0x2] =	stream.indirect.gather [hbm4b:s1+s15], $0x10, s15, s15, $0xb8;
	[tilespmem:$0xDE40] =	vst v63  }
0x30: {  	s25 =	simm.s32 $0x100  }
0x31: {  	[tilespmem:s19], [sflag:$0x3] =	stream.indirect.gather [hbm4b:s1+s15], $0x10, s25, s15, $0xb8;
	[tilespmem:$0xDE40] =	vst v63  }
0x32: {  	s14 =	simm.s32 $0x180  }
0x33: {  	[tilespmem:s21], [sflag:$0x4] =	stream.indirect.gather [hbm4b:s1+s15], $0x10, s14, s15, $0xb8;
	[tilespmem:$0xDE40] =	vst v63  }
0x34: {  	_ =	swait.ge [sflag:s22], $0x800  }
0x35: {  	[sflag:s22] =	ssyncset.done $0x0  }
0x36: {  	s25 =	simm.s32 $0x2800;
	[sflag:s22] =	ssyncadd.s32 $0xFFFFF800  }
0x37: {  	[spmem:s3] =	stream.indirect.scatter.add.f32 [tilespmem:s16], [sflag:$0x9], $0x10, s25, s15, $0xb8;
	[tilespmem:$0xDE40] =	vst v63  }
0x38: {  	s14 =	simm.s32 $0x200  }
0x39: {  	[tilespmem:s24], [sflag:$0x5] =	stream.indirect.gather [hbm4b:s1+s15], $0x10, s14, s15, $0xb8;
	[tilespmem:$0xDE40] =	vst v63  }
0x3a: {  	_ =	swait.ge [sflag:s26], $0x800  }
0x3b: {  	[sflag:s26] =	ssyncset.done $0x0  }
0x3c: {  	s25 =	simm.s32 $0x2880;
	[sflag:s26] =	ssyncadd.s32 $0xFFFFF800  }
0x3d: {  	[spmem:s3] =	stream.indirect.scatter.add.f32 [tilespmem:s17], [sflag:$0xA], $0x10, s25, s15, $0xb8;
	[tilespmem:$0xDE40] =	vst v63  }
0x3e: {  	s14 =	simm.s32 $0x280  }
0x3f: {  	[tilespmem:s30], [sflag:$0x6] =	stream.indirect.gather [hbm4b:s1+s15], $0x10, s14, s15, $0xb8;
	[tilespmem:$0xDE40] =	vst v63  }
0x40: {  	_ =	swait.ge [sflag:s31], $0x800  }
0x41: {  	[sflag:s31] =	ssyncset.done $0x0  }
0x42: {  	s25 =	simm.s32 $0x2900;
	[sflag:s31] =	ssyncadd.s32 $0xFFFFF800  }
0x43: {  	[spmem:s3] =	stream.indirect.scatter.add.f32 [tilespmem:s19], [sflag:$0xB], $0x10, s25, s15, $0xb8;
	[tilespmem:$0xDE40] =	vst v63  }
0x44: {  	s14 =	simm.s32 $0x300  }
0x45: {  	[tilespmem:s18], [sflag:$0x7] =	stream.indirect.gather [hbm4b:s1+s15], $0x10, s14, s15, $0xb8;
	[tilespmem:$0xDE40] =	vst v63  }
0x46: {  	_ =	swait.ge [sflag:s20], $0x800  }
0x47: {  	[sflag:s20] =	ssyncset.done $0x0  }
0x48: {  	s25 =	simm.s32 $0x2980;
	[sflag:s20] =	ssyncadd.s32 $0xFFFFF800  }
0x49: {  	[spmem:s3] =	stream.indirect.scatter.add.f32 [tilespmem:s21], [sflag:$0xC], $0x10, s25, s15, $0xb8;
	[tilespmem:$0xDE40] =	vst v63  }
0x4a: {  	s14 =	simm.s32 $0x380  }
0x4b: {  	[tilespmem:s29], [sflag:$0x8] =	stream.indirect.gather [hbm4b:s1+s15], $0x10, s14, s15, $0xb8;
	[tilespmem:$0xDE40] =	vst v63  }
0x4c: {  	_ =	swait.ge [sflag:s0], $0x800  }
0x4d: {  	[sflag:s0] =	ssyncset.done $0x0  }
0x4e: {  	s25 =	simm.s32 $0x2A00;
	[sflag:s0] =	ssyncadd.s32 $0xFFFFF800  }
0x4f: {  	[spmem:s3] =	stream.indirect.scatter.add.f32 [tilespmem:s24], [sflag:$0xD], $0x10, s25, s15, $0xb8;
	[tilespmem:$0xDE40] =	vst v63  }
0x50: {  	_ =	swait.ge [sflag:s2], $0x800  }
0x51: {  	[sflag:s2] =	ssyncset.done $0x0  }
0x52: {  	s12 =	simm.s32 $0x400;
	[sflag:s2] =	ssyncadd.s32 $0xFFFFF800  }
0x53: {  	[tilespmem:s16], [sflag:$0x1] =	stream.indirect.gather [hbm4b:s1+s15], $0x10, s12, s15, $0xb8;
	[tilespmem:$0xDE40] =	vst v63  }
0x54: {  	_ =	swait.ge [sflag:s11], $0x800  }
0x55: {  	[sflag:s11] =	ssyncset.done $0x0  }
0x56: {  	s25 =	simm.s32 $0x2A80;
	[sflag:s11] =	ssyncadd.s32 $0xFFFFF800  }
0x57: {  	[spmem:s3] =	stream.indirect.scatter.add.f32 [tilespmem:s30], [sflag:$0xE], $0x10, s25, s15, $0xb8;
	[tilespmem:$0xDE40] =	vst v63  }
0x58: {  	_ =	swait.ge [sflag:s23], $0x800  }
0x59: {  	[sflag:s23] =	ssyncset.done $0x0  }
0x5a: {  	s12 =	simm.s32 $0x480;
	[sflag:s23] =	ssyncadd.s32 $0xFFFFF800  }
0x5b: {  	[tilespmem:s17], [sflag:$0x2] =	stream.indirect.gather [hbm4b:s1+s15], $0x10, s12, s15, $0xb8;
	[tilespmem:$0xDE40] =	vst v63  }
0x5c: {  	_ =	swait.ge [sflag:s28], $0x800  }
0x5d: {  	[sflag:s28] =	ssyncset.done $0x0  }
0x5e: {  	s25 =	simm.s32 $0x2B00;
	[sflag:s28] =	ssyncadd.s32 $0xFFFFF800  }
0x5f: {  	[spmem:s3] =	stream.indirect.scatter.add.f32 [tilespmem:s18], [sflag:$0xF], $0x10, s25, s15, $0xb8;
	[tilespmem:$0xDE40] =	vst v63  }
0x60: {  	_ =	swait.ge [sflag:s4], $0x800  }
0x61: {  	[sflag:s4] =	ssyncset.done $0x0  }
0x62: {  	s12 =	simm.s32 $0x500;
	[sflag:s4] =	ssyncadd.s32 $0xFFFFF800  }
0x63: {  	[tilespmem:s19], [sflag:$0x3] =	stream.indirect.gather [hbm4b:s1+s15], $0x10, s12, s15, $0xb8;
	[tilespmem:$0xDE40] =	vst v63  }
0x64: {  	_ =	swait.ge [sflag:s5], $0x800  }
0x65: {  	[sflag:s5] =	ssyncset.done $0x0  }
0x66: {  	s25 =	simm.s32 $0x2B80;
	[sflag:s5] =	ssyncadd.s32 $0xFFFFF800  }
0x67: {  	[spmem:s3] =	stream.indirect.scatter.add.f32 [tilespmem:s29], [sflag:$0x10], $0x10, s25, s15, $0xb8;
	[tilespmem:$0xDE40] =	vst v63  }
0x68: {  	_ =	swait.ge [sflag:s10], $0x800  }
0x69: {  	[sflag:s10] =	ssyncset.done $0x0  }
0x6a: {  	s12 =	simm.s32 $0x580;
	[sflag:s10] =	ssyncadd.s32 $0xFFFFF800  }
0x6b: {  	[tilespmem:s21], [sflag:$0x4] =	stream.indirect.gather [hbm4b:s1+s15], $0x10, s12, s15, $0xb8;
	[tilespmem:$0xDE40] =	vst v63  }
0x6c: {  	_ =	swait.ge [sflag:s22], $0x800  }
0x6d: {  	[sflag:s22] =	ssyncset.done $0x0  }
0x6e: {  	s25 =	simm.s32 $0x2C00;
	[sflag:s22] =	ssyncadd.s32 $0xFFFFF800  }
0x6f: {  	[spmem:s3] =	stream.indirect.scatter.add.f32 [tilespmem:s16], [sflag:$0x9], $0x10, s25, s15, $0xb8;
	[tilespmem:$0xDE40] =	vst v63  }
0x70: {  	_ =	swait.ge [sflag:s6], $0x800  }
0x71: {  	[sflag:s6] =	ssyncset.done $0x0  }
0x72: {  	s12 =	simm.s32 $0x600;
	[sflag:s6] =	ssyncadd.s32 $0xFFFFF800  }
0x73: {  	[tilespmem:s24], [sflag:$0x5] =	stream.indirect.gather [hbm4b:s1+s15], $0x10, s12, s15, $0xb8;
	[tilespmem:$0xDE40] =	vst v63  }
0x74: {  	_ =	swait.ge [sflag:s26], $0x800  }
0x75: {  	[sflag:s26] =	ssyncset.done $0x0  }
0x76: {  	s25 =	simm.s32 $0x2C80;
	[sflag:s26] =	ssyncadd.s32 $0xFFFFF800  }
0x77: {  	[spmem:s3] =	stream.indirect.scatter.add.f32 [tilespmem:s17], [sflag:$0xA], $0x10, s25, s15, $0xb8;
	[tilespmem:$0xDE40] =	vst v63  }
0x78: {  	_ =	swait.ge [sflag:s7], $0x800  }
0x79: {  	[sflag:s7] =	ssyncset.done $0x0  }
0x7a: {  	s12 =	simm.s32 $0x680;
	[sflag:s7] =	ssyncadd.s32 $0xFFFFF800  }
0x7b: {  	[tilespmem:s30], [sflag:$0x6] =	stream.indirect.gather [hbm4b:s1+s15], $0x10, s12, s15, $0xb8;
	[tilespmem:$0xDE40] =	vst v63  }
0x7c: {  	_ =	swait.ge [sflag:s31], $0x800  }
0x7d: {  	[sflag:s31] =	ssyncset.done $0x0  }
0x7e: {  	s25 =	simm.s32 $0x2D00;
	[sflag:s31] =	ssyncadd.s32 $0xFFFFF800  }
0x7f: {  	[spmem:s3] =	stream.indirect.scatter.add.f32 [tilespmem:s19], [sflag:$0xB], $0x10, s25, s15, $0xb8;
	[tilespmem:$0xDE40] =	vst v63  }
0x80: {  	_ =	swait.ge [sflag:s8], $0x800  }
0x81: {  	[sflag:s8] =	ssyncset.done $0x0  }
0x82: {  	s12 =	simm.s32 $0x700;
	[sflag:s8] =	ssyncadd.s32 $0xFFFFF800  }
0x83: {  	[tilespmem:s18], [sflag:$0x7] =	stream.indirect.gather [hbm4b:s1+s15], $0x10, s12, s15, $0xb8;
	[tilespmem:$0xDE40] =	vst v63  }
0x84: {  	_ =	swait.ge [sflag:s20], $0x800  }
0x85: {  	[sflag:s20] =	ssyncset.done $0x0  }
0x86: {  	s25 =	simm.s32 $0x2D80;
	[sflag:s20] =	ssyncadd.s32 $0xFFFFF800  }
0x87: {  	[spmem:s3] =	stream.indirect.scatter.add.f32 [tilespmem:s21], [sflag:$0xC], $0x10, s25, s15, $0xb8;
	[tilespmem:$0xDE40] =	vst v63  }
0x88: {  	_ =	swait.ge [sflag:s9], $0x800  }
0x89: {  	[sflag:s9] =	ssyncset.done $0x0  }
0x8a: {  	s14 =	simm.s32 $0x1000;
	s25 =	simm.s32 $0x780;
	[sflag:s9] =	ssyncadd.s32 $0xFFFFF800  }
.LBB2_4:
0x8b: {  	[tilespmem:s29], [sflag:$0x8] =	stream.indirect.gather [hbm4b:s1+s15], $0x10, s25, s15, $0xb8;
	[tilespmem:$0xDE40] =	vst v63  }
0x8c: {  	s25 =	smov.u32 s14  }
0x8d: {  	p0 =	sne.s32 s14, $0x8000;
	s14 =	sadd.s32 $0x1000, s14;
	_ =	swait.ge [sflag:s0], $0x800  }
0x8e: {  	s25 =	sshra.s32 s25, $0x2;
	[sflag:s0] =	ssyncset.done $0x0  }
0x8f: {  	s12 =	sadd.s32 $0x2A00, s25;
	[sflag:s0] =	ssyncadd.s32 $0xFFFFF800  }
0x90: {  	[spmem:s3] =	stream.indirect.scatter.add.f32 [tilespmem:s24], [sflag:$0xD], $0x10, s12, s15, $0xb8;
	[tilespmem:$0xDE40] =	vst v63  }
0x91: {  	_ =	swait.ge [sflag:s2], $0x800  }
0x92: {  	[sflag:s2] =	ssyncset.done $0x0  }
0x93: {  	s12 =	sadd.s32 $0x400, s25;
	[sflag:s2] =	ssyncadd.s32 $0xFFFFF800  }
0x94: {  	[tilespmem:s16], [sflag:$0x1] =	stream.indirect.gather [hbm4b:s1+s15], $0x10, s12, s15, $0xb8;
	[tilespmem:$0xDE40] =	vst v63  }
0x95: {  	_ =	swait.ge [sflag:s11], $0x800  }
0x96: {  	[sflag:s11] =	ssyncset.done $0x0  }
0x97: {  	s12 =	sadd.s32 $0x2A80, s25;
	[sflag:s11] =	ssyncadd.s32 $0xFFFFF800  }
0x98: {  	[spmem:s3] =	stream.indirect.scatter.add.f32 [tilespmem:s30], [sflag:$0xE], $0x10, s12, s15, $0xb8;
	[tilespmem:$0xDE40] =	vst v63  }
0x99: {  	_ =	swait.ge [sflag:s23], $0x800  }
0x9a: {  	[sflag:s23] =	ssyncset.done $0x0  }
0x9b: {  	s12 =	sadd.s32 $0x480, s25;
	[sflag:s23] =	ssyncadd.s32 $0xFFFFF800  }
0x9c: {  	[tilespmem:s17], [sflag:$0x2] =	stream.indirect.gather [hbm4b:s1+s15], $0x10, s12, s15, $0xb8;
	[tilespmem:$0xDE40] =	vst v63  }
0x9d: {  	_ =	swait.ge [sflag:s28], $0x800  }
0x9e: {  	[sflag:s28] =	ssyncset.done $0x0  }
0x9f: {  	s12 =	sadd.s32 $0x2B00, s25;
	[sflag:s28] =	ssyncadd.s32 $0xFFFFF800  }
0xa0: {  	[spmem:s3] =	stream.indirect.scatter.add.f32 [tilespmem:s18], [sflag:$0xF], $0x10, s12, s15, $0xb8;
	[tilespmem:$0xDE40] =	vst v63  }
0xa1: {  	_ =	swait.ge [sflag:s4], $0x800  }
0xa2: {  	[sflag:s4] =	ssyncset.done $0x0  }
0xa3: {  	s12 =	sadd.s32 $0x500, s25;
	[sflag:s4] =	ssyncadd.s32 $0xFFFFF800  }
0xa4: {  	[tilespmem:s19], [sflag:$0x3] =	stream.indirect.gather [hbm4b:s1+s15], $0x10, s12, s15, $0xb8;
	[tilespmem:$0xDE40] =	vst v63  }
0xa5: {  	_ =	swait.ge [sflag:s5], $0x800  }
0xa6: {  	[sflag:s5] =	ssyncset.done $0x0  }
0xa7: {  	s12 =	sadd.s32 $0x2B80, s25;
	[sflag:s5] =	ssyncadd.s32 $0xFFFFF800  }
0xa8: {  	[spmem:s3] =	stream.indirect.scatter.add.f32 [tilespmem:s29], [sflag:$0x10], $0x10, s12, s15, $0xb8;
	[tilespmem:$0xDE40] =	vst v63  }
0xa9: {  	_ =	swait.ge [sflag:s10], $0x800  }
0xaa: {  	[sflag:s10] =	ssyncset.done $0x0  }
0xab: {  	s12 =	sadd.s32 $0x580, s25;
	[sflag:s10] =	ssyncadd.s32 $0xFFFFF800  }
0xac: {  	[tilespmem:s21], [sflag:$0x4] =	stream.indirect.gather [hbm4b:s1+s15], $0x10, s12, s15, $0xb8;
	[tilespmem:$0xDE40] =	vst v63  }
0xad: {  	_ =	swait.ge [sflag:s22], $0x800  }
0xae: {  	[sflag:s22] =	ssyncset.done $0x0  }
0xaf: {  	s12 =	sadd.s32 $0x2C00, s25;
	[sflag:s22] =	ssyncadd.s32 $0xFFFFF800  }
0xb0: {  	[spmem:s3] =	stream.indirect.scatter.add.f32 [tilespmem:s16], [sflag:$0x9], $0x10, s12, s15, $0xb8;
	[tilespmem:$0xDE40] =	vst v63  }
0xb1: {  	_ =	swait.ge [sflag:s6], $0x800  }
0xb2: {  	[sflag:s6] =	ssyncset.done $0x0  }
0xb3: {  	s12 =	sadd.s32 $0x600, s25;
	[sflag:s6] =	ssyncadd.s32 $0xFFFFF800  }
0xb4: {  	[tilespmem:s24], [sflag:$0x5] =	stream.indirect.gather [hbm4b:s1+s15], $0x10, s12, s15, $0xb8;
	[tilespmem:$0xDE40] =	vst v63  }
0xb5: {  	_ =	swait.ge [sflag:s26], $0x800  }
0xb6: {  	[sflag:s26] =	ssyncset.done $0x0  }
0xb7: {  	s12 =	sadd.s32 $0x2C80, s25;
	[sflag:s26] =	ssyncadd.s32 $0xFFFFF800  }
0xb8: {  	[spmem:s3] =	stream.indirect.scatter.add.f32 [tilespmem:s17], [sflag:$0xA], $0x10, s12, s15, $0xb8;
	[tilespmem:$0xDE40] =	vst v63  }
0xb9: {  	_ =	swait.ge [sflag:s7], $0x800  }
0xba: {  	[sflag:s7] =	ssyncset.done $0x0  }
0xbb: {  	s12 =	sadd.s32 $0x680, s25;
	[sflag:s7] =	ssyncadd.s32 $0xFFFFF800  }
0xbc: {  	[tilespmem:s30], [sflag:$0x6] =	stream.indirect.gather [hbm4b:s1+s15], $0x10, s12, s15, $0xb8;
	[tilespmem:$0xDE40] =	vst v63  }
0xbd: {  	_ =	swait.ge [sflag:s31], $0x800  }
0xbe: {  	[sflag:s31] =	ssyncset.done $0x0  }
0xbf: {  	s12 =	sadd.s32 $0x2D00, s25;
	[sflag:s31] =	ssyncadd.s32 $0xFFFFF800  }
0xc0: {  	[spmem:s3] =	stream.indirect.scatter.add.f32 [tilespmem:s19], [sflag:$0xB], $0x10, s12, s15, $0xb8;
	[tilespmem:$0xDE40] =	vst v63  }
0xc1: {  	_ =	swait.ge [sflag:s8], $0x800  }
0xc2: {  	[sflag:s8] =	ssyncset.done $0x0  }
0xc3: {  	s12 =	sadd.s32 $0x700, s25;
	[sflag:s8] =	ssyncadd.s32 $0xFFFFF800  }
0xc4: {  	[tilespmem:s18], [sflag:$0x7] =	stream.indirect.gather [hbm4b:s1+s15], $0x10, s12, s15, $0xb8;
	[tilespmem:$0xDE40] =	vst v63  }
0xc5: {  	_ =	swait.ge [sflag:s20], $0x800  }
0xc6: {  	[sflag:s20] =	ssyncset.done $0x0  }
.Ltmp1:
0xc7: {  	s12 =	sadd.s32 $0x2D80, s25;
	[sflag:s20] =	ssyncadd.s32 $0xFFFFF800;
	(pc) =	sbr.rel @p0 .LBB2_4-.Ltmp1, $4  }
0xc8: {  	[spmem:s3] =	stream.indirect.scatter.add.f32 [tilespmem:s21], [sflag:$0xC], $0x10, s12, s15, $0xb8;
	[tilespmem:$0xDE40] =	vst v63  }
0xc9: {  	_ =	swait.ge [sflag:s9], $0x800  }
0xca: {  	[sflag:s9] =	ssyncset.done $0x0  }
0xcb: {  	s25 =	sadd.s32 $0x780, s25;
	[sflag:s9] =	ssyncadd.s32 $0xFFFFF800  }
0xcc: {  	[tilespmem:s29], [sflag:$0x8] =	stream.indirect.gather [hbm4b:s1+s15], $0x10, s25, s15, $0xb8;
	[tilespmem:$0xDE40] =	vst v63  }
0xcd: {  	_ =	swait.ge [sflag:s0], $0x800  }
0xce: {  	[sflag:s0] =	ssyncset.done $0x0  }
0xcf: {  	s12 =	simm.s32 $0x4E00;
	[sflag:s0] =	ssyncadd.s32 $0xFFFFF800  }
0xd0: {  	[spmem:s3] =	stream.indirect.scatter.add.f32 [tilespmem:s24], [sflag:$0xD], $0x10, s12, s15, $0xb8;
	[tilespmem:$0xDE40] =	vst v63  }
0xd1: {  	_ =	swait.ge [sflag:s2], $0x800  }
0xd2: {  	[sflag:s2] =	ssyncset.done $0x0  }
0xd3: {  	s12 =	simm.s32 $0x2780;
	[sflag:s2] =	ssyncadd.s32 $0xFFFFF800  }
0xd4: {  	[tilespmem:s16], [sflag:$0x1] =	stream.indirect.gather [hbm4b:s1+s15], $0x10, s12, s15, $0xb8;
	[tilespmem:$0xDE40] =	vst v63  }
0xd5: {  	_ =	swait.ge [sflag:s11], $0x800  }
0xd6: {  	[sflag:s11] =	ssyncset.done $0x0  }
0xd7: {  	s14 =	simm.s32 $0x4E80;
	[sflag:s11] =	ssyncadd.s32 $0xFFFFF800  }
0xd8: {  	[spmem:s3] =	stream.indirect.scatter.add.f32 [tilespmem:s30], [sflag:$0xE], $0x10, s14, s15, $0xb8;
	[tilespmem:$0xDE40] =	vst v63  }
0xd9: {  	_ =	swait.ge [sflag:s23], $0x800  }
0xda: {  	[sflag:s23] =	ssyncset.done $0x0  }
0xdb: {  	[sflag:s23] =	ssyncadd.s32 $0xFFFFF800  }
0xdc: {  	[tilespmem:s17], [sflag:$0x2] =	stream.indirect.gather [hbm4b:s1+s15], $0x10, s12, s15, $0xb8;
	[tilespmem:$0xDE40] =	vst v63  }
0xdd: {  	_ =	swait.ge [sflag:s28], $0x800  }
0xde: {  	[sflag:s28] =	ssyncset.done $0x0  }
0xdf: {  	s25 =	simm.s32 $0x4F00;
	[sflag:s28] =	ssyncadd.s32 $0xFFFFF800  }
0xe0: {  	[spmem:s3] =	stream.indirect.scatter.add.f32 [tilespmem:s18], [sflag:$0xF], $0x10, s25, s15, $0xb8;
	[tilespmem:$0xDE40] =	vst v63  }
0xe1: {  	_ =	swait.ge [sflag:s4], $0x800  }
0xe2: {  	[sflag:s4] =	ssyncset.done $0x0  }
0xe3: {  	[sflag:s4] =	ssyncadd.s32 $0xFFFFF800  }
0xe4: {  	[tilespmem:s19], [sflag:$0x3] =	stream.indirect.gather [hbm4b:s1+s15], $0x10, s12, s15, $0xb8;
	[tilespmem:$0xDE40] =	vst v63  }
0xe5: {  	_ =	swait.ge [sflag:s5], $0x800  }
0xe6: {  	[sflag:s5] =	ssyncset.done $0x0  }
0xe7: {  	s25 =	simm.s32 $0x4F80;
	[sflag:s5] =	ssyncadd.s32 $0xFFFFF800  }
0xe8: {  	[spmem:s3] =	stream.indirect.scatter.add.f32 [tilespmem:s29], [sflag:$0x10], $0x10, s25, s15, $0xb8;
	[tilespmem:$0xDE40] =	vst v63  }
0xe9: {  	_ =	swait.ge [sflag:s10], $0x800  }
0xea: {  	[sflag:s10] =	ssyncset.done $0x0  }
0xeb: {  	[sflag:s10] =	ssyncadd.s32 $0xFFFFF800  }
0xec: {  	[tilespmem:s21], [sflag:$0x4] =	stream.indirect.gather [hbm4b:s1+s15], $0x10, s12, s15, $0xb8;
	[tilespmem:$0xDE40] =	vst v63  }
0xed: {  	_ =	swait.ge [sflag:s22], $0x800  }
0xee: {  	[sflag:s22] =	ssyncset.done $0x0  }
0xef: {  	[sflag:s22] =	ssyncadd.s32 $0xFFFFF800  }
0xf0: {  	_ =	swait.ge [sflag:s26], $0x800  }
0xf1: {  	[sflag:s26] =	ssyncset.done $0x0  }
0xf2: {  	[sflag:s26] =	ssyncadd.s32 $0xFFFFF800  }
0xf3: {  	_ =	swait.ge [sflag:s31], $0x800  }
0xf4: {  	[sflag:s31] =	ssyncset.done $0x0  }
0xf5: {  	[sflag:s31] =	ssyncadd.s32 $0xFFFFF800  }
0xf6: {  	_ =	swait.ge [sflag:s20], $0x800  }
0xf7: {  	[sflag:s20] =	ssyncset.done $0x0  }
0xf8: {  	[sflag:s20] =	ssyncadd.s32 $0xFFFFF800  }
0xf9: {  	_ =	swait.ge [sflag:s6], $0x800  }
0xfa: {  	[sflag:s6] =	ssyncset.done $0x0  }
0xfb: {  	[sflag:s6] =	ssyncadd.s32 $0xFFFFF800  }
0xfc: {  	_ =	swait.ge [sflag:s7], $0x800  }
0xfd: {  	[sflag:s7] =	ssyncset.done $0x0  }
0xfe: {  	[sflag:s7] =	ssyncadd.s32 $0xFFFFF800  }
0xff: {  	_ =	swait.ge [sflag:s8], $0x800  }
0x100: {  	[sflag:s8] =	ssyncset.done $0x0  }
0x101: {  	[sflag:s8] =	ssyncadd.s32 $0xFFFFF800  }
0x102: {  	_ =	swait.ge [sflag:s9], $0x800  }
0x103: {  	[sflag:s9] =	ssyncset.done $0x0  }
0x104: {  	[sflag:s9] =	ssyncadd.s32 $0xFFFFF800  }
0x105: {  	s14 =	stileid.u32;
	[bflag:$0x0] =	sbarrier.arrive $0xFFFF  }
0x106: {  	s12 =	sshll.u32 s14, $0x6;
	s14 =	rddreg [dreg:$0x7]  }
0x107: {  	s12 =	sor.u32 $0x1C13, s12;
	s25 =	rddreg [dreg:$0x9]  }
0x108: {  	[hbm:s14], [sflag:s12] =	dma.local [spmem:s25], $0x4E2  }
0x109: {  	s14 =	simm.s32 $0x13  }
0x10a: {  	_ =	swait.ge [sflag:s14], $0x4E2  }
0x10b: {  	s13 =	sadd.s32 $0x1, s13;
	s25 =	rddreg [dreg:$0x8]  }
0x10c: {  	p0 =	sne.s32 s13, s25  }
.Ltmp2:
0x10d: {  	_ = 	snop;
	(pc) =	sbr.rel @p0 .LBB2_1-.Ltmp2, $3  }
0x10e: {  	_ =	sdelay $0x1  }
0x10f: {  	[sflag:s14] =	ssyncset.done $0x0  }
0x110: {  	[sflag:s14] =	ssyncadd.s32 $0xFFFFFB1E  }
0x111: {  	_ =	sfence.sel $0x180000  }
0x112: {  	[bflag:$0x0] =	sbarrier.arrive $0xFFFF  }
0x113: {  	_ =	strace $0x9000004D  }
0x114: {  	s0 =	stileid.u32;
	[bflag:$0x2] =	sbarrier.arrive $0xFFFF  }
0x115: {  	p0 =	sne.s32 s0, $0x0;
	s0 =	rddreg [dreg:$0x3]  }
0x116: {  	s0 =	sadd.s32 @!p0 $0x100000, s0  }
0x117: {  	[sflag:s0] =	ssyncadd.tile.s32 @!p0 $0x1;
	_ =	shalt  }
.Lfunc_end2:
_tile_overlayer_lowered:
.L_overlay_start_2:
0x118: {  	(tag) =	ssettag $0x2  }
0x119: {  	s0 =	rddreg [dreg:$0x0];
	s2 =	stileid.u32  }
0x11a: {  	s1 =	rddreg [dreg:$0x1];
	p0 =	sne.s32 s2, $0x0  }
0x11b: {  	s3 =	rddreg [dreg:$0x2];
	[bflag:$0x3] =	sbarrier.arrive $0xFFFF;
	s2 =	simm.s32 @!p0 $0x1C13  }
0x11c: {  	[timem:s3], [sflag:s2] =	dma.local @!p0 [hbm:s0], s1  }
0x11d: {  	s0 =	simm.s32 @!p0 $0x13  }
0x11e: {  	_ =	swait.ge @!p0 [sflag:s0], s1  }
0x11f: {  	s1 =	ssub.s32 @!p0 $0x0, s1;
	[sflag:s0] =	ssyncset.done @!p0 $0x0  }
0x120: {  	[sflag:s0] =	ssyncadd.s32 @!p0 s1  }
0x121: {  	[bflag:$0x3] =	sbarrier.arrive $0xFFFF  }
0x122: {  	_ =	shalt  }

// kernel: kernel.8.cloned.1.call-start
scs
__scs_entry_jumppad:
0x0: {  	(pc) =	sbr.rel $0x88, $3  }
0x1: {  	(tag) =	ssettag $0x0;
	lr =	simm.s32 $0x1  }
0x2: {  	[smem:$0x3F9B] =	sst lr;
	_ =	strace $0xD0000000  }
0x3: {  	_ = 	snop  }
0x4: {  	_ = 	snop  }
0x5: {  	_ = 	snop  }
0x6: {  	_ = 	snop  }
0x7: {  	_ = 	snop  }
__scs_overlays_trampoline_lowered:
0x8: {  	[smem:$0x3FAA] =	sst s0  }
0x9: {  	[smem:$0x3FAB] =	sst s1  }
0xa: {  	[smem:$0x3FAC] =	sst s2  }
0xb: {  	[smem:$0x3FAD] =	sst s3  }
0xc: {  	[smem:$0x3FAE] =	sst s4  }
0xd: {  	[smem:$0x3FAF] =	sst s5  }
0xe: {  	[smem:$0x3FB0] =	sst s6  }
0xf: {  	[smem:$0x3FB1] =	sst s7  }
0x10: {  	[smem:$0x3FB2] =	sst s8  }
0x11: {  	[smem:$0x3FB3] =	sst s9;
	s0 =	simm.s32 @!p0 $0x0  }
0x12: {  	s1 =	sld [smem:$0x3F99];
	s0 =	simm.s32 @p0 $0x1  }
0x13: {  	[smem:$0x3FB4] =	sst s0;
	s0 =	simm.s32 @!p1 $0x0  }
0x14: {  	s2 =	sld [smem:$0x3F98];
	s0 =	simm.s32 @p1 $0x1  }
0x15: {  	[smem:$0x3FB5] =	sst s0;
	s0 =	simm.s32 @!p2 $0x0  }
0x16: {  	s3 =	sld [smem:$0x3FDB];
	s0 =	simm.s32 @p2 $0x1  }
0x17: {  	s4 =	simm.s32 $0x1BF5;
	[smem:$0x3FB7] =	sst s0  }
0x18: {  	s0 =	sld [smem:$0x3F9A];
	_ =	swait.ge [sflag:s4], $0x0  }
0x19: {  	s7 =	sld [smem:$0x3F9B]  }
0x1a: {  	s8 =	sadd.s32 $0xFFFFE003, lr  }
0x1b: {  	s9 =	sadd.s32 $0xFFFFFEF7, lr;
	s5 =	simm.s32 $0xFFFFFFFF;
	p2 =	slt.u32 s8, $0xFFFFF086  }
0x1c: {  	p1 =	slt.u32 s9, $0xF7A;
	s5 =	simm.s32 @!p2 $0x0  }
0x1d: {  	s5 =	simm.s32 @p1 $0x1;
	p0 =	seq.s32 s7, s2  }
0x1e: {  	s7 =	smul.u32 @!p0 $0xF7A, s2;
	p2 =	seq.s32 @!p0 s5, $0x0  }
0x1f: {  	s9 =	smul.u32 $0xF7A, s1;
	s8 =	simm.s32 @!p0 $0x1BF5;
	p2 =	por !p2, p0  }
0x20: {  	[sflag:s8] =	ssyncset.s32 @!p0 $0xFFFFF086;
	s6 =	sadd.s32 @!p0 s3, s7;
	s7 =	simm.s32 @!p0 $0x108  }
0x21: {  	s3 =	sadd.s32 s3, s9;
	s6 =	sadd.s32 @!p0 $0x88, s6;
	s7 =	simm.s32 @p2 $0x1082  }
0x22: {  	[simem:s7], [sflag:s8] =	dma.local @!p0 [hbm:s6], $0xF7A  }
0x23: {  	s9 =	sor.u32 $0xD0000000, s2;
	s6 =	simm.s32 $0x108;
	_ =	swait.ge @!p0 [sflag:s8], $0x0  }
0x24: {  	s3 =	sadd.s32 $0x88, s3;
	s6 =	simm.s32 @!p1 $0x1082;
	[sflag:s4] =	ssyncset.s32 $0xFFFFF086  }
0x25: {  	[simem:s6], [sflag:s4] =	dma.local [hbm:s3], $0xF7A  }
0x26: {  	[smem:$0x3F9B] =	sst s1;
	(tag) =	ssettag s2;
	_ =	strace s9  }
0x27: {  	s1 =	sld [smem:$0x3FAB]  }
0x28: {  	s2 =	sld [smem:$0x3FAC]  }
0x29: {  	s4 =	sld [smem:$0x3FAE]  }
0x2a: {  	p0 =	seq.s32 s5, $0x0;
	s5 =	sld [smem:$0x3FAF]  }
0x2b: {  	s6 =	sld [smem:$0x3FB0]  }
0x2c: {  	s7 =	sld [smem:$0x3FB1]  }
0x2d: {  	s3 =	simm.s32 $0x108;
	s8 =	sld [smem:$0x3FB2]  }
0x2e: {  	s3 =	simm.s32 @!p0 $0x1082;
	s9 =	sld [smem:$0x3FB3]  }
0x2f: {  	lr =	sadd.s32 s0, s3;
	s0 =	sld [smem:$0x3FAA]  }
0x30: {  	s3 =	sld [smem:$0x3FAD]  }
0x31: {  	[smem:$0x3FB6] =	sst s10  }
0x32: {  	s10 =	sld [smem:$0x3FB4];
	_ =	sdelay $0x3  }
0x33: {  	p0 =	seq.s32 s10, $0x1;
	s10 =	sld [smem:$0x3FB6];
	_ =	sdelay $0x3  }
0x34: {  	[smem:$0x3FB6] =	sst s10  }
0x35: {  	s10 =	sld [smem:$0x3FB5];
	_ =	sdelay $0x3  }
0x36: {  	p1 =	seq.s32 s10, $0x1;
	s10 =	sld [smem:$0x3FB6];
	_ =	sdelay $0x3  }
0x37: {  	[smem:$0x3FB6] =	sst s10  }
0x38: {  	s10 =	sld [smem:$0x3FB7]  }
0x39: {  	_ = 	snop;
	(pc) =	sbr.ind lr, $3  }
0x3a: {  	_ = 	snop  }
0x3b: {  	_ = 	snop  }
0x3c: {  	p2 =	seq.s32 s10, $0x1;
	s10 =	sld [smem:$0x3FB6]  }
0x3d: {  	_ =	shalt  }
0x3e: {  	_ =	shalt  }
0x3f: {  	_ =	shalt  }
0x40: {  	_ =	shalt  }
0x41: {  	_ =	shalt  }
0x42: {  	_ =	shalt  }
0x43: {  	_ =	shalt  }
0x44: {  	_ =	shalt  }
0x45: {  	_ =	shalt  }
0x46: {  	_ =	shalt  }
0x47: {  	_ =	shalt  }
0x48: {  	_ =	shalt  }
0x49: {  	_ =	shalt  }
0x4a: {  	_ =	shalt  }
0x4b: {  	_ =	shalt  }
0x4c: {  	_ =	shalt  }
0x4d: {  	_ =	shalt  }
0x4e: {  	_ =	shalt  }
0x4f: {  	_ =	shalt  }
0x50: {  	_ =	shalt  }
0x51: {  	_ =	shalt  }
0x52: {  	_ =	shalt  }
0x53: {  	_ =	shalt  }
0x54: {  	_ =	shalt  }
0x55: {  	_ =	shalt  }
0x56: {  	_ =	shalt  }
0x57: {  	_ =	shalt  }
0x58: {  	_ =	shalt  }
0x59: {  	_ =	shalt  }
0x5a: {  	_ =	shalt  }
0x5b: {  	_ =	shalt  }
0x5c: {  	_ =	shalt  }
0x5d: {  	_ =	shalt  }
0x5e: {  	_ =	shalt  }
0x5f: {  	_ =	shalt  }
0x60: {  	_ =	shalt  }
0x61: {  	_ =	shalt  }
0x62: {  	_ =	shalt  }
0x63: {  	_ =	shalt  }
0x64: {  	_ =	shalt  }
0x65: {  	_ =	shalt  }
0x66: {  	_ =	shalt  }
0x67: {  	_ =	shalt  }
0x68: {  	_ =	shalt  }
0x69: {  	_ =	shalt  }
0x6a: {  	_ =	shalt  }
0x6b: {  	_ =	shalt  }
0x6c: {  	_ =	shalt  }
0x6d: {  	_ =	shalt  }
0x6e: {  	_ =	shalt  }
0x6f: {  	_ =	shalt  }
0x70: {  	_ =	shalt  }
0x71: {  	_ =	shalt  }
0x72: {  	_ =	shalt  }
0x73: {  	_ =	shalt  }
0x74: {  	_ =	shalt  }
0x75: {  	_ =	shalt  }
0x76: {  	_ =	shalt  }
0x77: {  	_ =	shalt  }
0x78: {  	_ =	shalt  }
0x79: {  	_ =	shalt  }
0x7a: {  	_ =	shalt  }
0x7b: {  	_ =	shalt  }
0x7c: {  	_ =	shalt  }
0x7d: {  	_ =	shalt  }
0x7e: {  	_ =	shalt  }
0x7f: {  	_ =	shalt  }
0x80: {  	_ =	shalt  }
0x81: {  	_ =	shalt  }
0x82: {  	_ =	shalt  }
0x83: {  	_ =	shalt  }
0x84: {  	_ =	shalt  }
0x85: {  	_ =	shalt  }
0x86: {  	_ =	shalt  }
0x87: {  	_ =	shalt  }
.Lfunc_end0:
.L_simem_size_0:
called_computation_lowered:
.L_overlay_start_0:
0x88: {  	s2 =	sld [smem:$0x3FD9]  }
0x89: {  	s3 =	sld [smem:$0x3FFE];
	_ =	sdelay $0x1  }
0x8a: {  	s1 =	srdreg.scid  }
0x8b: {  	s0 =	sand.u32 $0x1, s1  }
0x8c: {  	s17 =	sshll.u32 s0, $0xA;
	s2 =	sadd.s32 s3, s2  }
0x8d: {  	s2 =	sadd.s32 s2, s17  }
0x8e: {  	[smem:$0x3FC2] =	sst s2  }
0x8f: {  	_ = 	snop  }
0x90: {  	s2 =	sld [smem:$0x3FD0];
	(tm) =	ssettm $0x1  }
0x91: {  	s18 =	sld [smem:$0x3FFB];
	_ =	sdelay $0x3  }
0x92: {  	_ =	strace s18  }
0x93: {  	s3 =	sld [smem:$0x3FFC];
	_ =	sdelay $0x3  }
0x94: {  	_ =	strace s3  }
0x95: {  	s3 =	sld [smem:$0x3FFD];
	_ =	sdelay $0x3  }
0x96: {  	_ =	strace s3  }
0x97: {  	_ =	strace $0x8FFFFFFF  }
0x98: {  	s19 =	sld [smem:$0x3FDB];
	_ =	sdelay $0x1  }
0x99: {  	s4 =	simm.s32 $_scs_section_size  }
0x9a: {  	s5 =	simm.s32 $_size__tile_overlayer_lowered;
	s6 =	simm.s32 $_tile_overlayer_lowered  }
0x9b: {  	s22 =	simm.s32 $0x1BFF;
	s21 =	sshll.u32 s6, $0x1;
	s3 =	sadd.s32 s4, s19  }
0x9c: {  	s7 =	simm.s32 $0x0;
	s20 =	sshll.u32 s5, $0x1;
	s5 =	sadd.s32 s21, s3  }
0x9d: {  	[timem:s7], [sflag:s22] =	dma.local [hbm:s5], s20  }
0x9e: {  	_ =	swait.ge [sflag:s22], s20  }
0x9f: {  	s4 =	ssub.s32 $0x0, s20;
	[sflag:s22] =	ssyncset.done $0x0  }
0xa0: {  	[sflag:s22] =	ssyncadd.s32 s4;
	_ =	sdelay $0x1  }
0xa1: {  	s23 =	simm.s32 $0x1B8B  }
0xa2: {  	_ =	swait.ge [sflag:s23], $0x1  }
0xa3: {  	[sflag:s23] =	ssyncset.done $0x0  }
0xa4: {  	s25 =	simm.s32 $0x1B8E;
	s24 =	sld [smem:$0x3FFE];
	[sflag:s23] =	ssyncadd.s32 $0xFFFFFFFF  }
0xa5: {  	s26 =	simm.s32 $execute0_lowered;
	[smem:$0x3FD2] =	sst s25  }
0xa6: {  	s5 =	sshll.u32 s26, $0x1;
	_ =	strace $0x80000046;
	[dreg:$0x1] =	wrdreg $0xFFFFFFFF  }
0xa7: {  	s28 =	simm.s32 $_size_execute0_lowered;
	s3 =	sadd.s32 s3, s5;
	[dreg:$0x0] =	wrdreg $0x0  }
0xa8: {  	s5 =	sshll.u32 s28, $0x1;
	[dreg:$0x2] =	wrdreg s3  }
0xa9: {  	[dreg:$0x3] =	wrdreg s5  }
0xaa: {  	[dreg:$0x4] =	wrdreg $0xC0  }
0xab: {  	_ =	task [dreg:s7], $0x5FFFF  }
0xac: {  	[dreg:$0x1] =	wrdreg $0xFFFFFFFF  }
0xad: {  	[dreg:$0x0] =	wrdreg $0x60  }
0xae: {  	[dreg:$0x2] =	wrdreg s24  }
0xaf: {  	[dreg:$0x3] =	wrdreg s2  }
0xb0: {  	[dreg:$0x4] =	wrdreg $0x54400  }
0xb1: {  	[dreg:$0x5] =	wrdreg $0x9  }
0xb2: {  	_ =	task.clear_ibuf [dreg:s7], $0x6FFFF;
	_ =	strace $0x90000046  }
0xb3: {  	s29 =	simm.s32 $0x9;
	_ =	strace $0x80000048  }
0xb4: {  	_ =	swait.ge [sflag:s29], $0x1  }
0xb5: {  	[sflag:s29] =	ssyncadd.s32 $0xFFFFFFFF  }
0xb6: {  	_ =	strace $0x90000048  }
0xb7: {  	_ =	sfence  }
0xb8: {  	s30 =	sld [smem:$0x0];
	_ =	sdelay $0x2  }
0xb9: {  	s31 =	sshll.u32 s1, $0xD;
	s1 =	sshrl.u32 s1, $0x2  }
0xba: {  	s3 =	sand.u32 $0x4000, s31;
	s1 =	sadd.s32 s1, s30  }
0xbb: {  	s0 =	sor.u32 s3, s0;
	s1 =	sshll.u32 s1, $0x11  }
0xbc: {  	s0 =	sor.u32 s1, s0  }
0xbd: {  	s0 =	sadd.s32 $0x8F2B, s0  }
0xbe: {  	[sflag:s0] =	ssyncadd.remote.s32 $0x1  }
0xbf: {  	_ =	sfence.sel $0xFFFF  }
0xc0: {  	[dreg:$0x0] =	wrdreg $0xFFFFFFFF;
	(pc) =	sbr.abs _section_cstart, $3  }
0xc1: {  	[dreg:$0x1] =	wrdreg $0xFFFFFFFF  }
0xc2: {  	_ =	task.clear_ibuf [dreg:s7], $0x2FFFF;
	_ =	strace $0x9FFFFFFF  }
0xc3: {  	(tm) =	ssettm $0x7FFFFFFF  }
tec
execute0_lowered:
.L_overlay_start_1:
0x0: {  	(tag) =	ssettag $0x1  }
0x1: {  	s4 =	rddreg [dreg:$0x0]  }
0x2: {  	s7 =	rddreg [dreg:$0x1]  }
0x3: {  	s2 =	rddreg [dreg:$0x2]  }
0x4: {  	s0 =	rddreg [dreg:$0x3];
	s5 =	srdreg.scid  }
0x5: {  	s3 =	simm.s32 $0x0;
	s1 =	stileid.u32;
	s10 =	simm.s32 $0x6  }
0x6: {  	s11 =	simm.s32 $0x5;
	s12 =	simm.s32 $0x80;
	s13 =	simm.s32 $0x5000  }
0x7: {  	s14 =	simm.s32 $0x100;
	s15 =	simm.s32 $0x180;
	s16 =	simm.s32 $0x1  }
0x8: {  	s17 =	simm.s32 $0x2;
	s18 =	simm.s32 $0x3;
	s19 =	simm.s32 $0x4  }
0x9: {  	s20 =	simm.s32 $0x5300;
	s21 =	simm.s32 $0x0;
	s5 =	sand.u32 $0x1, s5  }
0xa: {  	[smem:$0x7FF] =	sst s3;
	s6 =	smul.u32 $0xA00, s1;
	s8 =	sshll.u32 s5, $0x4  }
0xb: {  	_ =	strace $0x80000047;
	s5 =	ssub.s32 $0x2, s5;
	s8 =	sor.u32 s1, s8  }
0xc: {  	s4 =	sadd.s32 s6, s4;
	s9 =	sshrl.u32 s5, $0x1;
	s8 =	smul.u32 $0x140, s8  }
0xd: {  	s31 =	sshrl.u32 s6, $0x2;
	s9 =	ssub.s32 s5, s9;
	s4 =	sadd.s32 $0x1600, s4  }
0xe: {  	s5 =	sadd.s32 s31, s2;
	s6 =	sadd.s32 s8, s2;
	s8 =	sshrl.u32 s8, $0x3  }
0xf: {  	v0 =	vimm.f32 $1.000000000e+00;
	v1 =	vimm.f32 $0.0e+00;
	s7 =	sadd.s32 s7, s8;
	s8 =	smax.u32 s9, $0x1;
	s9 =	simm.s32 $0x5080  }
.LBB2_1:
0x10: {  	[tilespmem:s3], [sflag:$0x5] =	stream.linear.gather [hbm4b:s4+s3], $0x5000, $0x38;
	[tilespmem:$0x56C0] =	vst v63  }
0x11: {  	[tilespmem:$0x5000] =	vst v0  }
0x12: {  	[tilespmem:$0x5010] =	vst v0  }
0x13: {  	[tilespmem:$0x5020] =	vst v0  }
0x14: {  	[tilespmem:$0x5030] =	vst v0  }
0x15: {  	[tilespmem:$0x5040] =	vst v0  }
0x16: {  	[tilespmem:$0x5050] =	vst v0  }
0x17: {  	[tilespmem:$0x5060] =	vst v0  }
0x18: {  	[tilespmem:$0x5070] =	vst v0  }
0x19: {  	[tilespmem:$0x5080] =	vst v1  }
0x1a: {  	[tilespmem:$0x5090] =	vst v1  }
0x1b: {  	[tilespmem:$0x50A0] =	vst v1  }
0x1c: {  	[tilespmem:$0x50B0] =	vst v1  }
0x1d: {  	[tilespmem:$0x50C0] =	vst v1  }
0x1e: {  	[tilespmem:$0x50D0] =	vst v1  }
0x1f: {  	[tilespmem:$0x50E0] =	vst v1  }
0x20: {  	[tilespmem:$0x50F0] =	vst v1  }
0x21: {  	[tilespmem:$0x5100] =	vst v1  }
0x22: {  	[tilespmem:$0x5110] =	vst v1  }
0x23: {  	[tilespmem:$0x5120] =	vst v1  }
0x24: {  	[tilespmem:$0x5130] =	vst v1  }
0x25: {  	[tilespmem:$0x5140] =	vst v1  }
0x26: {  	[tilespmem:$0x5150] =	vst v1  }
0x27: {  	[tilespmem:$0x5160] =	vst v1  }
0x28: {  	[tilespmem:$0x5170] =	vst v1  }
0x29: {  	[tilespmem:$0x5180] =	vst v1  }
0x2a: {  	[tilespmem:$0x5190] =	vst v1  }
0x2b: {  	[tilespmem:$0x51A0] =	vst v1  }
0x2c: {  	[tilespmem:$0x51B0] =	vst v1  }
0x2d: {  	[tilespmem:$0x51C0] =	vst v1  }
0x2e: {  	[tilespmem:$0x51D0] =	vst v1  }
0x2f: {  	[tilespmem:$0x51E0] =	vst v1  }
0x30: {  	[tilespmem:$0x51F0] =	vst v1  }
0x31: {  	[tilespmem:$0x5200] =	vst v1  }
0x32: {  	[tilespmem:$0x5210] =	vst v1  }
0x33: {  	[tilespmem:$0x5220] =	vst v1  }
0x34: {  	[tilespmem:$0x5230] =	vst v1  }
0x35: {  	[tilespmem:$0x5240] =	vst v1  }
0x36: {  	[tilespmem:$0x5250] =	vst v1  }
0x37: {  	[tilespmem:$0x5260] =	vst v1  }
0x38: {  	[tilespmem:$0x5270] =	vst v1  }
0x39: {  	[tilespmem:$0x5280] =	vst v1  }
0x3a: {  	[tilespmem:$0x5290] =	vst v1  }
0x3b: {  	[tilespmem:$0x52A0] =	vst v1  }
0x3c: {  	[tilespmem:$0x52B0] =	vst v1  }
0x3d: {  	[tilespmem:$0x52C0] =	vst v1  }
0x3e: {  	[tilespmem:$0x52D0] =	vst v1  }
0x3f: {  	[tilespmem:$0x52E0] =	vst v1  }
0x40: {  	[tilespmem:$0x52F0] =	vst v1  }
0x41: {  	[spmem:s5] =	stream.linear.scatter [tilespmem:s9], [sflag:$0x6], $0x280, $0x38;
	[tilespmem:$0x56C0] =	vst v63  }
0x42: {  	_ =	swait.ge [sflag:s10], $0x280  }
0x43: {  	[sflag:s10] =	ssyncset.done $0x0  }
0x44: {  	[sflag:s10] =	ssyncadd.s32 $0xFFFFFD80  }
0x45: {  	_ =	swait.ge [sflag:s11], $0x5000  }
0x46: {  	[sflag:s11] =	ssyncset.done $0x0  }
0x47: {  	[sflag:s11] =	ssyncadd.s32 $0xFFFFB000  }
0x48: {  	[bflag:$0x0] =	sbarrier.arrive $0xFFFF  }
0x49: {  	[spmem:s2] =	stream.indirect.scatter.add.f32 [tilespmem:s13], [sflag:$0x1], $0x1, s3, s12, $0xb8;
	[tilespmem:$0x56C0] =	vst v63  }
0x4a: {  	_ = 	snop  }
0x4b: {  	[spmem:s2] =	stream.indirect.scatter.add.f32 [tilespmem:s13], [sflag:$0x2], $0x1, s12, s12, $0xb8;
	[tilespmem:$0x56C0] =	vst v63  }
0x4c: {  	_ = 	snop  }
0x4d: {  	[spmem:s2] =	stream.indirect.scatter.add.f32 [tilespmem:s13], [sflag:$0x3], $0x1, s14, s12, $0xb8;
	[tilespmem:$0x56C0] =	vst v63  }
0x4e: {  	_ = 	snop  }
0x4f: {  	[spmem:s2] =	stream.indirect.scatter.add.f32 [tilespmem:s13], [sflag:$0x4], $0x1, s15, s12, $0xb8;
	[tilespmem:$0x56C0] =	vst v63  }
0x50: {  	_ =	swait.ge [sflag:s16], $0x80  }
0x51: {  	[sflag:s16] =	ssyncset.done $0x0  }
0x52: {  	s22 =	simm.s32 $0x200;
	[sflag:s16] =	ssyncadd.s32 $0xFFFFFF80  }
0x53: {  	[spmem:s2] =	stream.indirect.scatter.add.f32 [tilespmem:s13], [sflag:$0x1], $0x1, s22, s12, $0xb8;
	[tilespmem:$0x56C0] =	vst v63  }
0x54: {  	_ =	swait.ge [sflag:s17], $0x80  }
0x55: {  	[sflag:s17] =	ssyncset.done $0x0  }
0x56: {  	s30 =	simm.s32 $0x280;
	[sflag:s17] =	ssyncadd.s32 $0xFFFFFF80  }
0x57: {  	[spmem:s2] =	stream.indirect.scatter.add.f32 [tilespmem:s13], [sflag:$0x2], $0x1, s30, s12, $0xb8;
	[tilespmem:$0x56C0] =	vst v63  }
0x58: {  	_ =	swait.ge [sflag:s18], $0x80  }
0x59: {  	[sflag:s18] =	ssyncset.done $0x0  }
0x5a: {  	s31 =	simm.s32 $0x300;
	[sflag:s18] =	ssyncadd.s32 $0xFFFFFF80  }
0x5b: {  	[spmem:s2] =	stream.indirect.scatter.add.f32 [tilespmem:s13], [sflag:$0x3], $0x1, s31, s12, $0xb8;
	[tilespmem:$0x56C0] =	vst v63  }
0x5c: {  	_ =	swait.ge [sflag:s19], $0x80  }
0x5d: {  	[sflag:s19] =	ssyncset.done $0x0  }
0x5e: {  	s23 =	simm.s32 $0x380;
	s22 =	simm.s32 $0xFFFED000;
	[sflag:s19] =	ssyncadd.s32 $0xFFFFFF80  }
.LBB2_2:
0x5f: {  	[spmem:s2] =	stream.indirect.scatter.add.f32 [tilespmem:s13], [sflag:$0x4], $0x1, s23, s12, $0xb8;
	[tilespmem:$0x56C0] =	vst v63  }
0x60: {  	s23 =	smov.u32 s22  }
0x61: {  	p0 =	sne.s32 s22, $0xFFFFF800;
	s22 =	sadd.s32 $0x800, s22;
	_ =	swait.ge [sflag:s16], $0x80  }
0x62: {  	s23 =	sshra.s32 s23, $0x2;
	[sflag:s16] =	ssyncset.done $0x0  }
0x63: {  	s24 =	sadd.s32 $0x5000, s23;
	[sflag:s16] =	ssyncadd.s32 $0xFFFFFF80  }
0x64: {  	[spmem:s2] =	stream.indirect.scatter.add.f32 [tilespmem:s13], [sflag:$0x1], $0x1, s24, s12, $0xb8;
	[tilespmem:$0x56C0] =	vst v63  }
0x65: {  	_ =	swait.ge [sflag:s17], $0x80  }
0x66: {  	[sflag:s17] =	ssyncset.done $0x0  }
0x67: {  	s24 =	sadd.s32 $0x5080, s23;
	[sflag:s17] =	ssyncadd.s32 $0xFFFFFF80  }
0x68: {  	[spmem:s2] =	stream.indirect.scatter.add.f32 [tilespmem:s13], [sflag:$0x2], $0x1, s24, s12, $0xb8;
	[tilespmem:$0x56C0] =	vst v63  }
0x69: {  	_ =	swait.ge [sflag:s18], $0x80  }
0x6a: {  	[sflag:s18] =	ssyncset.done $0x0  }
.Ltmp0:
0x6b: {  	s24 =	sadd.s32 $0x5100, s23;
	[sflag:s18] =	ssyncadd.s32 $0xFFFFFF80;
	(pc) =	sbr.rel @p0 .LBB2_2-.Ltmp0, $4  }
0x6c: {  	[spmem:s2] =	stream.indirect.scatter.add.f32 [tilespmem:s13], [sflag:$0x3], $0x1, s24, s12, $0xb8;
	[tilespmem:$0x56C0] =	vst v63  }
0x6d: {  	_ =	swait.ge [sflag:s19], $0x80  }
0x6e: {  	[sflag:s19] =	ssyncset.done $0x0  }
0x6f: {  	s23 =	sadd.s32 $0x5180, s23;
	[sflag:s19] =	ssyncadd.s32 $0xFFFFFF80  }
0x70: {  	[spmem:s2] =	stream.indirect.scatter.add.f32 [tilespmem:s13], [sflag:$0x4], $0x1, s23, s12, $0xb8;
	[tilespmem:$0x56C0] =	vst v63  }
0x71: {  	_ =	swait.ge [sflag:s16], $0x80  }
0x72: {  	[sflag:s16] =	ssyncset.done $0x0  }
0x73: {  	[sflag:s16] =	ssyncadd.s32 $0xFFFFFF80  }
0x74: {  	_ =	swait.ge [sflag:s17], $0x80  }
0x75: {  	[sflag:s17] =	ssyncset.done $0x0  }
0x76: {  	[sflag:s17] =	ssyncadd.s32 $0xFFFFFF80  }
0x77: {  	_ =	swait.ge [sflag:s18], $0x80  }
0x78: {  	[sflag:s18] =	ssyncset.done $0x0  }
0x79: {  	[sflag:s18] =	ssyncadd.s32 $0xFFFFFF80  }
0x7a: {  	_ =	swait.ge [sflag:s19], $0x80  }
0x7b: {  	[sflag:s19] =	ssyncset.done $0x0  }
0x7c: {  	[sflag:s19] =	ssyncadd.s32 $0xFFFFFF80  }
0x7d: {  	[bflag:$0x0] =	sbarrier.arrive $0xFFFF  }
0x7e: {  	[tilespmem:s20], [sflag:$0x6] =	stream.linear.gather [spmem:s6], $0x140, $0x38;
	[tilespmem:$0x56C0] =	vst v63  }
0x7f: {  	_ =	swait.ge [sflag:s10], $0x140  }
0x80: {  	[sflag:s10] =	ssyncset.done $0x0  }
0x81: {  	s22 =	simm.s32 $0x0;
	s23 =	simm.s32 $0x40;
	[sflag:s10] =	ssyncadd.s32 $0xFFFFFEC0  }
.LBB2_4:
0x82: {  	p0 =	sne.s32 s23, $0x4C0;
	v2 =	vld [tilespmem:s22+$0x5300];
	_ =	sdelay $0x4  }
0x83: {  	v2 =	vadd.f32 $1.000000000e+00, v2;
	_ =	sdelay $0x1  }
0x84: {  	v3 =	vmul.f32 $5.000000000e-01, v2;
	v2 =	vshrl.u32 v2, $0x1  }
0x85: {  	v2 =	vsub.s32 $0x5F3759DF, v2  }
0x86: {  	v4 =	vmul.f32 v2, v3;
	_ =	sdelay $0x1  }
0x87: {  	v4 =	vmul.f32 v2, v4;
	_ =	sdelay $0x1  }
0x88: {  	v4 =	vsub.f32 $1.500000000e+00, v4;
	_ =	sdelay $0x1  }
0x89: {  	v2 =	vmul.f32 v2, v4;
	_ =	sdelay $0x1  }
0x8a: {  	v4 =	vmul.f32 v2, v3;
	_ =	sdelay $0x1  }
0x8b: {  	v4 =	vmul.f32 v4, v2;
	_ =	sdelay $0x1  }
0x8c: {  	v4 =	vsub.f32 $1.500000000e+00, v4;
	_ =	sdelay $0x1  }
0x8d: {  	v2 =	vmul.f32 v4, v2;
	_ =	sdelay $0x1  }
0x8e: {  	v3 =	vmul.f32 v2, v3;
	_ =	sdelay $0x1  }
0x8f: {  	v3 =	vmul.f32 v3, v2;
	_ =	sdelay $0x1  }
.Ltmp1:
0x90: {  	v3 =	vsub.f32 $1.500000000e+00, v3;
	(pc) =	sbr.rel @p0 .LBB2_4-.Ltmp1, $3  }
0x91: {  	_ = 	snop  }
0x92: {  	v2 =	vmul.f32 v3, v2;
	_ =	sdelay $0x1  }
0x93: {  	[tilespmem:s22+$0x5300] =	vst v2;
	s22 =	sshra.s32 s23, $0x2;
	s23 =	sadd.s32 $0x40, s23  }
0x94: {  	v2 =	vld [tilespmem:s22+$0x5300];
	_ =	sdelay $0x4  }
0x95: {  	v2 =	vadd.f32 $1.000000000e+00, v2;
	_ =	sdelay $0x1  }
0x96: {  	v3 =	vmul.f32 $5.000000000e-01, v2;
	v2 =	vshrl.u32 v2, $0x1  }
0x97: {  	v2 =	vsub.s32 $0x5F3759DF, v2  }
0x98: {  	v4 =	vmul.f32 v2, v3;
	_ =	sdelay $0x1  }
0x99: {  	v4 =	vmul.f32 v2, v4;
	_ =	sdelay $0x1  }
0x9a: {  	v4 =	vsub.f32 $1.500000000e+00, v4;
	_ =	sdelay $0x1  }
0x9b: {  	v2 =	vmul.f32 v2, v4;
	_ =	sdelay $0x1  }
0x9c: {  	v4 =	vmul.f32 v2, v3;
	_ =	sdelay $0x1  }
0x9d: {  	v4 =	vmul.f32 v4, v2;
	_ =	sdelay $0x1  }
0x9e: {  	v4 =	vsub.f32 $1.500000000e+00, v4;
	_ =	sdelay $0x1  }
0x9f: {  	v2 =	vmul.f32 v4, v2;
	_ =	sdelay $0x1  }
0xa0: {  	v3 =	vmul.f32 v2, v3;
	_ =	sdelay $0x1  }
0xa1: {  	v3 =	vmul.f32 v3, v2;
	_ =	sdelay $0x1  }
0xa2: {  	v3 =	vsub.f32 $1.500000000e+00, v3;
	_ =	sdelay $0x1  }
0xa3: {  	s21 =	sadd.s32 $0x1, s21;
	v2 =	vmul.f32 v3, v2  }
0xa4: {  	p0 =	sne.s32 s21, s8  }
.Ltmp2:
0xa5: {  	[tilespmem:s22+$0x5300] =	vst v2;
	(pc) =	sbr.rel @p0 .LBB2_1-.Ltmp2, $4  }
0xa6: {  	[hbm4b:s7+s3] =	stream.linear.scatter [tilespmem:s20], [sflag:$0x6], $0x140, $0x38;
	[tilespmem:$0x56C0] =	vst v63  }
0xa7: {  	_ =	swait.ge [sflag:s10], $0x140  }
0xa8: {  	[sflag:s10] =	ssyncset.done $0x0  }
0xa9: {  	[sflag:s10] =	ssyncadd.s32 $0xFFFFFEC0  }
0xaa: {  	_ =	sfence.sel $0x180000  }
0xab: {  	[bflag:$0x0] =	sbarrier.arrive $0xFFFF  }
0xac: {  	p0 =	sne.s32 s1, $0x0;
	_ =	strace $0x90000047  }
0xad: {  	s0 =	sadd.s32 @!p0 $0x100000, s0;
	[bflag:$0x2] =	sbarrier.arrive $0xFFFF  }
0xae: {  	[sflag:s0] =	ssyncadd.tile.s32 @!p0 $0x1;
	_ =	shalt  }
.Lfunc_end2:
_tile_overlayer_lowered:
.L_overlay_start_2:
0xaf: {  	(tag) =	ssettag $0x2  }
0xb0: {  	s0 =	rddreg [dreg:$0x0];
	s2 =	stileid.u32  }
0xb1: {  	s1 =	rddreg [dreg:$0x1];
	p0 =	sne.s32 s2, $0x0  }
0xb2: {  	s3 =	rddreg [dreg:$0x2];
	[bflag:$0x3] =	sbarrier.arrive $0xFFFF;
	s2 =	simm.s32 @!p0 $0x1C06  }
0xb3: {  	[timem:s3], [sflag:s2] =	dma.local @!p0 [hbm:s0], s1  }
0xb4: {  	s0 =	simm.s32 @!p0 $0x6  }
0xb5: {  	_ =	swait.ge @!p0 [sflag:s0], s1  }
0xb6: {  	s1 =	ssub.s32 @!p0 $0x0, s1;
	[sflag:s0] =	ssyncset.done @!p0 $0x0  }
0xb7: {  	[sflag:s0] =	ssyncadd.s32 @!p0 s1  }
0xb8: {  	[bflag:$0x3] =	sbarrier.arrive $0xFFFF  }
0xb9: {  	_ =	shalt  }

</sc_bundles>
